<compile_context>
chip_gen: v7x
topology: tpu7x:2x2x1
jax: 0.10.2.dev20260603
libtpu: 0.0.44.dev20260713+nightly
codegen_flags: <defaults>
</compile_context>

<pallas_src>
import functools

import jax
import jax.numpy as jnp
from jax import lax
from jax.experimental import pallas as pl
from jax.experimental.pallas import tpu as pltpu
from jax.experimental.pallas import tpu_sc as plsc

N = 10000
E = 320000
D = 128

NPAD = 10240
ROWS_PER_TILE = 640
NW = 32
CH = 128
NCH = 79

EW = NCH * CH
EPAD = NW * EW
DUMMY = N

_mesh = plsc.VectorSubcoreMesh(core_axis_name="c", subcore_axis_name="s")


@functools.partial(
    pl.kernel,
    out_type=jax.ShapeDtypeStruct((2, NPAD), jnp.float32),
    mesh=_mesh,
    scratch_types=[
        pltpu.VMEM_SHARED((NPAD,), jnp.float32),
        pltpu.VMEM((NCH, CH), jnp.int32),
        pltpu.VMEM((CH,), jnp.float32),
        pltpu.VMEM((ROWS_PER_TILE,), jnp.float32),
    ],
)
def _deg_kernel(col_hbm, zeros_hbm, out_hbm, sdeg, colv, onesv, obuf):
    c = lax.axis_index("c")
    s = lax.axis_index("s")
    wid = c * 16 + s
    base = s * ROWS_PER_TILE
    pltpu.sync_copy(zeros_hbm, sdeg.at[pl.ds(base, ROWS_PER_TILE)])
    for l in range(CH // 16):
        onesv[pl.ds(l * 16, 16)] = jnp.ones((16,), jnp.float32)
    pltpu.sync_copy(col_hbm.at[wid], colv)
    plsc.subcore_barrier()

    def body(j, carry):
        pltpu.sync_copy(onesv, sdeg.at[colv.at[j]], add=True)
        return carry

    lax.fori_loop(0, NCH, body, 0)
    plsc.subcore_barrier()
    pltpu.sync_copy(sdeg.at[pl.ds(base, ROWS_PER_TILE)], obuf)
    pltpu.sync_copy(obuf, out_hbm.at[c, pl.ds(base, ROWS_PER_TILE)])


@functools.partial(
    pl.kernel,
    out_type=jax.ShapeDtypeStruct((2, NPAD, D), jnp.float32),
    mesh=_mesh,
    scratch_types=[
        pltpu.VMEM_SHARED((NPAD, D), jnp.float32),
        pltpu.VMEM((1, CH), jnp.int32),
        pltpu.VMEM((1, CH), jnp.int32),
        pltpu.VMEM((NCH, CH), jnp.int32),
        pltpu.VMEM((CH, D), jnp.float32),
        pltpu.VMEM((CH, D), jnp.float32),
        pltpu.SemaphoreType.DMA,
        pltpu.SemaphoreType.DMA,
        pltpu.SemaphoreType.DMA,
        pltpu.SemaphoreType.DMA,
    ],
)
def _spmm_kernel(row_hbm, col_hbm, h_hbm, zeros_hbm, out_hbm,
                 sacc, ri0, ri1, colv, gbuf0, gbuf1, gsem0, gsem1,
                 isem0, isem1):
    c = lax.axis_index("c")
    s = lax.axis_index("s")
    wid = c * 16 + s
    base = s * ROWS_PER_TILE
    hsrc = h_hbm.at[c]
    pltpu.sync_copy(zeros_hbm, sacc.at[pl.ds(base, ROWS_PER_TILE)])
    pltpu.sync_copy(col_hbm.at[wid], colv)
    pltpu.sync_copy(row_hbm.at[wid, pl.ds(0, 1)], ri0)
    pltpu.sync_copy(row_hbm.at[wid, pl.ds(1, 1)], ri1)
    plsc.subcore_barrier()

    pltpu.async_copy(hsrc.at[ri0.at[0]], gbuf0, gsem0)

    def body(i, carry):
        a = 2 * i
        b = a + 1
        pltpu.async_copy(hsrc.at[ri1.at[0]], gbuf1, gsem1)
        pltpu.make_async_copy(hsrc.at[ri0.at[0]], gbuf0, gsem0).wait()
        nxt0 = jnp.minimum(a + 2, NCH - 1)
        pltpu.async_copy(row_hbm.at[wid, pl.ds(nxt0, 1)], ri0, isem0)
        pltpu.sync_copy(gbuf0, sacc.at[colv.at[a]], add=True)
        pltpu.make_async_copy(row_hbm.at[wid, pl.ds(nxt0, 1)], ri0, isem0).wait()
        pltpu.async_copy(hsrc.at[ri0.at[0]], gbuf0, gsem0)
        pltpu.make_async_copy(hsrc.at[ri1.at[0]], gbuf1, gsem1).wait()
        nxt1 = jnp.minimum(b + 2, NCH - 1)
        pltpu.async_copy(row_hbm.at[wid, pl.ds(nxt1, 1)], ri1, isem1)
        pltpu.sync_copy(gbuf1, sacc.at[colv.at[b]], add=True)
        pltpu.make_async_copy(row_hbm.at[wid, pl.ds(nxt1, 1)], ri1, isem1).wait()
        return carry

    lax.fori_loop(0, NCH // 2, body, 0)
    pltpu.make_async_copy(hsrc.at[ri0.at[0]], gbuf0, gsem0).wait()
    pltpu.sync_copy(gbuf0, sacc.at[colv.at[NCH - 1]], add=True)
    plsc.subcore_barrier()
    for k in range(ROWS_PER_TILE // 128):
        pltpu.sync_copy(sacc.at[pl.ds(base + k * 128, 128)], gbuf0)
        pltpu.sync_copy(gbuf0, out_hbm.at[c, pl.ds(base + k * 128, 128)])


_RB = 640


def _tc1_body(x_ref, w_ref, h0_ref, h1_ref, o_ref, o2_ref):
    deg = h0_ref[...] + h1_ref[...] + 1.0
    dis = lax.rsqrt(deg)
    hs = jnp.dot(x_ref[...], w_ref[...],
                 preferred_element_type=jnp.float32) * dis
    o_ref[...] = hs
    o2_ref[...] = hs


def _tc1(x, W1, h0, h1):
    return pl.pallas_call(
        _tc1_body,
        grid=(NPAD // _RB,),
        in_specs=[
            pl.BlockSpec((_RB, D), lambda i: (i, 0)),
            pl.BlockSpec((D, D), lambda i: (0, 0)),
            pl.BlockSpec((_RB, 1), lambda i: (i, 0)),
            pl.BlockSpec((_RB, 1), lambda i: (i, 0)),
        ],
        out_specs=[pl.BlockSpec((_RB, D), lambda i: (i, 0)),
                   pl.BlockSpec((_RB, D), lambda i: (i, 0))],
        out_shape=[jax.ShapeDtypeStruct((NPAD, D), jnp.float32),
                   jax.ShapeDtypeStruct((NPAD, D), jnp.float32)],
    )(x, W1, h0, h1)


def _tc2_body(a0_ref, a1_ref, hs_ref, h0_ref, h1_ref, w_ref, b_ref, o_ref, o2_ref):
    deg = h0_ref[...] + h1_ref[...] + 1.0
    dis = lax.rsqrt(deg)
    pre = dis * (a0_ref[...] + a1_ref[...] + hs_ref[...]) + b_ref[...]
    z1 = jnp.maximum(pre, 0.0)
    h2s = jnp.dot(z1, w_ref[...],
                  preferred_element_type=jnp.float32) * dis
    o_ref[...] = h2s
    o2_ref[...] = h2s


def _tc2(a0, a1, hs, h0, h1, W2, b1):
    return pl.pallas_call(
        _tc2_body,
        grid=(NPAD // _RB,),
        in_specs=[
            pl.BlockSpec((_RB, D), lambda i: (i, 0)),
            pl.BlockSpec((_RB, D), lambda i: (i, 0)),
            pl.BlockSpec((_RB, D), lambda i: (i, 0)),
            pl.BlockSpec((_RB, 1), lambda i: (i, 0)),
            pl.BlockSpec((_RB, 1), lambda i: (i, 0)),
            pl.BlockSpec((D, D), lambda i: (0, 0)),
            pl.BlockSpec((1, D), lambda i: (0, 0)),
        ],
        out_specs=[pl.BlockSpec((_RB, D), lambda i: (i, 0)),
                   pl.BlockSpec((_RB, D), lambda i: (i, 0))],
        out_shape=[jax.ShapeDtypeStruct((NPAD, D), jnp.float32),
                   jax.ShapeDtypeStruct((NPAD, D), jnp.float32)],
    )(a0, a1, hs, h0, h1, W2, b1)


def _tc3_body(a0_ref, a1_ref, hs_ref, h0_ref, h1_ref, b_ref, o_ref):
    deg = h0_ref[...] + h1_ref[...] + 1.0
    dis = lax.rsqrt(deg)
    o_ref[...] = dis * (a0_ref[...] + a1_ref[...] + hs_ref[...]) + b_ref[...]


def _tc3(a0, a1, hs, h0, h1, b2):
    return pl.pallas_call(
        _tc3_body,
        grid=(NPAD // _RB,),
        in_specs=[
            pl.BlockSpec((_RB, D), lambda i: (i, 0)),
            pl.BlockSpec((_RB, D), lambda i: (i, 0)),
            pl.BlockSpec((_RB, D), lambda i: (i, 0)),
            pl.BlockSpec((_RB, 1), lambda i: (i, 0)),
            pl.BlockSpec((_RB, 1), lambda i: (i, 0)),
            pl.BlockSpec((1, D), lambda i: (0, 0)),
        ],
        out_specs=pl.BlockSpec((_RB, D), lambda i: (i, 0)),
        out_shape=jax.ShapeDtypeStruct((NPAD, D), jnp.float32),
    )(a0, a1, hs, h0, h1, b2)


@jax.jit
def kernel(x, edge_index, W1, b1, W2, b2):
    row = edge_index[0]
    col = edge_index[1]
    row_p = jnp.concatenate(
        [row, jnp.zeros((EPAD - E,), jnp.int32)]).reshape(NW, NCH, CH)
    pad_dst = DUMMY + (jnp.arange(EPAD - E, dtype=jnp.int32) % (NPAD - N))
    col_p = jnp.concatenate([col, pad_dst]).reshape(NW, NCH, CH)

    zeros1d = jnp.zeros((ROWS_PER_TILE,), jnp.float32)
    zeros2d = jnp.zeros((ROWS_PER_TILE, D), jnp.float32)

    hist = _deg_kernel(col_p, zeros1d)
    h0 = hist[0][:, None]
    h1 = hist[1][:, None]

    x_pad = jnp.concatenate(
        [x, jnp.zeros((NPAD - N, D), jnp.float32)], axis=0)

    h1s_a, h1s_b = _tc1(x_pad, W1, h0, h1)
    h1s = jnp.stack([h1s_a, h1s_b])
    agg1 = _spmm_kernel(row_p, col_p, h1s, zeros2d)
    h2s_a, h2s_b = _tc2(agg1[0], agg1[1], h1s_a, h0, h1, W2, b1.reshape(1, D))
    h2s = jnp.stack([h2s_a, h2s_b])
    agg2 = _spmm_kernel(row_p, col_p, h2s, zeros2d)
    z = _tc3(agg2[0], agg2[1], h2s_a, h0, h1, b2.reshape(1, D))
    return z[:N]

# --- scband reference (transcript-rebuilt; emitter-appended) ---
"""Pipeline reference for scband-graph-auto-encoder-30760555774419 (READ-ONLY COPY).

The authoritative reference and input builder live on the scoring server;
editing this copy changes nothing except your own understanding.
"""

import jax, jax.numpy as jnp
import numpy as np

N = 10000
E = 320000
D_IN = 128
D_HID = 128
D_OUT = 128


def gcn_conv(x, edge_index, W, b, num_nodes):
    # Faithful PyG GCNConv: add self-loops, symmetric normalization, propagate.
    row = edge_index[0]
    col = edge_index[1]
    loop = jnp.arange(num_nodes, dtype=row.dtype)
    row = jnp.concatenate([row, loop])
    col = jnp.concatenate([col, loop])
    ew = jnp.ones(row.shape[0], dtype=x.dtype)
    deg = jax.ops.segment_sum(ew, col, num_segments=num_nodes)
    deg_inv_sqrt = jnp.where(deg > 0, deg ** -0.5, 0.0)
    norm = deg_inv_sqrt[row] * ew * deg_inv_sqrt[col]
    h = x @ W  # linear transform
    msg = h[row] * norm[:, None]  # gather + scale (message)
    out = jax.ops.segment_sum(msg, col, num_segments=num_nodes)  # scatter-add aggregate
    return out + b


def setup_inputs(seed: int = 0) -> dict:
    key = jax.random.key(seed)
    ks = jax.random.split(key, 6)
    x = jax.random.normal(ks[0], (N, D_IN), dtype=jnp.float32)
    edge_index = jax.random.randint(ks[1], (2, E), 0, N, dtype=jnp.int32)
    W1 = jax.random.normal(ks[2], (D_IN, D_HID), dtype=jnp.float32) * (1.0 / np.sqrt(D_IN))
    b1 = jnp.zeros((D_HID,), dtype=jnp.float32)
    W2 = jax.random.normal(ks[3], (D_HID, D_OUT), dtype=jnp.float32) * (1.0 / np.sqrt(D_HID))
    b2 = jnp.zeros((D_OUT,), dtype=jnp.float32)
    return {"x": x, "edge_index": edge_index, "W1": W1, "b1": b1, "W2": W2, "b2": b2}


def reference(x, edge_index, W1, b1, W2, b2):
    # GraphAutoEncoder.forward == GCNEncoder.forward (edge_weight=None)
    h = gcn_conv(x, edge_index, W1, b1, N)
    h = jax.nn.relu(h)
    z = gcn_conv(h, edge_index, W2, b2, N)
    return z

if __name__ == "__main__":
    import jax
    _d = setup_inputs()
    print(jax.jit(kernel)(*tuple(_d.values())))

</pallas_src>

<mosaic_0001>
#map = affine_map<(d0, d1) -> (0, 0, 0)>
#map1 = affine_map<(d0, d1) -> (0, 0)>
module attributes {stable_mosaic.version = 14 : i64} {
  func.func @_spmm_kernel(%arg0: i32, %arg1: i32, %arg2: memref<32x79x128xi32, #tpu.memory_space<hbm>>, %arg3: memref<32x79x128xi32, #tpu.memory_space<hbm>>, %arg4: memref<2x10240x128xf32, #tpu.memory_space<hbm>>, %arg5: memref<640x128xf32, #tpu.memory_space<hbm>>, %arg6: memref<2x10240x128xf32, #tpu.memory_space<hbm>>, %arg7: memref<10240x128xf32, #tpu.memory_space<vmem_shared>>, %arg8: memref<1x128xi32, #tpu.memory_space<vmem>>, %arg9: memref<1x128xi32, #tpu.memory_space<vmem>>, %arg10: memref<79x128xi32, #tpu.memory_space<vmem>>, %arg11: memref<128x128xf32, #tpu.memory_space<vmem>>, %arg12: memref<128x128xf32, #tpu.memory_space<vmem>>, %arg13: memref<!tpu.dma_semaphore, #tpu.memory_space<semaphore_mem>>, %arg14: memref<!tpu.dma_semaphore, #tpu.memory_space<semaphore_mem>>, %arg15: memref<!tpu.dma_semaphore, #tpu.memory_space<semaphore_mem>>, %arg16: memref<!tpu.dma_semaphore, #tpu.memory_space<semaphore_mem>>) attributes {dimension_semantics = [#tpu.dimension_semantics<core_parallel>, #tpu.dimension_semantics<subcore_parallel>], iteration_bounds = array<i64: 2, 16>, scalar_prefetch = 0 : i64, scratch_operands = 10 : i64, tpu.core_type = #tpu.core_type<sc_vector_subcore>, window_params = [{transform_indices = #map}, {transform_indices = #map}, {transform_indices = #map}, {transform_indices = #map1}, {transform_indices = #map}]} {
    %mul3A = arith.constant 16 : i32
    %mul3A_0 = arith.muli %arg0, %mul3A : i32
    %add3A = arith.addi %mul3A_0, %arg1 : i32
    %mul3A_1 = arith.constant 640 : i32
    %mul3A_2 = arith.muli %arg1, %mul3A_1 : i32
    "tpu.region"() ({
      %run_scoped3A_49 = tpu.sem_alloc : memref<!tpu.dma_semaphore, #tpu.memory_space<semaphore_mem>>
      %dma_start3A_50 = arith.constant 0 : i32
      %dma_start3A_51 = tpu.memref_slice %arg7[%mul3A_2, %dma_start3A_50] : memref<10240x128xf32, #tpu.memory_space<vmem_shared>> -> memref<640x128xf32, #tpu.memory_space<vmem_shared>>
      tpu.enqueue_dma source(%arg5 : memref<640x128xf32, #tpu.memory_space<hbm>>) target(%dma_start3A_51 : memref<640x128xf32, #tpu.memory_space<vmem_shared>>) target_semaphore(%run_scoped3A_49 : memref<!tpu.dma_semaphore, #tpu.memory_space<semaphore_mem>>)
      %dma_wait3A_52 = arith.constant 0 : i32
      %dma_wait3A_53 = tpu.memref_slice %arg7[%mul3A_2, %dma_wait3A_52] : memref<10240x128xf32, #tpu.memory_space<vmem_shared>> -> memref<640x128xf32, #tpu.memory_space<vmem_shared>>
      tpu.wait_dma2 semaphore(%run_scoped3A_49 : memref<!tpu.dma_semaphore, #tpu.memory_space<semaphore_mem>>) src(%arg5 : memref<640x128xf32, #tpu.memory_space<hbm>>) dst(%dma_wait3A_53 : memref<640x128xf32, #tpu.memory_space<vmem_shared>>)
      tpu.yield
    }) : () -> ()
    "tpu.region"() ({
      %run_scoped3A_49 = tpu.sem_alloc : memref<!tpu.dma_semaphore, #tpu.memory_space<semaphore_mem>>
      %dma_start3A_50 = arith.constant 0 : i32
      %dma_start3A_51 = arith.constant 0 : i32
      %dma_start3A_52 = tpu.memref_slice %arg3[%add3A, %dma_start3A_50, %dma_start3A_51] : memref<32x79x128xi32, #tpu.memory_space<hbm>> -> memref<1x79x128xi32, #tpu.memory_space<hbm>>
      %dma_start3A_53 = tpu.memref_squeeze %dma_start3A_52 : memref<1x79x128xi32, #tpu.memory_space<hbm>> -> memref<79x128xi32, #tpu.memory_space<hbm>>
      %dma_start3A_54 = arith.constant 0 : i32
      %dma_start3A_55 = arith.constant 0 : i32
      %dma_start3A_56 = tpu.memref_slice %arg3[%add3A, %dma_start3A_54, %dma_start3A_55] : memref<32x79x128xi32, #tpu.memory_space<hbm>> -> memref<1x79x128xi32, #tpu.memory_space<hbm>>
      %dma_start3A_57 = tpu.memref_squeeze %dma_start3A_56 : memref<1x79x128xi32, #tpu.memory_space<hbm>> -> memref<79x128xi32, #tpu.memory_space<hbm>>
      tpu.enqueue_dma source(%dma_start3A_57 : memref<79x128xi32, #tpu.memory_space<hbm>>) target(%arg10 : memref<79x128xi32, #tpu.memory_space<vmem>>) target_semaphore(%run_scoped3A_49 : memref<!tpu.dma_semaphore, #tpu.memory_space<semaphore_mem>>)
      %dma_wait3A_58 = arith.constant 0 : i32
      %dma_wait3A_59 = arith.constant 0 : i32
      %dma_wait3A_60 = tpu.memref_slice %arg3[%add3A, %dma_wait3A_58, %dma_wait3A_59] : memref<32x79x128xi32, #tpu.memory_space<hbm>> -> memref<1x79x128xi32, #tpu.memory_space<hbm>>
      %dma_wait3A_61 = tpu.memref_squeeze %dma_wait3A_60 : memref<1x79x128xi32, #tpu.memory_space<hbm>> -> memref<79x128xi32, #tpu.memory_space<hbm>>
      %dma_wait3A_62 = arith.constant 0 : i32
      %dma_wait3A_63 = arith.constant 0 : i32
      %dma_wait3A_64 = tpu.memref_slice %arg3[%add3A, %dma_wait3A_62, %dma_wait3A_63] : memref<32x79x128xi32, #tpu.memory_space<hbm>> -> memref<1x79x128xi32, #tpu.memory_space<hbm>>
      %dma_wait3A_65 = tpu.memref_squeeze %dma_wait3A_64 : memref<1x79x128xi32, #tpu.memory_space<hbm>> -> memref<79x128xi32, #tpu.memory_space<hbm>>
      tpu.wait_dma2 semaphore(%run_scoped3A_49 : memref<!tpu.dma_semaphore, #tpu.memory_space<semaphore_mem>>) src(%dma_wait3A_65 : memref<79x128xi32, #tpu.memory_space<hbm>>) dst(%arg10 : memref<79x128xi32, #tpu.memory_space<vmem>>)
      tpu.yield
    }) : () -> ()
    "tpu.region"() ({
      %run_scoped3A_49 = tpu.sem_alloc : memref<!tpu.dma_semaphore, #tpu.memory_space<semaphore_mem>>
      %dma_start3A_50 = arith.constant 0 : i32
      %dma_start3A_51 = arith.constant 0 : i32
      %dma_start3A_52 = tpu.memref_slice %arg2[%add3A, %dma_start3A_50, %dma_start3A_51] : memref<32x79x128xi32, #tpu.memory_space<hbm>> -> memref<1x1x128xi32, #tpu.memory_space<hbm>>
      %dma_start3A_53 = tpu.memref_squeeze %dma_start3A_52 : memref<1x1x128xi32, #tpu.memory_space<hbm>> -> memref<1x128xi32, #tpu.memory_space<hbm>>
      %dma_start3A_54 = arith.constant 0 : i32
      %dma_start3A_55 = arith.constant 0 : i32
      %dma_start3A_56 = tpu.memref_slice %arg2[%add3A, %dma_start3A_54, %dma_start3A_55] : memref<32x79x128xi32, #tpu.memory_space<hbm>> -> memref<1x1x128xi32, #tpu.memory_space<hbm>>
      %dma_start3A_57 = tpu.memref_squeeze %dma_start3A_56 : memref<1x1x128xi32, #tpu.memory_space<hbm>> -> memref<1x128xi32, #tpu.memory_space<hbm>>
      tpu.enqueue_dma source(%dma_start3A_57 : memref<1x128xi32, #tpu.memory_space<hbm>>) target(%arg8 : memref<1x128xi32, #tpu.memory_space<vmem>>) target_semaphore(%run_scoped3A_49 : memref<!tpu.dma_semaphore, #tpu.memory_space<semaphore_mem>>)
      %dma_wait3A_58 = arith.constant 0 : i32
      %dma_wait3A_59 = arith.constant 0 : i32
      %dma_wait3A_60 = tpu.memref_slice %arg2[%add3A, %dma_wait3A_58, %dma_wait3A_59] : memref<32x79x128xi32, #tpu.memory_space<hbm>> -> memref<1x1x128xi32, #tpu.memory_space<hbm>>
      %dma_wait3A_61 = tpu.memref_squeeze %dma_wait3A_60 : memref<1x1x128xi32, #tpu.memory_space<hbm>> -> memref<1x128xi32, #tpu.memory_space<hbm>>
      %dma_wait3A_62 = arith.constant 0 : i32
      %dma_wait3A_63 = arith.constant 0 : i32
      %dma_wait3A_64 = tpu.memref_slice %arg2[%add3A, %dma_wait3A_62, %dma_wait3A_63] : memref<32x79x128xi32, #tpu.memory_space<hbm>> -> memref<1x1x128xi32, #tpu.memory_space<hbm>>
      %dma_wait3A_65 = tpu.memref_squeeze %dma_wait3A_64 : memref<1x1x128xi32, #tpu.memory_space<hbm>> -> memref<1x128xi32, #tpu.memory_space<hbm>>
      tpu.wait_dma2 semaphore(%run_scoped3A_49 : memref<!tpu.dma_semaphore, #tpu.memory_space<semaphore_mem>>) src(%dma_wait3A_65 : memref<1x128xi32, #tpu.memory_space<hbm>>) dst(%arg8 : memref<1x128xi32, #tpu.memory_space<vmem>>)
      tpu.yield
    }) : () -> ()
    "tpu.region"() ({
      %run_scoped3A_49 = tpu.sem_alloc : memref<!tpu.dma_semaphore, #tpu.memory_space<semaphore_mem>>
      %dma_start3A_50 = arith.constant 1 : i32
      %dma_start3A_51 = arith.constant 0 : i32
      %dma_start3A_52 = tpu.memref_slice %arg2[%add3A, %dma_start3A_50, %dma_start3A_51] : memref<32x79x128xi32, #tpu.memory_space<hbm>> -> memref<1x1x128xi32, #tpu.memory_space<hbm>>
      %dma_start3A_53 = tpu.memref_squeeze %dma_start3A_52 : memref<1x1x128xi32, #tpu.memory_space<hbm>> -> memref<1x128xi32, #tpu.memory_space<hbm>>
      %dma_start3A_54 = arith.constant 1 : i32
      %dma_start3A_55 = arith.constant 0 : i32
      %dma_start3A_56 = tpu.memref_slice %arg2[%add3A, %dma_start3A_54, %dma_start3A_55] : memref<32x79x128xi32, #tpu.memory_space<hbm>> -> memref<1x1x128xi32, #tpu.memory_space<hbm>>
      %dma_start3A_57 = tpu.memref_squeeze %dma_start3A_56 : memref<1x1x128xi32, #tpu.memory_space<hbm>> -> memref<1x128xi32, #tpu.memory_space<hbm>>
      tpu.enqueue_dma source(%dma_start3A_57 : memref<1x128xi32, #tpu.memory_space<hbm>>) target(%arg9 : memref<1x128xi32, #tpu.memory_space<vmem>>) target_semaphore(%run_scoped3A_49 : memref<!tpu.dma_semaphore, #tpu.memory_space<semaphore_mem>>)
      %dma_wait3A_58 = arith.constant 1 : i32
      %dma_wait3A_59 = arith.constant 0 : i32
      %dma_wait3A_60 = tpu.memref_slice %arg2[%add3A, %dma_wait3A_58, %dma_wait3A_59] : memref<32x79x128xi32, #tpu.memory_space<hbm>> -> memref<1x1x128xi32, #tpu.memory_space<hbm>>
      %dma_wait3A_61 = tpu.memref_squeeze %dma_wait3A_60 : memref<1x1x128xi32, #tpu.memory_space<hbm>> -> memref<1x128xi32, #tpu.memory_space<hbm>>
      %dma_wait3A_62 = arith.constant 1 : i32
      %dma_wait3A_63 = arith.constant 0 : i32
      %dma_wait3A_64 = tpu.memref_slice %arg2[%add3A, %dma_wait3A_62, %dma_wait3A_63] : memref<32x79x128xi32, #tpu.memory_space<hbm>> -> memref<1x1x128xi32, #tpu.memory_space<hbm>>
      %dma_wait3A_65 = tpu.memref_squeeze %dma_wait3A_64 : memref<1x1x128xi32, #tpu.memory_space<hbm>> -> memref<1x128xi32, #tpu.memory_space<hbm>>
      tpu.wait_dma2 semaphore(%run_scoped3A_49 : memref<!tpu.dma_semaphore, #tpu.memory_space<semaphore_mem>>) src(%dma_wait3A_65 : memref<1x128xi32, #tpu.memory_space<hbm>>) dst(%arg9 : memref<1x128xi32, #tpu.memory_space<vmem>>)
      tpu.yield
    }) : () -> ()
    %barrier3A = arith.constant 0 : index
    tpu.barrier barrier_id(%barrier3A)
    %dma_start3A = arith.constant 0 : i32
    %dma_start3A_3 = arith.constant 0 : i32
    %dma_start3A_4 = tpu.memref_slice %arg8[%dma_start3A, %dma_start3A_3] : memref<1x128xi32, #tpu.memory_space<vmem>> -> memref<1x128xi32, #tpu.memory_space<vmem>>
    %dma_start3A_5 = tpu.memref_squeeze %dma_start3A_4 : memref<1x128xi32, #tpu.memory_space<vmem>> -> memref<128xi32, #tpu.memory_space<vmem>>
    %dma_start3A_6 = arith.constant 0 : i32
    %dma_start3A_7 = arith.constant 0 : i32
    %dma_start3A_8 = tpu.memref_slice %arg4[%arg0, %dma_start3A_6, %dma_start3A_7] : memref<2x10240x128xf32, #tpu.memory_space<hbm>> -> memref<1x10240x128xf32, #tpu.memory_space<hbm>>
    %dma_start3A_9 = tpu.memref_squeeze %dma_start3A_8 : memref<1x10240x128xf32, #tpu.memory_space<hbm>> -> memref<10240x128xf32, #tpu.memory_space<hbm>>
    %dma_start3A_10 = arith.constant 0 : i32
    %dma_start3A_11 = arith.constant 0 : i32
    %dma_start3A_12 = tpu.memref_slice %dma_start3A_9[%dma_start3A_10, %dma_start3A_11] : memref<10240x128xf32, #tpu.memory_space<hbm>> -> memref<10240x128xf32, #tpu.memory_space<hbm>>
    tpu.enqueue_indirect_dma source(%dma_start3A_12 : memref<10240x128xf32, #tpu.memory_space<hbm>>) target(%arg11 : memref<128x128xf32, #tpu.memory_space<vmem>>) offsets(%dma_start3A_5 : memref<128xi32, #tpu.memory_space<vmem>>) semaphore(%arg13 : memref<!tpu.dma_semaphore, #tpu.memory_space<semaphore_mem>>)
    %scan3A = arith.constant 0 : i32
    %scan3A_13 = arith.constant 0 : i32
    %scan3A_14 = arith.constant 39 : i32
    %scan3A_15 = arith.addi %scan3A_13, %scan3A_14 : i32
    %scan3A_16 = arith.constant 1 : i32
    scf.for %scan3A_49 = %scan3A_13 to %scan3A_15 step %scan3A_16  : i32 {
      %mul3A_50 = arith.constant 2 : i32
      %mul3A_51 = arith.muli %mul3A_50, %scan3A_49 : i32
      %add3A_52 = arith.constant 1 : i32
      %add3A_53 = arith.addi %mul3A_51, %add3A_52 : i32
      %dma_start3A_54 = arith.constant 0 : i32
      %dma_start3A_55 = arith.constant 0 : i32
      %dma_start3A_56 = tpu.memref_slice %arg9[%dma_start3A_54, %dma_start3A_55] : memref<1x128xi32, #tpu.memory_space<vmem>> -> memref<1x128xi32, #tpu.memory_space<vmem>>
      %dma_start3A_57 = tpu.memref_squeeze %dma_start3A_56 : memref<1x128xi32, #tpu.memory_space<vmem>> -> memref<128xi32, #tpu.memory_space<vmem>>
      %dma_start3A_58 = arith.constant 0 : i32
      %dma_start3A_59 = arith.constant 0 : i32
      %dma_start3A_60 = tpu.memref_slice %arg4[%arg0, %dma_start3A_58, %dma_start3A_59] : memref<2x10240x128xf32, #tpu.memory_space<hbm>> -> memref<1x10240x128xf32, #tpu.memory_space<hbm>>
      %dma_start3A_61 = tpu.memref_squeeze %dma_start3A_60 : memref<1x10240x128xf32, #tpu.memory_space<hbm>> -> memref<10240x128xf32, #tpu.memory_space<hbm>>
      %dma_start3A_62 = arith.constant 0 : i32
      %dma_start3A_63 = arith.constant 0 : i32
      %dma_start3A_64 = tpu.memref_slice %dma_start3A_61[%dma_start3A_62, %dma_start3A_63] : memref<10240x128xf32, #tpu.memory_space<hbm>> -> memref<10240x128xf32, #tpu.memory_space<hbm>>
      tpu.enqueue_indirect_dma source(%dma_start3A_64 : memref<10240x128xf32, #tpu.memory_space<hbm>>) target(%arg12 : memref<128x128xf32, #tpu.memory_space<vmem>>) offsets(%dma_start3A_57 : memref<128xi32, #tpu.memory_space<vmem>>) semaphore(%arg14 : memref<!tpu.dma_semaphore, #tpu.memory_space<semaphore_mem>>)
      %dma_wait3A_65 = arith.constant 0 : i32
      %dma_wait3A_66 = arith.constant 0 : i32
      %dma_wait3A_67 = tpu.memref_slice %arg8[%dma_wait3A_65, %dma_wait3A_66] : memref<1x128xi32, #tpu.memory_space<vmem>> -> memref<1x128xi32, #tpu.memory_space<vmem>>
      %dma_wait3A_68 = tpu.memref_squeeze %dma_wait3A_67 : memref<1x128xi32, #tpu.memory_space<vmem>> -> memref<128xi32, #tpu.memory_space<vmem>>
      %dma_wait3A_69 = arith.constant 0 : i32
      %dma_wait3A_70 = arith.constant 0 : i32
      %dma_wait3A_71 = tpu.memref_slice %arg4[%arg0, %dma_wait3A_69, %dma_wait3A_70] : memref<2x10240x128xf32, #tpu.memory_space<hbm>> -> memref<1x10240x128xf32, #tpu.memory_space<hbm>>
      %dma_wait3A_72 = tpu.memref_squeeze %dma_wait3A_71 : memref<1x10240x128xf32, #tpu.memory_space<hbm>> -> memref<10240x128xf32, #tpu.memory_space<hbm>>
      %dma_wait3A_73 = arith.constant 0 : i32
      %dma_wait3A_74 = arith.constant 0 : i32
      %dma_wait3A_75 = tpu.memref_slice %dma_wait3A_72[%dma_wait3A_73, %dma_wait3A_74] : memref<10240x128xf32, #tpu.memory_space<hbm>> -> memref<10240x128xf32, #tpu.memory_space<hbm>>
      tpu.wait_indirect_dma semaphore(%arg13 : memref<!tpu.dma_semaphore, #tpu.memory_space<semaphore_mem>>) src(%dma_wait3A_75 : memref<10240x128xf32, #tpu.memory_space<hbm>>) dst(%arg11 : memref<128x128xf32, #tpu.memory_space<vmem>>)
      %add3A_76 = arith.constant 2 : i32
      %add3A_77 = arith.addi %mul3A_51, %add3A_76 : i32
      %min3A = arith.constant 78 : i32
      %min3A_78 = arith.minsi %add3A_77, %min3A : i32
      %dma_start3A_79 = arith.constant 0 : i32
      %dma_start3A_80 = tpu.memref_slice %arg2[%add3A, %min3A_78, %dma_start3A_79] : memref<32x79x128xi32, #tpu.memory_space<hbm>> -> memref<1x1x128xi32, #tpu.memory_space<hbm>>
      %dma_start3A_81 = tpu.memref_squeeze %dma_start3A_80 : memref<1x1x128xi32, #tpu.memory_space<hbm>> -> memref<1x128xi32, #tpu.memory_space<hbm>>
      %dma_start3A_82 = arith.constant 0 : i32
      %dma_start3A_83 = tpu.memref_slice %arg2[%add3A, %min3A_78, %dma_start3A_82] : memref<32x79x128xi32, #tpu.memory_space<hbm>> -> memref<1x1x128xi32, #tpu.memory_space<hbm>>
      %dma_start3A_84 = tpu.memref_squeeze %dma_start3A_83 : memref<1x1x128xi32, #tpu.memory_space<hbm>> -> memref<1x128xi32, #tpu.memory_space<hbm>>
      tpu.enqueue_dma source(%dma_start3A_84 : memref<1x128xi32, #tpu.memory_space<hbm>>) target(%arg8 : memref<1x128xi32, #tpu.memory_space<vmem>>) target_semaphore(%arg15 : memref<!tpu.dma_semaphore, #tpu.memory_space<semaphore_mem>>)
      "tpu.region"() ({
        %run_scoped3A_129 = tpu.sem_alloc : memref<!tpu.dma_semaphore, #tpu.memory_space<semaphore_mem>>
        %dma_start3A_130 = arith.constant 0 : i32
        %dma_start3A_131 = tpu.memref_slice %arg10[%mul3A_51, %dma_start3A_130] : memref<79x128xi32, #tpu.memory_space<vmem>> -> memref<1x128xi32, #tpu.memory_space<vmem>>
        %dma_start3A_132 = tpu.memref_squeeze %dma_start3A_131 : memref<1x128xi32, #tpu.memory_space<vmem>> -> memref<128xi32, #tpu.memory_space<vmem>>
        %dma_start3A_133 = arith.constant 0 : i32
        %dma_start3A_134 = arith.constant 0 : i32
        %dma_start3A_135 = tpu.memref_slice %arg7[%dma_start3A_133, %dma_start3A_134] : memref<10240x128xf32, #tpu.memory_space<vmem_shared>> -> memref<10240x128xf32, #tpu.memory_space<vmem_shared>>
        tpu.enqueue_indirect_dma source(%arg11 : memref<128x128xf32, #tpu.memory_space<vmem>>) target(%dma_start3A_135 : memref<10240x128xf32, #tpu.memory_space<vmem_shared>>) offsets(%dma_start3A_132 : memref<128xi32, #tpu.memory_space<vmem>>) semaphore(%run_scoped3A_129 : memref<!tpu.dma_semaphore, #tpu.memory_space<semaphore_mem>>) {add = true}
        %dma_wait3A_136 = arith.constant 0 : i32
        %dma_wait3A_137 = tpu.memref_slice %arg10[%mul3A_51, %dma_wait3A_136] : memref<79x128xi32, #tpu.memory_space<vmem>> -> memref<1x128xi32, #tpu.memory_space<vmem>>
        %dma_wait3A_138 = tpu.memref_squeeze %dma_wait3A_137 : memref<1x128xi32, #tpu.memory_space<vmem>> -> memref<128xi32, #tpu.memory_space<vmem>>
        %dma_wait3A_139 = arith.constant 0 : i32
        %dma_wait3A_140 = arith.constant 0 : i32
        %dma_wait3A_141 = tpu.memref_slice %arg7[%dma_wait3A_139, %dma_wait3A_140] : memref<10240x128xf32, #tpu.memory_space<vmem_shared>> -> memref<10240x128xf32, #tpu.memory_space<vmem_shared>>
        tpu.wait_indirect_dma semaphore(%run_scoped3A_129 : memref<!tpu.dma_semaphore, #tpu.memory_space<semaphore_mem>>) src(%arg11 : memref<128x128xf32, #tpu.memory_space<vmem>>) dst(%dma_wait3A_141 : memref<10240x128xf32, #tpu.memory_space<vmem_shared>>)
        tpu.yield
      }) : () -> ()
      %dma_wait3A_85 = arith.constant 0 : i32
      %dma_wait3A_86 = tpu.memref_slice %arg2[%add3A, %min3A_78, %dma_wait3A_85] : memref<32x79x128xi32, #tpu.memory_space<hbm>> -> memref<1x1x128xi32, #tpu.memory_space<hbm>>
      %dma_wait3A_87 = tpu.memref_squeeze %dma_wait3A_86 : memref<1x1x128xi32, #tpu.memory_space<hbm>> -> memref<1x128xi32, #tpu.memory_space<hbm>>
      %dma_wait3A_88 = arith.constant 0 : i32
      %dma_wait3A_89 = tpu.memref_slice %arg2[%add3A, %min3A_78, %dma_wait3A_88] : memref<32x79x128xi32, #tpu.memory_space<hbm>> -> memref<1x1x128xi32, #tpu.memory_space<hbm>>
      %dma_wait3A_90 = tpu.memref_squeeze %dma_wait3A_89 : memref<1x1x128xi32, #tpu.memory_space<hbm>> -> memref<1x128xi32, #tpu.memory_space<hbm>>
      tpu.wait_dma2 semaphore(%arg15 : memref<!tpu.dma_semaphore, #tpu.memory_space<semaphore_mem>>) src(%dma_wait3A_90 : memref<1x128xi32, #tpu.memory_space<hbm>>) dst(%arg8 : memref<1x128xi32, #tpu.memory_space<vmem>>)
      %dma_start3A_91 = arith.constant 0 : i32
      %dma_start3A_92 = arith.constant 0 : i32
      %dma_start3A_93 = tpu.memref_slice %arg8[%dma_start3A_91, %dma_start3A_92] : memref<1x128xi32, #tpu.memory_space<vmem>> -> memref<1x128xi32, #tpu.memory_space<vmem>>
      %dma_start3A_94 = tpu.memref_squeeze %dma_start3A_93 : memref<1x128xi32, #tpu.memory_space<vmem>> -> memref<128xi32, #tpu.memory_space<vmem>>
      %dma_start3A_95 = arith.constant 0 : i32
      %dma_start3A_96 = arith.constant 0 : i32
      %dma_start3A_97 = tpu.memref_slice %arg4[%arg0, %dma_start3A_95, %dma_start3A_96] : memref<2x10240x128xf32, #tpu.memory_space<hbm>> -> memref<1x10240x128xf32, #tpu.memory_space<hbm>>
      %dma_start3A_98 = tpu.memref_squeeze %dma_start3A_97 : memref<1x10240x128xf32, #tpu.memory_space<hbm>> -> memref<10240x128xf32, #tpu.memory_space<hbm>>
      %dma_start3A_99 = arith.constant 0 : i32
      %dma_start3A_100 = arith.constant 0 : i32
      %dma_start3A_101 = tpu.memref_slice %dma_start3A_98[%dma_start3A_99, %dma_start3A_100] : memref<10240x128xf32, #tpu.memory_space<hbm>> -> memref<10240x128xf32, #tpu.memory_space<hbm>>
      tpu.enqueue_indirect_dma source(%dma_start3A_101 : memref<10240x128xf32, #tpu.memory_space<hbm>>) target(%arg11 : memref<128x128xf32, #tpu.memory_space<vmem>>) offsets(%dma_start3A_94 : memref<128xi32, #tpu.memory_space<vmem>>) semaphore(%arg13 : memref<!tpu.dma_semaphore, #tpu.memory_space<semaphore_mem>>)
      %dma_wait3A_102 = arith.constant 0 : i32
      %dma_wait3A_103 = arith.constant 0 : i32
      %dma_wait3A_104 = tpu.memref_slice %arg9[%dma_wait3A_102, %dma_wait3A_103] : memref<1x128xi32, #tpu.memory_space<vmem>> -> memref<1x128xi32, #tpu.memory_space<vmem>>
      %dma_wait3A_105 = tpu.memref_squeeze %dma_wait3A_104 : memref<1x128xi32, #tpu.memory_space<vmem>> -> memref<128xi32, #tpu.memory_space<vmem>>
      %dma_wait3A_106 = arith.constant 0 : i32
      %dma_wait3A_107 = arith.constant 0 : i32
      %dma_wait3A_108 = tpu.memref_slice %arg4[%arg0, %dma_wait3A_106, %dma_wait3A_107] : memref<2x10240x128xf32, #tpu.memory_space<hbm>> -> memref<1x10240x128xf32, #tpu.memory_space<hbm>>
      %dma_wait3A_109 = tpu.memref_squeeze %dma_wait3A_108 : memref<1x10240x128xf32, #tpu.memory_space<hbm>> -> memref<10240x128xf32, #tpu.memory_space<hbm>>
      %dma_wait3A_110 = arith.constant 0 : i32
      %dma_wait3A_111 = arith.constant 0 : i32
      %dma_wait3A_112 = tpu.memref_slice %dma_wait3A_109[%dma_wait3A_110, %dma_wait3A_111] : memref<10240x128xf32, #tpu.memory_space<hbm>> -> memref<10240x128xf32, #tpu.memory_space<hbm>>
      tpu.wait_indirect_dma semaphore(%arg14 : memref<!tpu.dma_semaphore, #tpu.memory_space<semaphore_mem>>) src(%dma_wait3A_112 : memref<10240x128xf32, #tpu.memory_space<hbm>>) dst(%arg12 : memref<128x128xf32, #tpu.memory_space<vmem>>)
      %add3A_113 = arith.constant 2 : i32
      %add3A_114 = arith.addi %add3A_53, %add3A_113 : i32
      %min3A_115 = arith.constant 78 : i32
      %min3A_116 = arith.minsi %add3A_114, %min3A_115 : i32
      %dma_start3A_117 = arith.constant 0 : i32
      %dma_start3A_118 = tpu.memref_slice %arg2[%add3A, %min3A_116, %dma_start3A_117] : memref<32x79x128xi32, #tpu.memory_space<hbm>> -> memref<1x1x128xi32, #tpu.memory_space<hbm>>
      %dma_start3A_119 = tpu.memref_squeeze %dma_start3A_118 : memref<1x1x128xi32, #tpu.memory_space<hbm>> -> memref<1x128xi32, #tpu.memory_space<hbm>>
      %dma_start3A_120 = arith.constant 0 : i32
      %dma_start3A_121 = tpu.memref_slice %arg2[%add3A, %min3A_116, %dma_start3A_120] : memref<32x79x128xi32, #tpu.memory_space<hbm>> -> memref<1x1x128xi32, #tpu.memory_space<hbm>>
      %dma_start3A_122 = tpu.memref_squeeze %dma_start3A_121 : memref<1x1x128xi32, #tpu.memory_space<hbm>> -> memref<1x128xi32, #tpu.memory_space<hbm>>
      tpu.enqueue_dma source(%dma_start3A_122 : memref<1x128xi32, #tpu.memory_space<hbm>>) target(%arg9 : memref<1x128xi32, #tpu.memory_space<vmem>>) target_semaphore(%arg16 : memref<!tpu.dma_semaphore, #tpu.memory_space<semaphore_mem>>)
      "tpu.region"() ({
        %run_scoped3A_129 = tpu.sem_alloc : memref<!tpu.dma_semaphore, #tpu.memory_space<semaphore_mem>>
        %dma_start3A_130 = arith.constant 0 : i32
        %dma_start3A_131 = tpu.memref_slice %arg10[%add3A_53, %dma_start3A_130] : memref<79x128xi32, #tpu.memory_space<vmem>> -> memref<1x128xi32, #tpu.memory_space<vmem>>
        %dma_start3A_132 = tpu.memref_squeeze %dma_start3A_131 : memref<1x128xi32, #tpu.memory_space<vmem>> -> memref<128xi32, #tpu.memory_space<vmem>>
        %dma_start3A_133 = arith.constant 0 : i32
        %dma_start3A_134 = arith.constant 0 : i32
        %dma_start3A_135 = tpu.memref_slice %arg7[%dma_start3A_133, %dma_start3A_134] : memref<10240x128xf32, #tpu.memory_space<vmem_shared>> -> memref<10240x128xf32, #tpu.memory_space<vmem_shared>>
        tpu.enqueue_indirect_dma source(%arg12 : memref<128x128xf32, #tpu.memory_space<vmem>>) target(%dma_start3A_135 : memref<10240x128xf32, #tpu.memory_space<vmem_shared>>) offsets(%dma_start3A_132 : memref<128xi32, #tpu.memory_space<vmem>>) semaphore(%run_scoped3A_129 : memref<!tpu.dma_semaphore, #tpu.memory_space<semaphore_mem>>) {add = true}
        %dma_wait3A_136 = arith.constant 0 : i32
        %dma_wait3A_137 = tpu.memref_slice %arg10[%add3A_53, %dma_wait3A_136] : memref<79x128xi32, #tpu.memory_space<vmem>> -> memref<1x128xi32, #tpu.memory_space<vmem>>
        %dma_wait3A_138 = tpu.memref_squeeze %dma_wait3A_137 : memref<1x128xi32, #tpu.memory_space<vmem>> -> memref<128xi32, #tpu.memory_space<vmem>>
        %dma_wait3A_139 = arith.constant 0 : i32
        %dma_wait3A_140 = arith.constant 0 : i32
        %dma_wait3A_141 = tpu.memref_slice %arg7[%dma_wait3A_139, %dma_wait3A_140] : memref<10240x128xf32, #tpu.memory_space<vmem_shared>> -> memref<10240x128xf32, #tpu.memory_space<vmem_shared>>
        tpu.wait_indirect_dma semaphore(%run_scoped3A_129 : memref<!tpu.dma_semaphore, #tpu.memory_space<semaphore_mem>>) src(%arg12 : memref<128x128xf32, #tpu.memory_space<vmem>>) dst(%dma_wait3A_141 : memref<10240x128xf32, #tpu.memory_space<vmem_shared>>)
        tpu.yield
      }) : () -> ()
      %dma_wait3A_123 = arith.constant 0 : i32
      %dma_wait3A_124 = tpu.memref_slice %arg2[%add3A, %min3A_116, %dma_wait3A_123] : memref<32x79x128xi32, #tpu.memory_space<hbm>> -> memref<1x1x128xi32, #tpu.memory_space<hbm>>
      %dma_wait3A_125 = tpu.memref_squeeze %dma_wait3A_124 : memref<1x1x128xi32, #tpu.memory_space<hbm>> -> memref<1x128xi32, #tpu.memory_space<hbm>>
      %dma_wait3A_126 = arith.constant 0 : i32
      %dma_wait3A_127 = tpu.memref_slice %arg2[%add3A, %min3A_116, %dma_wait3A_126] : memref<32x79x128xi32, #tpu.memory_space<hbm>> -> memref<1x1x128xi32, #tpu.memory_space<hbm>>
      %dma_wait3A_128 = tpu.memref_squeeze %dma_wait3A_127 : memref<1x1x128xi32, #tpu.memory_space<hbm>> -> memref<1x128xi32, #tpu.memory_space<hbm>>
      tpu.wait_dma2 semaphore(%arg16 : memref<!tpu.dma_semaphore, #tpu.memory_space<semaphore_mem>>) src(%dma_wait3A_128 : memref<1x128xi32, #tpu.memory_space<hbm>>) dst(%arg9 : memref<1x128xi32, #tpu.memory_space<vmem>>)
    }
    %scan3A_17 = arith.constant 39 : i32
    %dma_wait3A = arith.constant 0 : i32
    %dma_wait3A_18 = arith.constant 0 : i32
    %dma_wait3A_19 = tpu.memref_slice %arg8[%dma_wait3A, %dma_wait3A_18] : memref<1x128xi32, #tpu.memory_space<vmem>> -> memref<1x128xi32, #tpu.memory_space<vmem>>
    %dma_wait3A_20 = tpu.memref_squeeze %dma_wait3A_19 : memref<1x128xi32, #tpu.memory_space<vmem>> -> memref<128xi32, #tpu.memory_space<vmem>>
    %dma_wait3A_21 = arith.constant 0 : i32
    %dma_wait3A_22 = arith.constant 0 : i32
    %dma_wait3A_23 = tpu.memref_slice %arg4[%arg0, %dma_wait3A_21, %dma_wait3A_22] : memref<2x10240x128xf32, #tpu.memory_space<hbm>> -> memref<1x10240x128xf32, #tpu.memory_space<hbm>>
    %dma_wait3A_24 = tpu.memref_squeeze %dma_wait3A_23 : memref<1x10240x128xf32, #tpu.memory_space<hbm>> -> memref<10240x128xf32, #tpu.memory_space<hbm>>
    %dma_wait3A_25 = arith.constant 0 : i32
    %dma_wait3A_26 = arith.constant 0 : i32
    %dma_wait3A_27 = tpu.memref_slice %dma_wait3A_24[%dma_wait3A_25, %dma_wait3A_26] : memref<10240x128xf32, #tpu.memory_space<hbm>> -> memref<10240x128xf32, #tpu.memory_space<hbm>>
    tpu.wait_indirect_dma semaphore(%arg13 : memref<!tpu.dma_semaphore, #tpu.memory_space<semaphore_mem>>) src(%dma_wait3A_27 : memref<10240x128xf32, #tpu.memory_space<hbm>>) dst(%arg11 : memref<128x128xf32, #tpu.memory_space<vmem>>)
    %run_scoped3A = arith.constant 78 : i32
    "tpu.region"() ({
      %run_scoped3A_49 = tpu.sem_alloc : memref<!tpu.dma_semaphore, #tpu.memory_space<semaphore_mem>>
      %dma_start3A_50 = arith.constant 0 : i32
      %dma_start3A_51 = tpu.memref_slice %arg10[%run_scoped3A, %dma_start3A_50] : memref<79x128xi32, #tpu.memory_space<vmem>> -> memref<1x128xi32, #tpu.memory_space<vmem>>
      %dma_start3A_52 = tpu.memref_squeeze %dma_start3A_51 : memref<1x128xi32, #tpu.memory_space<vmem>> -> memref<128xi32, #tpu.memory_space<vmem>>
      %dma_start3A_53 = arith.constant 0 : i32
      %dma_start3A_54 = arith.constant 0 : i32
      %dma_start3A_55 = tpu.memref_slice %arg7[%dma_start3A_53, %dma_start3A_54] : memref<10240x128xf32, #tpu.memory_space<vmem_shared>> -> memref<10240x128xf32, #tpu.memory_space<vmem_shared>>
      tpu.enqueue_indirect_dma source(%arg11 : memref<128x128xf32, #tpu.memory_space<vmem>>) target(%dma_start3A_55 : memref<10240x128xf32, #tpu.memory_space<vmem_shared>>) offsets(%dma_start3A_52 : memref<128xi32, #tpu.memory_space<vmem>>) semaphore(%run_scoped3A_49 : memref<!tpu.dma_semaphore, #tpu.memory_space<semaphore_mem>>) {add = true}
      %dma_wait3A_56 = arith.constant 0 : i32
      %dma_wait3A_57 = tpu.memref_slice %arg10[%run_scoped3A, %dma_wait3A_56] : memref<79x128xi32, #tpu.memory_space<vmem>> -> memref<1x128xi32, #tpu.memory_space<vmem>>
      %dma_wait3A_58 = tpu.memref_squeeze %dma_wait3A_57 : memref<1x128xi32, #tpu.memory_space<vmem>> -> memref<128xi32, #tpu.memory_space<vmem>>
      %dma_wait3A_59 = arith.constant 0 : i32
      %dma_wait3A_60 = arith.constant 0 : i32
      %dma_wait3A_61 = tpu.memref_slice %arg7[%dma_wait3A_59, %dma_wait3A_60] : memref<10240x128xf32, #tpu.memory_space<vmem_shared>> -> memref<10240x128xf32, #tpu.memory_space<vmem_shared>>
      tpu.wait_indirect_dma semaphore(%run_scoped3A_49 : memref<!tpu.dma_semaphore, #tpu.memory_space<semaphore_mem>>) src(%arg11 : memref<128x128xf32, #tpu.memory_space<vmem>>) dst(%dma_wait3A_61 : memref<10240x128xf32, #tpu.memory_space<vmem_shared>>)
      tpu.yield
    }) : () -> ()
    %barrier3A_28 = arith.constant 0 : index
    tpu.barrier barrier_id(%barrier3A_28)
    %add3A_29 = arith.constant 0 : i32
    %add3A_30 = arith.addi %mul3A_2, %add3A_29 : i32
    "tpu.region"() ({
      %run_scoped3A_49 = tpu.sem_alloc : memref<!tpu.dma_semaphore, #tpu.memory_space<semaphore_mem>>
      %dma_start3A_50 = arith.constant 0 : i32
      %dma_start3A_51 = tpu.memref_slice %arg7[%add3A_30, %dma_start3A_50] : memref<10240x128xf32, #tpu.memory_space<vmem_shared>> -> memref<128x128xf32, #tpu.memory_space<vmem_shared>>
      %dma_start3A_52 = arith.constant 0 : i32
      %dma_start3A_53 = tpu.memref_slice %arg7[%add3A_30, %dma_start3A_52] : memref<10240x128xf32, #tpu.memory_space<vmem_shared>> -> memref<128x128xf32, #tpu.memory_space<vmem_shared>>
      tpu.enqueue_dma source(%dma_start3A_53 : memref<128x128xf32, #tpu.memory_space<vmem_shared>>) target(%arg11 : memref<128x128xf32, #tpu.memory_space<vmem>>) target_semaphore(%run_scoped3A_49 : memref<!tpu.dma_semaphore, #tpu.memory_space<semaphore_mem>>)
      %dma_wait3A_54 = arith.constant 0 : i32
      %dma_wait3A_55 = tpu.memref_slice %arg7[%add3A_30, %dma_wait3A_54] : memref<10240x128xf32, #tpu.memory_space<vmem_shared>> -> memref<128x128xf32, #tpu.memory_space<vmem_shared>>
      %dma_wait3A_56 = arith.constant 0 : i32
      %dma_wait3A_57 = tpu.memref_slice %arg7[%add3A_30, %dma_wait3A_56] : memref<10240x128xf32, #tpu.memory_space<vmem_shared>> -> memref<128x128xf32, #tpu.memory_space<vmem_shared>>
      tpu.wait_dma2 semaphore(%run_scoped3A_49 : memref<!tpu.dma_semaphore, #tpu.memory_space<semaphore_mem>>) src(%dma_wait3A_57 : memref<128x128xf32, #tpu.memory_space<vmem_shared>>) dst(%arg11 : memref<128x128xf32, #tpu.memory_space<vmem>>)
      tpu.yield
    }) : () -> ()
    %add3A_31 = arith.constant 0 : i32
    %add3A_32 = arith.addi %mul3A_2, %add3A_31 : i32
    "tpu.region"() ({
      %run_scoped3A_49 = tpu.sem_alloc : memref<!tpu.dma_semaphore, #tpu.memory_space<semaphore_mem>>
      %dma_start3A_50 = arith.constant 0 : i32
      %dma_start3A_51 = tpu.memref_slice %arg6[%arg0, %add3A_32, %dma_start3A_50] : memref<2x10240x128xf32, #tpu.memory_space<hbm>> -> memref<1x128x128xf32, #tpu.memory_space<hbm>>
      %dma_start3A_52 = tpu.memref_squeeze %dma_start3A_51 : memref<1x128x128xf32, #tpu.memory_space<hbm>> -> memref<128x128xf32, #tpu.memory_space<hbm>>
      %dma_start3A_53 = arith.constant 0 : i32
      %dma_start3A_54 = tpu.memref_slice %arg6[%arg0, %add3A_32, %dma_start3A_53] : memref<2x10240x128xf32, #tpu.memory_space<hbm>> -> memref<1x128x128xf32, #tpu.memory_space<hbm>>
      %dma_start3A_55 = tpu.memref_squeeze %dma_start3A_54 : memref<1x128x128xf32, #tpu.memory_space<hbm>> -> memref<128x128xf32, #tpu.memory_space<hbm>>
      tpu.enqueue_dma source(%arg11 : memref<128x128xf32, #tpu.memory_space<vmem>>) target(%dma_start3A_55 : memref<128x128xf32, #tpu.memory_space<hbm>>) target_semaphore(%run_scoped3A_49 : memref<!tpu.dma_semaphore, #tpu.memory_space<semaphore_mem>>)
      %dma_wait3A_56 = arith.constant 0 : i32
      %dma_wait3A_57 = tpu.memref_slice %arg6[%arg0, %add3A_32, %dma_wait3A_56] : memref<2x10240x128xf32, #tpu.memory_space<hbm>> -> memref<1x128x128xf32, #tpu.memory_space<hbm>>
      %dma_wait3A_58 = tpu.memref_squeeze %dma_wait3A_57 : memref<1x128x128xf32, #tpu.memory_space<hbm>> -> memref<128x128xf32, #tpu.memory_space<hbm>>
      %dma_wait3A_59 = arith.constant 0 : i32
      %dma_wait3A_60 = tpu.memref_slice %arg6[%arg0, %add3A_32, %dma_wait3A_59] : memref<2x10240x128xf32, #tpu.memory_space<hbm>> -> memref<1x128x128xf32, #tpu.memory_space<hbm>>
      %dma_wait3A_61 = tpu.memref_squeeze %dma_wait3A_60 : memref<1x128x128xf32, #tpu.memory_space<hbm>> -> memref<128x128xf32, #tpu.memory_space<hbm>>
      tpu.wait_dma2 semaphore(%run_scoped3A_49 : memref<!tpu.dma_semaphore, #tpu.memory_space<semaphore_mem>>) src(%arg11 : memref<128x128xf32, #tpu.memory_space<vmem>>) dst(%dma_wait3A_61 : memref<128x128xf32, #tpu.memory_space<hbm>>)
      tpu.yield
    }) : () -> ()
    %add3A_33 = arith.constant 128 : i32
    %add3A_34 = arith.addi %mul3A_2, %add3A_33 : i32
    "tpu.region"() ({
      %run_scoped3A_49 = tpu.sem_alloc : memref<!tpu.dma_semaphore, #tpu.memory_space<semaphore_mem>>
      %dma_start3A_50 = arith.constant 0 : i32
      %dma_start3A_51 = tpu.memref_slice %arg7[%add3A_34, %dma_start3A_50] : memref<10240x128xf32, #tpu.memory_space<vmem_shared>> -> memref<128x128xf32, #tpu.memory_space<vmem_shared>>
      %dma_start3A_52 = arith.constant 0 : i32
      %dma_start3A_53 = tpu.memref_slice %arg7[%add3A_34, %dma_start3A_52] : memref<10240x128xf32, #tpu.memory_space<vmem_shared>> -> memref<128x128xf32, #tpu.memory_space<vmem_shared>>
      tpu.enqueue_dma source(%dma_start3A_53 : memref<128x128xf32, #tpu.memory_space<vmem_shared>>) target(%arg11 : memref<128x128xf32, #tpu.memory_space<vmem>>) target_semaphore(%run_scoped3A_49 : memref<!tpu.dma_semaphore, #tpu.memory_space<semaphore_mem>>)
      %dma_wait3A_54 = arith.constant 0 : i32
      %dma_wait3A_55 = tpu.memref_slice %arg7[%add3A_34, %dma_wait3A_54] : memref<10240x128xf32, #tpu.memory_space<vmem_shared>> -> memref<128x128xf32, #tpu.memory_space<vmem_shared>>
      %dma_wait3A_56 = arith.constant 0 : i32
      %dma_wait3A_57 = tpu.memref_slice %arg7[%add3A_34, %dma_wait3A_56] : memref<10240x128xf32, #tpu.memory_space<vmem_shared>> -> memref<128x128xf32, #tpu.memory_space<vmem_shared>>
      tpu.wait_dma2 semaphore(%run_scoped3A_49 : memref<!tpu.dma_semaphore, #tpu.memory_space<semaphore_mem>>) src(%dma_wait3A_57 : memref<128x128xf32, #tpu.memory_space<vmem_shared>>) dst(%arg11 : memref<128x128xf32, #tpu.memory_space<vmem>>)
      tpu.yield
    }) : () -> ()
    %add3A_35 = arith.constant 128 : i32
    %add3A_36 = arith.addi %mul3A_2, %add3A_35 : i32
    "tpu.region"() ({
      %run_scoped3A_49 = tpu.sem_alloc : memref<!tpu.dma_semaphore, #tpu.memory_space<semaphore_mem>>
      %dma_start3A_50 = arith.constant 0 : i32
      %dma_start3A_51 = tpu.memref_slice %arg6[%arg0, %add3A_36, %dma_start3A_50] : memref<2x10240x128xf32, #tpu.memory_space<hbm>> -> memref<1x128x128xf32, #tpu.memory_space<hbm>>
      %dma_start3A_52 = tpu.memref_squeeze %dma_start3A_51 : memref<1x128x128xf32, #tpu.memory_space<hbm>> -> memref<128x128xf32, #tpu.memory_space<hbm>>
      %dma_start3A_53 = arith.constant 0 : i32
      %dma_start3A_54 = tpu.memref_slice %arg6[%arg0, %add3A_36, %dma_start3A_53] : memref<2x10240x128xf32, #tpu.memory_space<hbm>> -> memref<1x128x128xf32, #tpu.memory_space<hbm>>
      %dma_start3A_55 = tpu.memref_squeeze %dma_start3A_54 : memref<1x128x128xf32, #tpu.memory_space<hbm>> -> memref<128x128xf32, #tpu.memory_space<hbm>>
      tpu.enqueue_dma source(%arg11 : memref<128x128xf32, #tpu.memory_space<vmem>>) target(%dma_start3A_55 : memref<128x128xf32, #tpu.memory_space<hbm>>) target_semaphore(%run_scoped3A_49 : memref<!tpu.dma_semaphore, #tpu.memory_space<semaphore_mem>>)
      %dma_wait3A_56 = arith.constant 0 : i32
      %dma_wait3A_57 = tpu.memref_slice %arg6[%arg0, %add3A_36, %dma_wait3A_56] : memref<2x10240x128xf32, #tpu.memory_space<hbm>> -> memref<1x128x128xf32, #tpu.memory_space<hbm>>
      %dma_wait3A_58 = tpu.memref_squeeze %dma_wait3A_57 : memref<1x128x128xf32, #tpu.memory_space<hbm>> -> memref<128x128xf32, #tpu.memory_space<hbm>>
      %dma_wait3A_59 = arith.constant 0 : i32
      %dma_wait3A_60 = tpu.memref_slice %arg6[%arg0, %add3A_36, %dma_wait3A_59] : memref<2x10240x128xf32, #tpu.memory_space<hbm>> -> memref<1x128x128xf32, #tpu.memory_space<hbm>>
      %dma_wait3A_61 = tpu.memref_squeeze %dma_wait3A_60 : memref<1x128x128xf32, #tpu.memory_space<hbm>> -> memref<128x128xf32, #tpu.memory_space<hbm>>
      tpu.wait_dma2 semaphore(%run_scoped3A_49 : memref<!tpu.dma_semaphore, #tpu.memory_space<semaphore_mem>>) src(%arg11 : memref<128x128xf32, #tpu.memory_space<vmem>>) dst(%dma_wait3A_61 : memref<128x128xf32, #tpu.memory_space<hbm>>)
      tpu.yield
    }) : () -> ()
    %add3A_37 = arith.constant 256 : i32
    %add3A_38 = arith.addi %mul3A_2, %add3A_37 : i32
    "tpu.region"() ({
      %run_scoped3A_49 = tpu.sem_alloc : memref<!tpu.dma_semaphore, #tpu.memory_space<semaphore_mem>>
      %dma_start3A_50 = arith.constant 0 : i32
      %dma_start3A_51 = tpu.memref_slice %arg7[%add3A_38, %dma_start3A_50] : memref<10240x128xf32, #tpu.memory_space<vmem_shared>> -> memref<128x128xf32, #tpu.memory_space<vmem_shared>>
      %dma_start3A_52 = arith.constant 0 : i32
      %dma_start3A_53 = tpu.memref_slice %arg7[%add3A_38, %dma_start3A_52] : memref<10240x128xf32, #tpu.memory_space<vmem_shared>> -> memref<128x128xf32, #tpu.memory_space<vmem_shared>>
      tpu.enqueue_dma source(%dma_start3A_53 : memref<128x128xf32, #tpu.memory_space<vmem_shared>>) target(%arg11 : memref<128x128xf32, #tpu.memory_space<vmem>>) target_semaphore(%run_scoped3A_49 : memref<!tpu.dma_semaphore, #tpu.memory_space<semaphore_mem>>)
      %dma_wait3A_54 = arith.constant 0 : i32
      %dma_wait3A_55 = tpu.memref_slice %arg7[%add3A_38, %dma_wait3A_54] : memref<10240x128xf32, #tpu.memory_space<vmem_shared>> -> memref<128x128xf32, #tpu.memory_space<vmem_shared>>
      %dma_wait3A_56 = arith.constant 0 : i32
      %dma_wait3A_57 = tpu.memref_slice %arg7[%add3A_38, %dma_wait3A_56] : memref<10240x128xf32, #tpu.memory_space<vmem_shared>> -> memref<128x128xf32, #tpu.memory_space<vmem_shared>>
      tpu.wait_dma2 semaphore(%run_scoped3A_49 : memref<!tpu.dma_semaphore, #tpu.memory_space<semaphore_mem>>) src(%dma_wait3A_57 : memref<128x128xf32, #tpu.memory_space<vmem_shared>>) dst(%arg11 : memref<128x128xf32, #tpu.memory_space<vmem>>)
      tpu.yield
    }) : () -> ()
    %add3A_39 = arith.constant 256 : i32
    %add3A_40 = arith.addi %mul3A_2, %add3A_39 : i32
    "tpu.region"() ({
      %run_scoped3A_49 = tpu.sem_alloc : memref<!tpu.dma_semaphore, #tpu.memory_space<semaphore_mem>>
      %dma_start3A_50 = arith.constant 0 : i32
      %dma_start3A_51 = tpu.memref_slice %arg6[%arg0, %add3A_40, %dma_start3A_50] : memref<2x10240x128xf32, #tpu.memory_space<hbm>> -> memref<1x128x128xf32, #tpu.memory_space<hbm>>
      %dma_start3A_52 = tpu.memref_squeeze %dma_start3A_51 : memref<1x128x128xf32, #tpu.memory_space<hbm>> -> memref<128x128xf32, #tpu.memory_space<hbm>>
      %dma_start3A_53 = arith.constant 0 : i32
      %dma_start3A_54 = tpu.memref_slice %arg6[%arg0, %add3A_40, %dma_start3A_53] : memref<2x10240x128xf32, #tpu.memory_space<hbm>> -> memref<1x128x128xf32, #tpu.memory_space<hbm>>
      %dma_start3A_55 = tpu.memref_squeeze %dma_start3A_54 : memref<1x128x128xf32, #tpu.memory_space<hbm>> -> memref<128x128xf32, #tpu.memory_space<hbm>>
      tpu.enqueue_dma source(%arg11 : memref<128x128xf32, #tpu.memory_space<vmem>>) target(%dma_start3A_55 : memref<128x128xf32, #tpu.memory_space<hbm>>) target_semaphore(%run_scoped3A_49 : memref<!tpu.dma_semaphore, #tpu.memory_space<semaphore_mem>>)
      %dma_wait3A_56 = arith.constant 0 : i32
      %dma_wait3A_57 = tpu.memref_slice %arg6[%arg0, %add3A_40, %dma_wait3A_56] : memref<2x10240x128xf32, #tpu.memory_space<hbm>> -> memref<1x128x128xf32, #tpu.memory_space<hbm>>
      %dma_wait3A_58 = tpu.memref_squeeze %dma_wait3A_57 : memref<1x128x128xf32, #tpu.memory_space<hbm>> -> memref<128x128xf32, #tpu.memory_space<hbm>>
      %dma_wait3A_59 = arith.constant 0 : i32
      %dma_wait3A_60 = tpu.memref_slice %arg6[%arg0, %add3A_40, %dma_wait3A_59] : memref<2x10240x128xf32, #tpu.memory_space<hbm>> -> memref<1x128x128xf32, #tpu.memory_space<hbm>>
      %dma_wait3A_61 = tpu.memref_squeeze %dma_wait3A_60 : memref<1x128x128xf32, #tpu.memory_space<hbm>> -> memref<128x128xf32, #tpu.memory_space<hbm>>
      tpu.wait_dma2 semaphore(%run_scoped3A_49 : memref<!tpu.dma_semaphore, #tpu.memory_space<semaphore_mem>>) src(%arg11 : memref<128x128xf32, #tpu.memory_space<vmem>>) dst(%dma_wait3A_61 : memref<128x128xf32, #tpu.memory_space<hbm>>)
      tpu.yield
    }) : () -> ()
    %add3A_41 = arith.constant 384 : i32
    %add3A_42 = arith.addi %mul3A_2, %add3A_41 : i32
    "tpu.region"() ({
      %run_scoped3A_49 = tpu.sem_alloc : memref<!tpu.dma_semaphore, #tpu.memory_space<semaphore_mem>>
      %dma_start3A_50 = arith.constant 0 : i32
      %dma_start3A_51 = tpu.memref_slice %arg7[%add3A_42, %dma_start3A_50] : memref<10240x128xf32, #tpu.memory_space<vmem_shared>> -> memref<128x128xf32, #tpu.memory_space<vmem_shared>>
      %dma_start3A_52 = arith.constant 0 : i32
      %dma_start3A_53 = tpu.memref_slice %arg7[%add3A_42, %dma_start3A_52] : memref<10240x128xf32, #tpu.memory_space<vmem_shared>> -> memref<128x128xf32, #tpu.memory_space<vmem_shared>>
      tpu.enqueue_dma source(%dma_start3A_53 : memref<128x128xf32, #tpu.memory_space<vmem_shared>>) target(%arg11 : memref<128x128xf32, #tpu.memory_space<vmem>>) target_semaphore(%run_scoped3A_49 : memref<!tpu.dma_semaphore, #tpu.memory_space<semaphore_mem>>)
      %dma_wait3A_54 = arith.constant 0 : i32
      %dma_wait3A_55 = tpu.memref_slice %arg7[%add3A_42, %dma_wait3A_54] : memref<10240x128xf32, #tpu.memory_space<vmem_shared>> -> memref<128x128xf32, #tpu.memory_space<vmem_shared>>
      %dma_wait3A_56 = arith.constant 0 : i32
      %dma_wait3A_57 = tpu.memref_slice %arg7[%add3A_42, %dma_wait3A_56] : memref<10240x128xf32, #tpu.memory_space<vmem_shared>> -> memref<128x128xf32, #tpu.memory_space<vmem_shared>>
      tpu.wait_dma2 semaphore(%run_scoped3A_49 : memref<!tpu.dma_semaphore, #tpu.memory_space<semaphore_mem>>) src(%dma_wait3A_57 : memref<128x128xf32, #tpu.memory_space<vmem_shared>>) dst(%arg11 : memref<128x128xf32, #tpu.memory_space<vmem>>)
      tpu.yield
    }) : () -> ()
    %add3A_43 = arith.constant 384 : i32
    %add3A_44 = arith.addi %mul3A_2, %add3A_43 : i32
    "tpu.region"() ({
      %run_scoped3A_49 = tpu.sem_alloc : memref<!tpu.dma_semaphore, #tpu.memory_space<semaphore_mem>>
      %dma_start3A_50 = arith.constant 0 : i32
      %dma_start3A_51 = tpu.memref_slice %arg6[%arg0, %add3A_44, %dma_start3A_50] : memref<2x10240x128xf32, #tpu.memory_space<hbm>> -> memref<1x128x128xf32, #tpu.memory_space<hbm>>
      %dma_start3A_52 = tpu.memref_squeeze %dma_start3A_51 : memref<1x128x128xf32, #tpu.memory_space<hbm>> -> memref<128x128xf32, #tpu.memory_space<hbm>>
      %dma_start3A_53 = arith.constant 0 : i32
      %dma_start3A_54 = tpu.memref_slice %arg6[%arg0, %add3A_44, %dma_start3A_53] : memref<2x10240x128xf32, #tpu.memory_space<hbm>> -> memref<1x128x128xf32, #tpu.memory_space<hbm>>
      %dma_start3A_55 = tpu.memref_squeeze %dma_start3A_54 : memref<1x128x128xf32, #tpu.memory_space<hbm>> -> memref<128x128xf32, #tpu.memory_space<hbm>>
      tpu.enqueue_dma source(%arg11 : memref<128x128xf32, #tpu.memory_space<vmem>>) target(%dma_start3A_55 : memref<128x128xf32, #tpu.memory_space<hbm>>) target_semaphore(%run_scoped3A_49 : memref<!tpu.dma_semaphore, #tpu.memory_space<semaphore_mem>>)
      %dma_wait3A_56 = arith.constant 0 : i32
      %dma_wait3A_57 = tpu.memref_slice %arg6[%arg0, %add3A_44, %dma_wait3A_56] : memref<2x10240x128xf32, #tpu.memory_space<hbm>> -> memref<1x128x128xf32, #tpu.memory_space<hbm>>
      %dma_wait3A_58 = tpu.memref_squeeze %dma_wait3A_57 : memref<1x128x128xf32, #tpu.memory_space<hbm>> -> memref<128x128xf32, #tpu.memory_space<hbm>>
      %dma_wait3A_59 = arith.constant 0 : i32
      %dma_wait3A_60 = tpu.memref_slice %arg6[%arg0, %add3A_44, %dma_wait3A_59] : memref<2x10240x128xf32, #tpu.memory_space<hbm>> -> memref<1x128x128xf32, #tpu.memory_space<hbm>>
      %dma_wait3A_61 = tpu.memref_squeeze %dma_wait3A_60 : memref<1x128x128xf32, #tpu.memory_space<hbm>> -> memref<128x128xf32, #tpu.memory_space<hbm>>
      tpu.wait_dma2 semaphore(%run_scoped3A_49 : memref<!tpu.dma_semaphore, #tpu.memory_space<semaphore_mem>>) src(%arg11 : memref<128x128xf32, #tpu.memory_space<vmem>>) dst(%dma_wait3A_61 : memref<128x128xf32, #tpu.memory_space<hbm>>)
      tpu.yield
    }) : () -> ()
    %add3A_45 = arith.constant 512 : i32
    %add3A_46 = arith.addi %mul3A_2, %add3A_45 : i32
    "tpu.region"() ({
      %run_scoped3A_49 = tpu.sem_alloc : memref<!tpu.dma_semaphore, #tpu.memory_space<semaphore_mem>>
      %dma_start3A_50 = arith.constant 0 : i32
      %dma_start3A_51 = tpu.memref_slice %arg7[%add3A_46, %dma_start3A_50] : memref<10240x128xf32, #tpu.memory_space<vmem_shared>> -> memref<128x128xf32, #tpu.memory_space<vmem_shared>>
      %dma_start3A_52 = arith.constant 0 : i32
      %dma_start3A_53 = tpu.memref_slice %arg7[%add3A_46, %dma_start3A_52] : memref<10240x128xf32, #tpu.memory_space<vmem_shared>> -> memref<128x128xf32, #tpu.memory_space<vmem_shared>>
      tpu.enqueue_dma source(%dma_start3A_53 : memref<128x128xf32, #tpu.memory_space<vmem_shared>>) target(%arg11 : memref<128x128xf32, #tpu.memory_space<vmem>>) target_semaphore(%run_scoped3A_49 : memref<!tpu.dma_semaphore, #tpu.memory_space<semaphore_mem>>)
      %dma_wait3A_54 = arith.constant 0 : i32
      %dma_wait3A_55 = tpu.memref_slice %arg7[%add3A_46, %dma_wait3A_54] : memref<10240x128xf32, #tpu.memory_space<vmem_shared>> -> memref<128x128xf32, #tpu.memory_space<vmem_shared>>
      %dma_wait3A_56 = arith.constant 0 : i32
      %dma_wait3A_57 = tpu.memref_slice %arg7[%add3A_46, %dma_wait3A_56] : memref<10240x128xf32, #tpu.memory_space<vmem_shared>> -> memref<128x128xf32, #tpu.memory_space<vmem_shared>>
      tpu.wait_dma2 semaphore(%run_scoped3A_49 : memref<!tpu.dma_semaphore, #tpu.memory_space<semaphore_mem>>) src(%dma_wait3A_57 : memref<128x128xf32, #tpu.memory_space<vmem_shared>>) dst(%arg11 : memref<128x128xf32, #tpu.memory_space<vmem>>)
      tpu.yield
    }) : () -> ()
    %add3A_47 = arith.constant 512 : i32
    %add3A_48 = arith.addi %mul3A_2, %add3A_47 : i32
    "tpu.region"() ({
      %run_scoped3A_49 = tpu.sem_alloc : memref<!tpu.dma_semaphore, #tpu.memory_space<semaphore_mem>>
      %dma_start3A_50 = arith.constant 0 : i32
      %dma_start3A_51 = tpu.memref_slice %arg6[%arg0, %add3A_48, %dma_start3A_50] : memref<2x10240x128xf32, #tpu.memory_space<hbm>> -> memref<1x128x128xf32, #tpu.memory_space<hbm>>
      %dma_start3A_52 = tpu.memref_squeeze %dma_start3A_51 : memref<1x128x128xf32, #tpu.memory_space<hbm>> -> memref<128x128xf32, #tpu.memory_space<hbm>>
      %dma_start3A_53 = arith.constant 0 : i32
      %dma_start3A_54 = tpu.memref_slice %arg6[%arg0, %add3A_48, %dma_start3A_53] : memref<2x10240x128xf32, #tpu.memory_space<hbm>> -> memref<1x128x128xf32, #tpu.memory_space<hbm>>
      %dma_start3A_55 = tpu.memref_squeeze %dma_start3A_54 : memref<1x128x128xf32, #tpu.memory_space<hbm>> -> memref<128x128xf32, #tpu.memory_space<hbm>>
      tpu.enqueue_dma source(%arg11 : memref<128x128xf32, #tpu.memory_space<vmem>>) target(%dma_start3A_55 : memref<128x128xf32, #tpu.memory_space<hbm>>) target_semaphore(%run_scoped3A_49 : memref<!tpu.dma_semaphore, #tpu.memory_space<semaphore_mem>>)
      %dma_wait3A_56 = arith.constant 0 : i32
      %dma_wait3A_57 = tpu.memref_slice %arg6[%arg0, %add3A_48, %dma_wait3A_56] : memref<2x10240x128xf32, #tpu.memory_space<hbm>> -> memref<1x128x128xf32, #tpu.memory_space<hbm>>
      %dma_wait3A_58 = tpu.memref_squeeze %dma_wait3A_57 : memref<1x128x128xf32, #tpu.memory_space<hbm>> -> memref<128x128xf32, #tpu.memory_space<hbm>>
      %dma_wait3A_59 = arith.constant 0 : i32
      %dma_wait3A_60 = tpu.memref_slice %arg6[%arg0, %add3A_48, %dma_wait3A_59] : memref<2x10240x128xf32, #tpu.memory_space<hbm>> -> memref<1x128x128xf32, #tpu.memory_space<hbm>>
      %dma_wait3A_61 = tpu.memref_squeeze %dma_wait3A_60 : memref<1x128x128xf32, #tpu.memory_space<hbm>> -> memref<128x128xf32, #tpu.memory_space<hbm>>
      tpu.wait_dma2 semaphore(%run_scoped3A_49 : memref<!tpu.dma_semaphore, #tpu.memory_space<semaphore_mem>>) src(%arg11 : memref<128x128xf32, #tpu.memory_space<vmem>>) dst(%dma_wait3A_61 : memref<128x128xf32, #tpu.memory_space<hbm>>)
      tpu.yield
    }) : () -> ()
    return
  }
}

#map = affine_map<(d0, d1) -> (0, 0, 0)>
#map1 = affine_map<(d0, d1) -> (0)>
#map2 = affine_map<(d0, d1) -> (0, 0)>
module attributes {stable_mosaic.version = 14 : i64} {
  func.func @_deg_kernel(%arg0: i32, %arg1: i32, %arg2: memref<32x79x128xi32, #tpu.memory_space<hbm>>, %arg3: memref<640xf32, #tpu.memory_space<hbm>>, %arg4: memref<2x10240xf32, #tpu.memory_space<hbm>>, %arg5: memref<10240xf32, #tpu.memory_space<vmem_shared>>, %arg6: memref<79x128xi32, #tpu.memory_space<vmem>>, %arg7: memref<128xf32, #tpu.memory_space<vmem>>, %arg8: memref<640xf32, #tpu.memory_space<vmem>>) attributes {dimension_semantics = [#tpu.dimension_semantics<core_parallel>, #tpu.dimension_semantics<subcore_parallel>], iteration_bounds = array<i64: 2, 16>, scalar_prefetch = 0 : i64, scratch_operands = 4 : i64, tpu.core_type = #tpu.core_type<sc_vector_subcore>, window_params = [{transform_indices = #map}, {transform_indices = #map1}, {transform_indices = #map2}]} {
    %mul3A = arith.constant 16 : i32
    %mul3A_0 = arith.muli %arg0, %mul3A : i32
    %add3A = arith.addi %mul3A_0, %arg1 : i32
    %mul3A_1 = arith.constant 640 : i32
    %mul3A_2 = arith.muli %arg1, %mul3A_1 : i32
    "tpu.region"() ({
      %run_scoped3A = tpu.sem_alloc : memref<!tpu.dma_semaphore, #tpu.memory_space<semaphore_mem>>
      %dma_start3A = tpu.memref_slice %arg5[%mul3A_2] : memref<10240xf32, #tpu.memory_space<vmem_shared>> -> memref<640xf32, #tpu.memory_space<vmem_shared>>
      tpu.enqueue_dma source(%arg3 : memref<640xf32, #tpu.memory_space<hbm>>) target(%dma_start3A : memref<640xf32, #tpu.memory_space<vmem_shared>>) target_semaphore(%run_scoped3A : memref<!tpu.dma_semaphore, #tpu.memory_space<semaphore_mem>>)
      %dma_wait3A = tpu.memref_slice %arg5[%mul3A_2] : memref<10240xf32, #tpu.memory_space<vmem_shared>> -> memref<640xf32, #tpu.memory_space<vmem_shared>>
      tpu.wait_dma2 semaphore(%run_scoped3A : memref<!tpu.dma_semaphore, #tpu.memory_space<semaphore_mem>>) src(%arg3 : memref<640xf32, #tpu.memory_space<hbm>>) dst(%dma_wait3A : memref<640xf32, #tpu.memory_space<vmem_shared>>)
      tpu.yield
    }) : () -> ()
    %broadcast_in_dim3A = arith.constant 1.000000e+00 : f32
    %broadcast_in_dim3A_3 = vector.broadcast %broadcast_in_dim3A : f32 to vector<16xf32>
    %swap3A = arith.constant 0 : index
    %swap3A_4 = tpu.vector_load %arg7[%swap3A] {strides = array<i32>} : memref<128xf32, #tpu.memory_space<vmem>>, vector<16xf32>,
    %swap3A_5 = vector.shape_cast %swap3A_4 : vector<16xf32> to vector<16xf32>
    %swap3A_6 = vector.shape_cast %broadcast_in_dim3A_3 : vector<16xf32> to vector<16xf32>
    tpu.vector_store %arg7[%swap3A], %swap3A_6 {strides = array<i32>} : memref<128xf32, #tpu.memory_space<vmem>>, vector<16xf32>,
    %broadcast_in_dim3A_7 = arith.constant 1.000000e+00 : f32
    %broadcast_in_dim3A_8 = vector.broadcast %broadcast_in_dim3A_7 : f32 to vector<16xf32>
    %swap3A_9 = arith.constant 16 : index
    %swap3A_10 = tpu.vector_load %arg7[%swap3A_9] {strides = array<i32>} : memref<128xf32, #tpu.memory_space<vmem>>, vector<16xf32>,
    %swap3A_11 = vector.shape_cast %swap3A_10 : vector<16xf32> to vector<16xf32>
    %swap3A_12 = vector.shape_cast %broadcast_in_dim3A_8 : vector<16xf32> to vector<16xf32>
    tpu.vector_store %arg7[%swap3A_9], %swap3A_12 {strides = array<i32>} : memref<128xf32, #tpu.memory_space<vmem>>, vector<16xf32>,
    %broadcast_in_dim3A_13 = arith.constant 1.000000e+00 : f32
    %broadcast_in_dim3A_14 = vector.broadcast %broadcast_in_dim3A_13 : f32 to vector<16xf32>
    %swap3A_15 = arith.constant 32 : index
    %swap3A_16 = tpu.vector_load %arg7[%swap3A_15] {strides = array<i32>} : memref<128xf32, #tpu.memory_space<vmem>>, vector<16xf32>,
    %swap3A_17 = vector.shape_cast %swap3A_16 : vector<16xf32> to vector<16xf32>
    %swap3A_18 = vector.shape_cast %broadcast_in_dim3A_14 : vector<16xf32> to vector<16xf32>
    tpu.vector_store %arg7[%swap3A_15], %swap3A_18 {strides = array<i32>} : memref<128xf32, #tpu.memory_space<vmem>>, vector<16xf32>,
    %broadcast_in_dim3A_19 = arith.constant 1.000000e+00 : f32
    %broadcast_in_dim3A_20 = vector.broadcast %broadcast_in_dim3A_19 : f32 to vector<16xf32>
    %swap3A_21 = arith.constant 48 : index
    %swap3A_22 = tpu.vector_load %arg7[%swap3A_21] {strides = array<i32>} : memref<128xf32, #tpu.memory_space<vmem>>, vector<16xf32>,
    %swap3A_23 = vector.shape_cast %swap3A_22 : vector<16xf32> to vector<16xf32>
    %swap3A_24 = vector.shape_cast %broadcast_in_dim3A_20 : vector<16xf32> to vector<16xf32>
    tpu.vector_store %arg7[%swap3A_21], %swap3A_24 {strides = array<i32>} : memref<128xf32, #tpu.memory_space<vmem>>, vector<16xf32>,
    %broadcast_in_dim3A_25 = arith.constant 1.000000e+00 : f32
    %broadcast_in_dim3A_26 = vector.broadcast %broadcast_in_dim3A_25 : f32 to vector<16xf32>
    %swap3A_27 = arith.constant 64 : index
    %swap3A_28 = tpu.vector_load %arg7[%swap3A_27] {strides = array<i32>} : memref<128xf32, #tpu.memory_space<vmem>>, vector<16xf32>,
    %swap3A_29 = vector.shape_cast %swap3A_28 : vector<16xf32> to vector<16xf32>
    %swap3A_30 = vector.shape_cast %broadcast_in_dim3A_26 : vector<16xf32> to vector<16xf32>
    tpu.vector_store %arg7[%swap3A_27], %swap3A_30 {strides = array<i32>} : memref<128xf32, #tpu.memory_space<vmem>>, vector<16xf32>,
    %broadcast_in_dim3A_31 = arith.constant 1.000000e+00 : f32
    %broadcast_in_dim3A_32 = vector.broadcast %broadcast_in_dim3A_31 : f32 to vector<16xf32>
    %swap3A_33 = arith.constant 80 : index
    %swap3A_34 = tpu.vector_load %arg7[%swap3A_33] {strides = array<i32>} : memref<128xf32, #tpu.memory_space<vmem>>, vector<16xf32>,
    %swap3A_35 = vector.shape_cast %swap3A_34 : vector<16xf32> to vector<16xf32>
    %swap3A_36 = vector.shape_cast %broadcast_in_dim3A_32 : vector<16xf32> to vector<16xf32>
    tpu.vector_store %arg7[%swap3A_33], %swap3A_36 {strides = array<i32>} : memref<128xf32, #tpu.memory_space<vmem>>, vector<16xf32>,
    %broadcast_in_dim3A_37 = arith.constant 1.000000e+00 : f32
    %broadcast_in_dim3A_38 = vector.broadcast %broadcast_in_dim3A_37 : f32 to vector<16xf32>
    %swap3A_39 = arith.constant 96 : index
    %swap3A_40 = tpu.vector_load %arg7[%swap3A_39] {strides = array<i32>} : memref<128xf32, #tpu.memory_space<vmem>>, vector<16xf32>,
    %swap3A_41 = vector.shape_cast %swap3A_40 : vector<16xf32> to vector<16xf32>
    %swap3A_42 = vector.shape_cast %broadcast_in_dim3A_38 : vector<16xf32> to vector<16xf32>
    tpu.vector_store %arg7[%swap3A_39], %swap3A_42 {strides = array<i32>} : memref<128xf32, #tpu.memory_space<vmem>>, vector<16xf32>,
    %broadcast_in_dim3A_43 = arith.constant 1.000000e+00 : f32
    %broadcast_in_dim3A_44 = vector.broadcast %broadcast_in_dim3A_43 : f32 to vector<16xf32>
    %swap3A_45 = arith.constant 112 : index
    %swap3A_46 = tpu.vector_load %arg7[%swap3A_45] {strides = array<i32>} : memref<128xf32, #tpu.memory_space<vmem>>, vector<16xf32>,
    %swap3A_47 = vector.shape_cast %swap3A_46 : vector<16xf32> to vector<16xf32>
    %swap3A_48 = vector.shape_cast %broadcast_in_dim3A_44 : vector<16xf32> to vector<16xf32>
    tpu.vector_store %arg7[%swap3A_45], %swap3A_48 {strides = array<i32>} : memref<128xf32, #tpu.memory_space<vmem>>, vector<16xf32>,
    "tpu.region"() ({
      %run_scoped3A = tpu.sem_alloc : memref<!tpu.dma_semaphore, #tpu.memory_space<semaphore_mem>>
      %dma_start3A = arith.constant 0 : i32
      %dma_start3A_55 = arith.constant 0 : i32
      %dma_start3A_56 = tpu.memref_slice %arg2[%add3A, %dma_start3A, %dma_start3A_55] : memref<32x79x128xi32, #tpu.memory_space<hbm>> -> memref<1x79x128xi32, #tpu.memory_space<hbm>>
      %dma_start3A_57 = tpu.memref_squeeze %dma_start3A_56 : memref<1x79x128xi32, #tpu.memory_space<hbm>> -> memref<79x128xi32, #tpu.memory_space<hbm>>
      %dma_start3A_58 = arith.constant 0 : i32
      %dma_start3A_59 = arith.constant 0 : i32
      %dma_start3A_60 = tpu.memref_slice %arg2[%add3A, %dma_start3A_58, %dma_start3A_59] : memref<32x79x128xi32, #tpu.memory_space<hbm>> -> memref<1x79x128xi32, #tpu.memory_space<hbm>>
      %dma_start3A_61 = tpu.memref_squeeze %dma_start3A_60 : memref<1x79x128xi32, #tpu.memory_space<hbm>> -> memref<79x128xi32, #tpu.memory_space<hbm>>
      tpu.enqueue_dma source(%dma_start3A_61 : memref<79x128xi32, #tpu.memory_space<hbm>>) target(%arg6 : memref<79x128xi32, #tpu.memory_space<vmem>>) target_semaphore(%run_scoped3A : memref<!tpu.dma_semaphore, #tpu.memory_space<semaphore_mem>>)
      %dma_wait3A = arith.constant 0 : i32
      %dma_wait3A_62 = arith.constant 0 : i32
      %dma_wait3A_63 = tpu.memref_slice %arg2[%add3A, %dma_wait3A, %dma_wait3A_62] : memref<32x79x128xi32, #tpu.memory_space<hbm>> -> memref<1x79x128xi32, #tpu.memory_space<hbm>>
      %dma_wait3A_64 = tpu.memref_squeeze %dma_wait3A_63 : memref<1x79x128xi32, #tpu.memory_space<hbm>> -> memref<79x128xi32, #tpu.memory_space<hbm>>
      %dma_wait3A_65 = arith.constant 0 : i32
      %dma_wait3A_66 = arith.constant 0 : i32
      %dma_wait3A_67 = tpu.memref_slice %arg2[%add3A, %dma_wait3A_65, %dma_wait3A_66] : memref<32x79x128xi32, #tpu.memory_space<hbm>> -> memref<1x79x128xi32, #tpu.memory_space<hbm>>
      %dma_wait3A_68 = tpu.memref_squeeze %dma_wait3A_67 : memref<1x79x128xi32, #tpu.memory_space<hbm>> -> memref<79x128xi32, #tpu.memory_space<hbm>>
      tpu.wait_dma2 semaphore(%run_scoped3A : memref<!tpu.dma_semaphore, #tpu.memory_space<semaphore_mem>>) src(%dma_wait3A_68 : memref<79x128xi32, #tpu.memory_space<hbm>>) dst(%arg6 : memref<79x128xi32, #tpu.memory_space<vmem>>)
      tpu.yield
    }) : () -> ()
    %barrier3A = arith.constant 0 : index
    tpu.barrier barrier_id(%barrier3A)
    %scan3A = arith.constant 0 : i32
    %scan3A_49 = arith.constant 0 : i32
    %scan3A_50 = arith.constant 79 : i32
    %scan3A_51 = arith.addi %scan3A_49, %scan3A_50 : i32
    %scan3A_52 = arith.constant 1 : i32
    scf.for %scan3A_55 = %scan3A_49 to %scan3A_51 step %scan3A_52  : i32 {
      "tpu.region"() ({
        %run_scoped3A = tpu.sem_alloc : memref<!tpu.dma_semaphore, #tpu.memory_space<semaphore_mem>>
        %dma_start3A = arith.constant 0 : i32
        %dma_start3A_56 = tpu.memref_slice %arg6[%scan3A_55, %dma_start3A] : memref<79x128xi32, #tpu.memory_space<vmem>> -> memref<1x128xi32, #tpu.memory_space<vmem>>
        %dma_start3A_57 = tpu.memref_squeeze %dma_start3A_56 : memref<1x128xi32, #tpu.memory_space<vmem>> -> memref<128xi32, #tpu.memory_space<vmem>>
        %dma_start3A_58 = arith.constant 0 : i32
        %dma_start3A_59 = tpu.memref_slice %arg5[%dma_start3A_58] : memref<10240xf32, #tpu.memory_space<vmem_shared>> -> memref<10240xf32, #tpu.memory_space<vmem_shared>>
        tpu.enqueue_indirect_dma source(%arg7 : memref<128xf32, #tpu.memory_space<vmem>>) target(%dma_start3A_59 : memref<10240xf32, #tpu.memory_space<vmem_shared>>) offsets(%dma_start3A_57 : memref<128xi32, #tpu.memory_space<vmem>>) semaphore(%run_scoped3A : memref<!tpu.dma_semaphore, #tpu.memory_space<semaphore_mem>>) {add = true}
        %dma_wait3A = arith.constant 0 : i32
        %dma_wait3A_60 = tpu.memref_slice %arg6[%scan3A_55, %dma_wait3A] : memref<79x128xi32, #tpu.memory_space<vmem>> -> memref<1x128xi32, #tpu.memory_space<vmem>>
        %dma_wait3A_61 = tpu.memref_squeeze %dma_wait3A_60 : memref<1x128xi32, #tpu.memory_space<vmem>> -> memref<128xi32, #tpu.memory_space<vmem>>
        %dma_wait3A_62 = arith.constant 0 : i32
        %dma_wait3A_63 = tpu.memref_slice %arg5[%dma_wait3A_62] : memref<10240xf32, #tpu.memory_space<vmem_shared>> -> memref<10240xf32, #tpu.memory_space<vmem_shared>>
        tpu.wait_indirect_dma semaphore(%run_scoped3A : memref<!tpu.dma_semaphore, #tpu.memory_space<semaphore_mem>>) src(%arg7 : memref<128xf32, #tpu.memory_space<vmem>>) dst(%dma_wait3A_63 : memref<10240xf32, #tpu.memory_space<vmem_shared>>)
        tpu.yield
      }) : () -> ()
    }
    %scan3A_53 = arith.constant 79 : i32
    %barrier3A_54 = arith.constant 0 : index
    tpu.barrier barrier_id(%barrier3A_54)
    "tpu.region"() ({
      %run_scoped3A = tpu.sem_alloc : memref<!tpu.dma_semaphore, #tpu.memory_space<semaphore_mem>>
      %dma_start3A = tpu.memref_slice %arg5[%mul3A_2] : memref<10240xf32, #tpu.memory_space<vmem_shared>> -> memref<640xf32, #tpu.memory_space<vmem_shared>>
      %dma_start3A_55 = tpu.memref_slice %arg5[%mul3A_2] : memref<10240xf32, #tpu.memory_space<vmem_shared>> -> memref<640xf32, #tpu.memory_space<vmem_shared>>
      tpu.enqueue_dma source(%dma_start3A_55 : memref<640xf32, #tpu.memory_space<vmem_shared>>) target(%arg8 : memref<640xf32, #tpu.memory_space<vmem>>) target_semaphore(%run_scoped3A : memref<!tpu.dma_semaphore, #tpu.memory_space<semaphore_mem>>)
      %dma_wait3A = tpu.memref_slice %arg5[%mul3A_2] : memref<10240xf32, #tpu.memory_space<vmem_shared>> -> memref<640xf32, #tpu.memory_space<vmem_shared>>
      %dma_wait3A_56 = tpu.memref_slice %arg5[%mul3A_2] : memref<10240xf32, #tpu.memory_space<vmem_shared>> -> memref<640xf32, #tpu.memory_space<vmem_shared>>
      tpu.wait_dma2 semaphore(%run_scoped3A : memref<!tpu.dma_semaphore, #tpu.memory_space<semaphore_mem>>) src(%dma_wait3A_56 : memref<640xf32, #tpu.memory_space<vmem_shared>>) dst(%arg8 : memref<640xf32, #tpu.memory_space<vmem>>)
      tpu.yield
    }) : () -> ()
    "tpu.region"() ({
      %run_scoped3A = tpu.sem_alloc : memref<!tpu.dma_semaphore, #tpu.memory_space<semaphore_mem>>
      %dma_start3A = tpu.memref_slice %arg4[%arg0, %mul3A_2] : memref<2x10240xf32, #tpu.memory_space<hbm>> -> memref<1x640xf32, #tpu.memory_space<hbm>>
      %dma_start3A_55 = tpu.memref_squeeze %dma_start3A : memref<1x640xf32, #tpu.memory_space<hbm>> -> memref<640xf32, #tpu.memory_space<hbm>>
      %dma_start3A_56 = tpu.memref_slice %arg4[%arg0, %mul3A_2] : memref<2x10240xf32, #tpu.memory_space<hbm>> -> memref<1x640xf32, #tpu.memory_space<hbm>>
      %dma_start3A_57 = tpu.memref_squeeze %dma_start3A_56 : memref<1x640xf32, #tpu.memory_space<hbm>> -> memref<640xf32, #tpu.memory_space<hbm>>
      tpu.enqueue_dma source(%arg8 : memref<640xf32, #tpu.memory_space<vmem>>) target(%dma_start3A_57 : memref<640xf32, #tpu.memory_space<hbm>>) target_semaphore(%run_scoped3A : memref<!tpu.dma_semaphore, #tpu.memory_space<semaphore_mem>>)
      %dma_wait3A = tpu.memref_slice %arg4[%arg0, %mul3A_2] : memref<2x10240xf32, #tpu.memory_space<hbm>> -> memref<1x640xf32, #tpu.memory_space<hbm>>
      %dma_wait3A_58 = tpu.memref_squeeze %dma_wait3A : memref<1x640xf32, #tpu.memory_space<hbm>> -> memref<640xf32, #tpu.memory_space<hbm>>
      %dma_wait3A_59 = tpu.memref_slice %arg4[%arg0, %mul3A_2] : memref<2x10240xf32, #tpu.memory_space<hbm>> -> memref<1x640xf32, #tpu.memory_space<hbm>>
      %dma_wait3A_60 = tpu.memref_squeeze %dma_wait3A_59 : memref<1x640xf32, #tpu.memory_space<hbm>> -> memref<640xf32, #tpu.memory_space<hbm>>
      tpu.wait_dma2 semaphore(%run_scoped3A : memref<!tpu.dma_semaphore, #tpu.memory_space<semaphore_mem>>) src(%arg8 : memref<640xf32, #tpu.memory_space<vmem>>) dst(%dma_wait3A_60 : memref<640xf32, #tpu.memory_space<hbm>>)
      tpu.yield
    }) : () -> ()
    return
  }
}

#map = affine_map<(d0, d1) -> (0, 0, 0)>
#map1 = affine_map<(d0, d1) -> (0, 0)>
module attributes {stable_mosaic.version = 14 : i64} {
  func.func @_spmm_kernel(%arg0: i32, %arg1: i32, %arg2: memref<32x79x128xi32, #tpu.memory_space<hbm>>, %arg3: memref<32x79x128xi32, #tpu.memory_space<hbm>>, %arg4: memref<2x10240x128xf32, #tpu.memory_space<hbm>>, %arg5: memref<640x128xf32, #tpu.memory_space<hbm>>, %arg6: memref<2x10240x128xf32, #tpu.memory_space<hbm>>, %arg7: memref<10240x128xf32, #tpu.memory_space<vmem_shared>>, %arg8: memref<1x128xi32, #tpu.memory_space<vmem>>, %arg9: memref<1x128xi32, #tpu.memory_space<vmem>>, %arg10: memref<79x128xi32, #tpu.memory_space<vmem>>, %arg11: memref<128x128xf32, #tpu.memory_space<vmem>>, %arg12: memref<128x128xf32, #tpu.memory_space<vmem>>, %arg13: memref<!tpu.dma_semaphore, #tpu.memory_space<semaphore_mem>>, %arg14: memref<!tpu.dma_semaphore, #tpu.memory_space<semaphore_mem>>, %arg15: memref<!tpu.dma_semaphore, #tpu.memory_space<semaphore_mem>>, %arg16: memref<!tpu.dma_semaphore, #tpu.memory_space<semaphore_mem>>) attributes {dimension_semantics = [#tpu.dimension_semantics<core_parallel>, #tpu.dimension_semantics<subcore_parallel>], iteration_bounds = array<i64: 2, 16>, scalar_prefetch = 0 : i64, scratch_operands = 10 : i64, tpu.core_type = #tpu.core_type<sc_vector_subcore>, window_params = [{transform_indices = #map}, {transform_indices = #map}, {transform_indices = #map}, {transform_indices = #map1}, {transform_indices = #map}]} {
    %mul3A = arith.constant 16 : i32
    %mul3A_0 = arith.muli %arg0, %mul3A : i32
    %add3A = arith.addi %mul3A_0, %arg1 : i32
    %mul3A_1 = arith.constant 640 : i32
    %mul3A_2 = arith.muli %arg1, %mul3A_1 : i32
    "tpu.region"() ({
      %run_scoped3A_49 = tpu.sem_alloc : memref<!tpu.dma_semaphore, #tpu.memory_space<semaphore_mem>>
      %dma_start3A_50 = arith.constant 0 : i32
      %dma_start3A_51 = tpu.memref_slice %arg7[%mul3A_2, %dma_start3A_50] : memref<10240x128xf32, #tpu.memory_space<vmem_shared>> -> memref<640x128xf32, #tpu.memory_space<vmem_shared>>
      tpu.enqueue_dma source(%arg5 : memref<640x128xf32, #tpu.memory_space<hbm>>) target(%dma_start3A_51 : memref<640x128xf32, #tpu.memory_space<vmem_shared>>) target_semaphore(%run_scoped3A_49 : memref<!tpu.dma_semaphore, #tpu.memory_space<semaphore_mem>>)
      %dma_wait3A_52 = arith.constant 0 : i32
      %dma_wait3A_53 = tpu.memref_slice %arg7[%mul3A_2, %dma_wait3A_52] : memref<10240x128xf32, #tpu.memory_space<vmem_shared>> -> memref<640x128xf32, #tpu.memory_space<vmem_shared>>
      tpu.wait_dma2 semaphore(%run_scoped3A_49 : memref<!tpu.dma_semaphore, #tpu.memory_space<semaphore_mem>>) src(%arg5 : memref<640x128xf32, #tpu.memory_space<hbm>>) dst(%dma_wait3A_53 : memref<640x128xf32, #tpu.memory_space<vmem_shared>>)
      tpu.yield
    }) : () -> ()
    "tpu.region"() ({
      %run_scoped3A_49 = tpu.sem_alloc : memref<!tpu.dma_semaphore, #tpu.memory_space<semaphore_mem>>
      %dma_start3A_50 = arith.constant 0 : i32
      %dma_start3A_51 = arith.constant 0 : i32
      %dma_start3A_52 = tpu.memref_slice %arg3[%add3A, %dma_start3A_50, %dma_start3A_51] : memref<32x79x128xi32, #tpu.memory_space<hbm>> -> memref<1x79x128xi32, #tpu.memory_space<hbm>>
      %dma_start3A_53 = tpu.memref_squeeze %dma_start3A_52 : memref<1x79x128xi32, #tpu.memory_space<hbm>> -> memref<79x128xi32, #tpu.memory_space<hbm>>
      %dma_start3A_54 = arith.constant 0 : i32
      %dma_start3A_55 = arith.constant 0 : i32
      %dma_start3A_56 = tpu.memref_slice %arg3[%add3A, %dma_start3A_54, %dma_start3A_55] : memref<32x79x128xi32, #tpu.memory_space<hbm>> -> memref<1x79x128xi32, #tpu.memory_space<hbm>>
      %dma_start3A_57 = tpu.memref_squeeze %dma_start3A_56 : memref<1x79x128xi32, #tpu.memory_space<hbm>> -> memref<79x128xi32, #tpu.memory_space<hbm>>
      tpu.enqueue_dma source(%dma_start3A_57 : memref<79x128xi32, #tpu.memory_space<hbm>>) target(%arg10 : memref<79x128xi32, #tpu.memory_space<vmem>>) target_semaphore(%run_scoped3A_49 : memref<!tpu.dma_semaphore, #tpu.memory_space<semaphore_mem>>)
      %dma_wait3A_58 = arith.constant 0 : i32
      %dma_wait3A_59 = arith.constant 0 : i32
      %dma_wait3A_60 = tpu.memref_slice %arg3[%add3A, %dma_wait3A_58, %dma_wait3A_59] : memref<32x79x128xi32, #tpu.memory_space<hbm>> -> memref<1x79x128xi32, #tpu.memory_space<hbm>>
      %dma_wait3A_61 = tpu.memref_squeeze %dma_wait3A_60 : memref<1x79x128xi32, #tpu.memory_space<hbm>> -> memref<79x128xi32, #tpu.memory_space<hbm>>
      %dma_wait3A_62 = arith.constant 0 : i32
      %dma_wait3A_63 = arith.constant 0 : i32
      %dma_wait3A_64 = tpu.memref_slice %arg3[%add3A, %dma_wait3A_62, %dma_wait3A_63] : memref<32x79x128xi32, #tpu.memory_space<hbm>> -> memref<1x79x128xi32, #tpu.memory_space<hbm>>
      %dma_wait3A_65 = tpu.memref_squeeze %dma_wait3A_64 : memref<1x79x128xi32, #tpu.memory_space<hbm>> -> memref<79x128xi32, #tpu.memory_space<hbm>>
      tpu.wait_dma2 semaphore(%run_scoped3A_49 : memref<!tpu.dma_semaphore, #tpu.memory_space<semaphore_mem>>) src(%dma_wait3A_65 : memref<79x128xi32, #tpu.memory_space<hbm>>) dst(%arg10 : memref<79x128xi32, #tpu.memory_space<vmem>>)
      tpu.yield
    }) : () -> ()
    "tpu.region"() ({
      %run_scoped3A_49 = tpu.sem_alloc : memref<!tpu.dma_semaphore, #tpu.memory_space<semaphore_mem>>
      %dma_start3A_50 = arith.constant 0 : i32
      %dma_start3A_51 = arith.constant 0 : i32
      %dma_start3A_52 = tpu.memref_slice %arg2[%add3A, %dma_start3A_50, %dma_start3A_51] : memref<32x79x128xi32, #tpu.memory_space<hbm>> -> memref<1x1x128xi32, #tpu.memory_space<hbm>>
      %dma_start3A_53 = tpu.memref_squeeze %dma_start3A_52 : memref<1x1x128xi32, #tpu.memory_space<hbm>> -> memref<1x128xi32, #tpu.memory_space<hbm>>
      %dma_start3A_54 = arith.constant 0 : i32
      %dma_start3A_55 = arith.constant 0 : i32
      %dma_start3A_56 = tpu.memref_slice %arg2[%add3A, %dma_start3A_54, %dma_start3A_55] : memref<32x79x128xi32, #tpu.memory_space<hbm>> -> memref<1x1x128xi32, #tpu.memory_space<hbm>>
      %dma_start3A_57 = tpu.memref_squeeze %dma_start3A_56 : memref<1x1x128xi32, #tpu.memory_space<hbm>> -> memref<1x128xi32, #tpu.memory_space<hbm>>
      tpu.enqueue_dma source(%dma_start3A_57 : memref<1x128xi32, #tpu.memory_space<hbm>>) target(%arg8 : memref<1x128xi32, #tpu.memory_space<vmem>>) target_semaphore(%run_scoped3A_49 : memref<!tpu.dma_semaphore, #tpu.memory_space<semaphore_mem>>)
      %dma_wait3A_58 = arith.constant 0 : i32
      %dma_wait3A_59 = arith.constant 0 : i32
      %dma_wait3A_60 = tpu.memref_slice %arg2[%add3A, %dma_wait3A_58, %dma_wait3A_59] : memref<32x79x128xi32, #tpu.memory_space<hbm>> -> memref<1x1x128xi32, #tpu.memory_space<hbm>>
      %dma_wait3A_61 = tpu.memref_squeeze %dma_wait3A_60 : memref<1x1x128xi32, #tpu.memory_space<hbm>> -> memref<1x128xi32, #tpu.memory_space<hbm>>
      %dma_wait3A_62 = arith.constant 0 : i32
      %dma_wait3A_63 = arith.constant 0 : i32
      %dma_wait3A_64 = tpu.memref_slice %arg2[%add3A, %dma_wait3A_62, %dma_wait3A_63] : memref<32x79x128xi32, #tpu.memory_space<hbm>> -> memref<1x1x128xi32, #tpu.memory_space<hbm>>
      %dma_wait3A_65 = tpu.memref_squeeze %dma_wait3A_64 : memref<1x1x128xi32, #tpu.memory_space<hbm>> -> memref<1x128xi32, #tpu.memory_space<hbm>>
      tpu.wait_dma2 semaphore(%run_scoped3A_49 : memref<!tpu.dma_semaphore, #tpu.memory_space<semaphore_mem>>) src(%dma_wait3A_65 : memref<1x128xi32, #tpu.memory_space<hbm>>) dst(%arg8 : memref<1x128xi32, #tpu.memory_space<vmem>>)
      tpu.yield
    }) : () -> ()
    "tpu.region"() ({
      %run_scoped3A_49 = tpu.sem_alloc : memref<!tpu.dma_semaphore, #tpu.memory_space<semaphore_mem>>
      %dma_start3A_50 = arith.constant 1 : i32
      %dma_start3A_51 = arith.constant 0 : i32
      %dma_start3A_52 = tpu.memref_slice %arg2[%add3A, %dma_start3A_50, %dma_start3A_51] : memref<32x79x128xi32, #tpu.memory_space<hbm>> -> memref<1x1x128xi32, #tpu.memory_space<hbm>>
      %dma_start3A_53 = tpu.memref_squeeze %dma_start3A_52 : memref<1x1x128xi32, #tpu.memory_space<hbm>> -> memref<1x128xi32, #tpu.memory_space<hbm>>
      %dma_start3A_54 = arith.constant 1 : i32
      %dma_start3A_55 = arith.constant 0 : i32
      %dma_start3A_56 = tpu.memref_slice %arg2[%add3A, %dma_start3A_54, %dma_start3A_55] : memref<32x79x128xi32, #tpu.memory_space<hbm>> -> memref<1x1x128xi32, #tpu.memory_space<hbm>>
      %dma_start3A_57 = tpu.memref_squeeze %dma_start3A_56 : memref<1x1x128xi32, #tpu.memory_space<hbm>> -> memref<1x128xi32, #tpu.memory_space<hbm>>
      tpu.enqueue_dma source(%dma_start3A_57 : memref<1x128xi32, #tpu.memory_space<hbm>>) target(%arg9 : memref<1x128xi32, #tpu.memory_space<vmem>>) target_semaphore(%run_scoped3A_49 : memref<!tpu.dma_semaphore, #tpu.memory_space<semaphore_mem>>)
      %dma_wait3A_58 = arith.constant 1 : i32
      %dma_wait3A_59 = arith.constant 0 : i32
      %dma_wait3A_60 = tpu.memref_slice %arg2[%add3A, %dma_wait3A_58, %dma_wait3A_59] : memref<32x79x128xi32, #tpu.memory_space<hbm>> -> memref<1x1x128xi32, #tpu.memory_space<hbm>>
      %dma_wait3A_61 = tpu.memref_squeeze %dma_wait3A_60 : memref<1x1x128xi32, #tpu.memory_space<hbm>> -> memref<1x128xi32, #tpu.memory_space<hbm>>
      %dma_wait3A_62 = arith.constant 1 : i32
      %dma_wait3A_63 = arith.constant 0 : i32
      %dma_wait3A_64 = tpu.memref_slice %arg2[%add3A, %dma_wait3A_62, %dma_wait3A_63] : memref<32x79x128xi32, #tpu.memory_space<hbm>> -> memref<1x1x128xi32, #tpu.memory_space<hbm>>
      %dma_wait3A_65 = tpu.memref_squeeze %dma_wait3A_64 : memref<1x1x128xi32, #tpu.memory_space<hbm>> -> memref<1x128xi32, #tpu.memory_space<hbm>>
      tpu.wait_dma2 semaphore(%run_scoped3A_49 : memref<!tpu.dma_semaphore, #tpu.memory_space<semaphore_mem>>) src(%dma_wait3A_65 : memref<1x128xi32, #tpu.memory_space<hbm>>) dst(%arg9 : memref<1x128xi32, #tpu.memory_space<vmem>>)
      tpu.yield
    }) : () -> ()
    %barrier3A = arith.constant 0 : index
    tpu.barrier barrier_id(%barrier3A)
    %dma_start3A = arith.constant 0 : i32
    %dma_start3A_3 = arith.constant 0 : i32
    %dma_start3A_4 = tpu.memref_slice %arg8[%dma_start3A, %dma_start3A_3] : memref<1x128xi32, #tpu.memory_space<vmem>> -> memref<1x128xi32, #tpu.memory_space<vmem>>
    %dma_start3A_5 = tpu.memref_squeeze %dma_start3A_4 : memref<1x128xi32, #tpu.memory_space<vmem>> -> memref<128xi32, #tpu.memory_space<vmem>>
    %dma_start3A_6 = arith.constant 0 : i32
    %dma_start3A_7 = arith.constant 0 : i32
    %dma_start3A_8 = tpu.memref_slice %arg4[%arg0, %dma_start3A_6, %dma_start3A_7] : memref<2x10240x128xf32, #tpu.memory_space<hbm>> -> memref<1x10240x128xf32, #tpu.memory_space<hbm>>
    %dma_start3A_9 = tpu.memref_squeeze %dma_start3A_8 : memref<1x10240x128xf32, #tpu.memory_space<hbm>> -> memref<10240x128xf32, #tpu.memory_space<hbm>>
    %dma_start3A_10 = arith.constant 0 : i32
    %dma_start3A_11 = arith.constant 0 : i32
    %dma_start3A_12 = tpu.memref_slice %dma_start3A_9[%dma_start3A_10, %dma_start3A_11] : memref<10240x128xf32, #tpu.memory_space<hbm>> -> memref<10240x128xf32, #tpu.memory_space<hbm>>
    tpu.enqueue_indirect_dma source(%dma_start3A_12 : memref<10240x128xf32, #tpu.memory_space<hbm>>) target(%arg11 : memref<128x128xf32, #tpu.memory_space<vmem>>) offsets(%dma_start3A_5 : memref<128xi32, #tpu.memory_space<vmem>>) semaphore(%arg13 : memref<!tpu.dma_semaphore, #tpu.memory_space<semaphore_mem>>)
    %scan3A = arith.constant 0 : i32
    %scan3A_13 = arith.constant 0 : i32
    %scan3A_14 = arith.constant 39 : i32
    %scan3A_15 = arith.addi %scan3A_13, %scan3A_14 : i32
    %scan3A_16 = arith.constant 1 : i32
    scf.for %scan3A_49 = %scan3A_13 to %scan3A_15 step %scan3A_16  : i32 {
      %mul3A_50 = arith.constant 2 : i32
      %mul3A_51 = arith.muli %mul3A_50, %scan3A_49 : i32
      %add3A_52 = arith.constant 1 : i32
      %add3A_53 = arith.addi %mul3A_51, %add3A_52 : i32
      %dma_start3A_54 = arith.constant 0 : i32
      %dma_start3A_55 = arith.constant 0 : i32
      %dma_start3A_56 = tpu.memref_slice %arg9[%dma_start3A_54, %dma_start3A_55] : memref<1x128xi32, #tpu.memory_space<vmem>> -> memref<1x128xi32, #tpu.memory_space<vmem>>
      %dma_start3A_57 = tpu.memref_squeeze %dma_start3A_56 : memref<1x128xi32, #tpu.memory_space<vmem>> -> memref<128xi32, #tpu.memory_space<vmem>>
      %dma_start3A_58 = arith.constant 0 : i32
      %dma_start3A_59 = arith.constant 0 : i32
      %dma_start3A_60 = tpu.memref_slice %arg4[%arg0, %dma_start3A_58, %dma_start3A_59] : memref<2x10240x128xf32, #tpu.memory_space<hbm>> -> memref<1x10240x128xf32, #tpu.memory_space<hbm>>
      %dma_start3A_61 = tpu.memref_squeeze %dma_start3A_60 : memref<1x10240x128xf32, #tpu.memory_space<hbm>> -> memref<10240x128xf32, #tpu.memory_space<hbm>>
      %dma_start3A_62 = arith.constant 0 : i32
      %dma_start3A_63 = arith.constant 0 : i32
      %dma_start3A_64 = tpu.memref_slice %dma_start3A_61[%dma_start3A_62, %dma_start3A_63] : memref<10240x128xf32, #tpu.memory_space<hbm>> -> memref<10240x128xf32, #tpu.memory_space<hbm>>
      tpu.enqueue_indirect_dma source(%dma_start3A_64 : memref<10240x128xf32, #tpu.memory_space<hbm>>) target(%arg12 : memref<128x128xf32, #tpu.memory_space<vmem>>) offsets(%dma_start3A_57 : memref<128xi32, #tpu.memory_space<vmem>>) semaphore(%arg14 : memref<!tpu.dma_semaphore, #tpu.memory_space<semaphore_mem>>)
      %dma_wait3A_65 = arith.constant 0 : i32
      %dma_wait3A_66 = arith.constant 0 : i32
      %dma_wait3A_67 = tpu.memref_slice %arg8[%dma_wait3A_65, %dma_wait3A_66] : memref<1x128xi32, #tpu.memory_space<vmem>> -> memref<1x128xi32, #tpu.memory_space<vmem>>
      %dma_wait3A_68 = tpu.memref_squeeze %dma_wait3A_67 : memref<1x128xi32, #tpu.memory_space<vmem>> -> memref<128xi32, #tpu.memory_space<vmem>>
      %dma_wait3A_69 = arith.constant 0 : i32
      %dma_wait3A_70 = arith.constant 0 : i32
      %dma_wait3A_71 = tpu.memref_slice %arg4[%arg0, %dma_wait3A_69, %dma_wait3A_70] : memref<2x10240x128xf32, #tpu.memory_space<hbm>> -> memref<1x10240x128xf32, #tpu.memory_space<hbm>>
      %dma_wait3A_72 = tpu.memref_squeeze %dma_wait3A_71 : memref<1x10240x128xf32, #tpu.memory_space<hbm>> -> memref<10240x128xf32, #tpu.memory_space<hbm>>
      %dma_wait3A_73 = arith.constant 0 : i32
      %dma_wait3A_74 = arith.constant 0 : i32
      %dma_wait3A_75 = tpu.memref_slice %dma_wait3A_72[%dma_wait3A_73, %dma_wait3A_74] : memref<10240x128xf32, #tpu.memory_space<hbm>> -> memref<10240x128xf32, #tpu.memory_space<hbm>>
      tpu.wait_indirect_dma semaphore(%arg13 : memref<!tpu.dma_semaphore, #tpu.memory_space<semaphore_mem>>) src(%dma_wait3A_75 : memref<10240x128xf32, #tpu.memory_space<hbm>>) dst(%arg11 : memref<128x128xf32, #tpu.memory_space<vmem>>)
      %add3A_76 = arith.constant 2 : i32
      %add3A_77 = arith.addi %mul3A_51, %add3A_76 : i32
      %min3A = arith.constant 78 : i32
      %min3A_78 = arith.minsi %add3A_77, %min3A : i32
      %dma_start3A_79 = arith.constant 0 : i32
      %dma_start3A_80 = tpu.memref_slice %arg2[%add3A, %min3A_78, %dma_start3A_79] : memref<32x79x128xi32, #tpu.memory_space<hbm>> -> memref<1x1x128xi32, #tpu.memory_space<hbm>>
      %dma_start3A_81 = tpu.memref_squeeze %dma_start3A_80 : memref<1x1x128xi32, #tpu.memory_space<hbm>> -> memref<1x128xi32, #tpu.memory_space<hbm>>
      %dma_start3A_82 = arith.constant 0 : i32
      %dma_start3A_83 = tpu.memref_slice %arg2[%add3A, %min3A_78, %dma_start3A_82] : memref<32x79x128xi32, #tpu.memory_space<hbm>> -> memref<1x1x128xi32, #tpu.memory_space<hbm>>
      %dma_start3A_84 = tpu.memref_squeeze %dma_start3A_83 : memref<1x1x128xi32, #tpu.memory_space<hbm>> -> memref<1x128xi32, #tpu.memory_space<hbm>>
      tpu.enqueue_dma source(%dma_start3A_84 : memref<1x128xi32, #tpu.memory_space<hbm>>) target(%arg8 : memref<1x128xi32, #tpu.memory_space<vmem>>) target_semaphore(%arg15 : memref<!tpu.dma_semaphore, #tpu.memory_space<semaphore_mem>>)
      "tpu.region"() ({
        %run_scoped3A_129 = tpu.sem_alloc : memref<!tpu.dma_semaphore, #tpu.memory_space<semaphore_mem>>
        %dma_start3A_130 = arith.constant 0 : i32
        %dma_start3A_131 = tpu.memref_slice %arg10[%mul3A_51, %dma_start3A_130] : memref<79x128xi32, #tpu.memory_space<vmem>> -> memref<1x128xi32, #tpu.memory_space<vmem>>
        %dma_start3A_132 = tpu.memref_squeeze %dma_start3A_131 : memref<1x128xi32, #tpu.memory_space<vmem>> -> memref<128xi32, #tpu.memory_space<vmem>>
        %dma_start3A_133 = arith.constant 0 : i32
        %dma_start3A_134 = arith.constant 0 : i32
        %dma_start3A_135 = tpu.memref_slice %arg7[%dma_start3A_133, %dma_start3A_134] : memref<10240x128xf32, #tpu.memory_space<vmem_shared>> -> memref<10240x128xf32, #tpu.memory_space<vmem_shared>>
        tpu.enqueue_indirect_dma source(%arg11 : memref<128x128xf32, #tpu.memory_space<vmem>>) target(%dma_start3A_135 : memref<10240x128xf32, #tpu.memory_space<vmem_shared>>) offsets(%dma_start3A_132 : memref<128xi32, #tpu.memory_space<vmem>>) semaphore(%run_scoped3A_129 : memref<!tpu.dma_semaphore, #tpu.memory_space<semaphore_mem>>) {add = true}
        %dma_wait3A_136 = arith.constant 0 : i32
        %dma_wait3A_137 = tpu.memref_slice %arg10[%mul3A_51, %dma_wait3A_136] : memref<79x128xi32, #tpu.memory_space<vmem>> -> memref<1x128xi32, #tpu.memory_space<vmem>>
        %dma_wait3A_138 = tpu.memref_squeeze %dma_wait3A_137 : memref<1x128xi32, #tpu.memory_space<vmem>> -> memref<128xi32, #tpu.memory_space<vmem>>
        %dma_wait3A_139 = arith.constant 0 : i32
        %dma_wait3A_140 = arith.constant 0 : i32
        %dma_wait3A_141 = tpu.memref_slice %arg7[%dma_wait3A_139, %dma_wait3A_140] : memref<10240x128xf32, #tpu.memory_space<vmem_shared>> -> memref<10240x128xf32, #tpu.memory_space<vmem_shared>>
        tpu.wait_indirect_dma semaphore(%run_scoped3A_129 : memref<!tpu.dma_semaphore, #tpu.memory_space<semaphore_mem>>) src(%arg11 : memref<128x128xf32, #tpu.memory_space<vmem>>) dst(%dma_wait3A_141 : memref<10240x128xf32, #tpu.memory_space<vmem_shared>>)
        tpu.yield
      }) : () -> ()
      %dma_wait3A_85 = arith.constant 0 : i32
      %dma_wait3A_86 = tpu.memref_slice %arg2[%add3A, %min3A_78, %dma_wait3A_85] : memref<32x79x128xi32, #tpu.memory_space<hbm>> -> memref<1x1x128xi32, #tpu.memory_space<hbm>>
      %dma_wait3A_87 = tpu.memref_squeeze %dma_wait3A_86 : memref<1x1x128xi32, #tpu.memory_space<hbm>> -> memref<1x128xi32, #tpu.memory_space<hbm>>
      %dma_wait3A_88 = arith.constant 0 : i32
      %dma_wait3A_89 = tpu.memref_slice %arg2[%add3A, %min3A_78, %dma_wait3A_88] : memref<32x79x128xi32, #tpu.memory_space<hbm>> -> memref<1x1x128xi32, #tpu.memory_space<hbm>>
      %dma_wait3A_90 = tpu.memref_squeeze %dma_wait3A_89 : memref<1x1x128xi32, #tpu.memory_space<hbm>> -> memref<1x128xi32, #tpu.memory_space<hbm>>
      tpu.wait_dma2 semaphore(%arg15 : memref<!tpu.dma_semaphore, #tpu.memory_space<semaphore_mem>>) src(%dma_wait3A_90 : memref<1x128xi32, #tpu.memory_space<hbm>>) dst(%arg8 : memref<1x128xi32, #tpu.memory_space<vmem>>)
      %dma_start3A_91 = arith.constant 0 : i32
      %dma_start3A_92 = arith.constant 0 : i32
      %dma_start3A_93 = tpu.memref_slice %arg8[%dma_start3A_91, %dma_start3A_92] : memref<1x128xi32, #tpu.memory_space<vmem>> -> memref<1x128xi32, #tpu.memory_space<vmem>>
      %dma_start3A_94 = tpu.memref_squeeze %dma_start3A_93 : memref<1x128xi32, #tpu.memory_space<vmem>> -> memref<128xi32, #tpu.memory_space<vmem>>
      %dma_start3A_95 = arith.constant 0 : i32
      %dma_start3A_96 = arith.constant 0 : i32
      %dma_start3A_97 = tpu.memref_slice %arg4[%arg0, %dma_start3A_95, %dma_start3A_96] : memref<2x10240x128xf32, #tpu.memory_space<hbm>> -> memref<1x10240x128xf32, #tpu.memory_space<hbm>>
      %dma_start3A_98 = tpu.memref_squeeze %dma_start3A_97 : memref<1x10240x128xf32, #tpu.memory_space<hbm>> -> memref<10240x128xf32, #tpu.memory_space<hbm>>
      %dma_start3A_99 = arith.constant 0 : i32
      %dma_start3A_100 = arith.constant 0 : i32
      %dma_start3A_101 = tpu.memref_slice %dma_start3A_98[%dma_start3A_99, %dma_start3A_100] : memref<10240x128xf32, #tpu.memory_space<hbm>> -> memref<10240x128xf32, #tpu.memory_space<hbm>>
      tpu.enqueue_indirect_dma source(%dma_start3A_101 : memref<10240x128xf32, #tpu.memory_space<hbm>>) target(%arg11 : memref<128x128xf32, #tpu.memory_space<vmem>>) offsets(%dma_start3A_94 : memref<128xi32, #tpu.memory_space<vmem>>) semaphore(%arg13 : memref<!tpu.dma_semaphore, #tpu.memory_space<semaphore_mem>>)
      %dma_wait3A_102 = arith.constant 0 : i32
      %dma_wait3A_103 = arith.constant 0 : i32
      %dma_wait3A_104 = tpu.memref_slice %arg9[%dma_wait3A_102, %dma_wait3A_103] : memref<1x128xi32, #tpu.memory_space<vmem>> -> memref<1x128xi32, #tpu.memory_space<vmem>>
      %dma_wait3A_105 = tpu.memref_squeeze %dma_wait3A_104 : memref<1x128xi32, #tpu.memory_space<vmem>> -> memref<128xi32, #tpu.memory_space<vmem>>
      %dma_wait3A_106 = arith.constant 0 : i32
      %dma_wait3A_107 = arith.constant 0 : i32
      %dma_wait3A_108 = tpu.memref_slice %arg4[%arg0, %dma_wait3A_106, %dma_wait3A_107] : memref<2x10240x128xf32, #tpu.memory_space<hbm>> -> memref<1x10240x128xf32, #tpu.memory_space<hbm>>
      %dma_wait3A_109 = tpu.memref_squeeze %dma_wait3A_108 : memref<1x10240x128xf32, #tpu.memory_space<hbm>> -> memref<10240x128xf32, #tpu.memory_space<hbm>>
      %dma_wait3A_110 = arith.constant 0 : i32
      %dma_wait3A_111 = arith.constant 0 : i32
      %dma_wait3A_112 = tpu.memref_slice %dma_wait3A_109[%dma_wait3A_110, %dma_wait3A_111] : memref<10240x128xf32, #tpu.memory_space<hbm>> -> memref<10240x128xf32, #tpu.memory_space<hbm>>
      tpu.wait_indirect_dma semaphore(%arg14 : memref<!tpu.dma_semaphore, #tpu.memory_space<semaphore_mem>>) src(%dma_wait3A_112 : memref<10240x128xf32, #tpu.memory_space<hbm>>) dst(%arg12 : memref<128x128xf32, #tpu.memory_space<vmem>>)
      %add3A_113 = arith.constant 2 : i32
      %add3A_114 = arith.addi %add3A_53, %add3A_113 : i32
      %min3A_115 = arith.constant 78 : i32
      %min3A_116 = arith.minsi %add3A_114, %min3A_115 : i32
      %dma_start3A_117 = arith.constant 0 : i32
      %dma_start3A_118 = tpu.memref_slice %arg2[%add3A, %min3A_116, %dma_start3A_117] : memref<32x79x128xi32, #tpu.memory_space<hbm>> -> memref<1x1x128xi32, #tpu.memory_space<hbm>>
      %dma_start3A_119 = tpu.memref_squeeze %dma_start3A_118 : memref<1x1x128xi32, #tpu.memory_space<hbm>> -> memref<1x128xi32, #tpu.memory_space<hbm>>
      %dma_start3A_120 = arith.constant 0 : i32
      %dma_start3A_121 = tpu.memref_slice %arg2[%add3A, %min3A_116, %dma_start3A_120] : memref<32x79x128xi32, #tpu.memory_space<hbm>> -> memref<1x1x128xi32, #tpu.memory_space<hbm>>
      %dma_start3A_122 = tpu.memref_squeeze %dma_start3A_121 : memref<1x1x128xi32, #tpu.memory_space<hbm>> -> memref<1x128xi32, #tpu.memory_space<hbm>>
      tpu.enqueue_dma source(%dma_start3A_122 : memref<1x128xi32, #tpu.memory_space<hbm>>) target(%arg9 : memref<1x128xi32, #tpu.memory_space<vmem>>) target_semaphore(%arg16 : memref<!tpu.dma_semaphore, #tpu.memory_space<semaphore_mem>>)
      "tpu.region"() ({
        %run_scoped3A_129 = tpu.sem_alloc : memref<!tpu.dma_semaphore, #tpu.memory_space<semaphore_mem>>
        %dma_start3A_130 = arith.constant 0 : i32
        %dma_start3A_131 = tpu.memref_slice %arg10[%add3A_53, %dma_start3A_130] : memref<79x128xi32, #tpu.memory_space<vmem>> -> memref<1x128xi32, #tpu.memory_space<vmem>>
        %dma_start3A_132 = tpu.memref_squeeze %dma_start3A_131 : memref<1x128xi32, #tpu.memory_space<vmem>> -> memref<128xi32, #tpu.memory_space<vmem>>
        %dma_start3A_133 = arith.constant 0 : i32
        %dma_start3A_134 = arith.constant 0 : i32
        %dma_start3A_135 = tpu.memref_slice %arg7[%dma_start3A_133, %dma_start3A_134] : memref<10240x128xf32, #tpu.memory_space<vmem_shared>> -> memref<10240x128xf32, #tpu.memory_space<vmem_shared>>
        tpu.enqueue_indirect_dma source(%arg12 : memref<128x128xf32, #tpu.memory_space<vmem>>) target(%dma_start3A_135 : memref<10240x128xf32, #tpu.memory_space<vmem_shared>>) offsets(%dma_start3A_132 : memref<128xi32, #tpu.memory_space<vmem>>) semaphore(%run_scoped3A_129 : memref<!tpu.dma_semaphore, #tpu.memory_space<semaphore_mem>>) {add = true}
        %dma_wait3A_136 = arith.constant 0 : i32
        %dma_wait3A_137 = tpu.memref_slice %arg10[%add3A_53, %dma_wait3A_136] : memref<79x128xi32, #tpu.memory_space<vmem>> -> memref<1x128xi32, #tpu.memory_space<vmem>>
        %dma_wait3A_138 = tpu.memref_squeeze %dma_wait3A_137 : memref<1x128xi32, #tpu.memory_space<vmem>> -> memref<128xi32, #tpu.memory_space<vmem>>
        %dma_wait3A_139 = arith.constant 0 : i32
        %dma_wait3A_140 = arith.constant 0 : i32
        %dma_wait3A_141 = tpu.memref_slice %arg7[%dma_wait3A_139, %dma_wait3A_140] : memref<10240x128xf32, #tpu.memory_space<vmem_shared>> -> memref<10240x128xf32, #tpu.memory_space<vmem_shared>>
        tpu.wait_indirect_dma semaphore(%run_scoped3A_129 : memref<!tpu.dma_semaphore, #tpu.memory_space<semaphore_mem>>) src(%arg12 : memref<128x128xf32, #tpu.memory_space<vmem>>) dst(%dma_wait3A_141 : memref<10240x128xf32, #tpu.memory_space<vmem_shared>>)
        tpu.yield
      }) : () -> ()
      %dma_wait3A_123 = arith.constant 0 : i32
      %dma_wait3A_124 = tpu.memref_slice %arg2[%add3A, %min3A_116, %dma_wait3A_123] : memref<32x79x128xi32, #tpu.memory_space<hbm>> -> memref<1x1x128xi32, #tpu.memory_space<hbm>>
      %dma_wait3A_125 = tpu.memref_squeeze %dma_wait3A_124 : memref<1x1x128xi32, #tpu.memory_space<hbm>> -> memref<1x128xi32, #tpu.memory_space<hbm>>
      %dma_wait3A_126 = arith.constant 0 : i32
      %dma_wait3A_127 = tpu.memref_slice %arg2[%add3A, %min3A_116, %dma_wait3A_126] : memref<32x79x128xi32, #tpu.memory_space<hbm>> -> memref<1x1x128xi32, #tpu.memory_space<hbm>>
      %dma_wait3A_128 = tpu.memref_squeeze %dma_wait3A_127 : memref<1x1x128xi32, #tpu.memory_space<hbm>> -> memref<1x128xi32, #tpu.memory_space<hbm>>
      tpu.wait_dma2 semaphore(%arg16 : memref<!tpu.dma_semaphore, #tpu.memory_space<semaphore_mem>>) src(%dma_wait3A_128 : memref<1x128xi32, #tpu.memory_space<hbm>>) dst(%arg9 : memref<1x128xi32, #tpu.memory_space<vmem>>)
    }
    %scan3A_17 = arith.constant 39 : i32
    %dma_wait3A = arith.constant 0 : i32
    %dma_wait3A_18 = arith.constant 0 : i32
    %dma_wait3A_19 = tpu.memref_slice %arg8[%dma_wait3A, %dma_wait3A_18] : memref<1x128xi32, #tpu.memory_space<vmem>> -> memref<1x128xi32, #tpu.memory_space<vmem>>
    %dma_wait3A_20 = tpu.memref_squeeze %dma_wait3A_19 : memref<1x128xi32, #tpu.memory_space<vmem>> -> memref<128xi32, #tpu.memory_space<vmem>>
    %dma_wait3A_21 = arith.constant 0 : i32
    %dma_wait3A_22 = arith.constant 0 : i32
    %dma_wait3A_23 = tpu.memref_slice %arg4[%arg0, %dma_wait3A_21, %dma_wait3A_22] : memref<2x10240x128xf32, #tpu.memory_space<hbm>> -> memref<1x10240x128xf32, #tpu.memory_space<hbm>>
    %dma_wait3A_24 = tpu.memref_squeeze %dma_wait3A_23 : memref<1x10240x128xf32, #tpu.memory_space<hbm>> -> memref<10240x128xf32, #tpu.memory_space<hbm>>
    %dma_wait3A_25 = arith.constant 0 : i32
    %dma_wait3A_26 = arith.constant 0 : i32
    %dma_wait3A_27 = tpu.memref_slice %dma_wait3A_24[%dma_wait3A_25, %dma_wait3A_26] : memref<10240x128xf32, #tpu.memory_space<hbm>> -> memref<10240x128xf32, #tpu.memory_space<hbm>>
    tpu.wait_indirect_dma semaphore(%arg13 : memref<!tpu.dma_semaphore, #tpu.memory_space<semaphore_mem>>) src(%dma_wait3A_27 : memref<10240x128xf32, #tpu.memory_space<hbm>>) dst(%arg11 : memref<128x128xf32, #tpu.memory_space<vmem>>)
    %run_scoped3A = arith.constant 78 : i32
    "tpu.region"() ({
      %run_scoped3A_49 = tpu.sem_alloc : memref<!tpu.dma_semaphore, #tpu.memory_space<semaphore_mem>>
      %dma_start3A_50 = arith.constant 0 : i32
      %dma_start3A_51 = tpu.memref_slice %arg10[%run_scoped3A, %dma_start3A_50] : memref<79x128xi32, #tpu.memory_space<vmem>> -> memref<1x128xi32, #tpu.memory_space<vmem>>
      %dma_start3A_52 = tpu.memref_squeeze %dma_start3A_51 : memref<1x128xi32, #tpu.memory_space<vmem>> -> memref<128xi32, #tpu.memory_space<vmem>>
      %dma_start3A_53 = arith.constant 0 : i32
      %dma_start3A_54 = arith.constant 0 : i32
      %dma_start3A_55 = tpu.memref_slice %arg7[%dma_start3A_53, %dma_start3A_54] : memref<10240x128xf32, #tpu.memory_space<vmem_shared>> -> memref<10240x128xf32, #tpu.memory_space<vmem_shared>>
      tpu.enqueue_indirect_dma source(%arg11 : memref<128x128xf32, #tpu.memory_space<vmem>>) target(%dma_start3A_55 : memref<10240x128xf32, #tpu.memory_space<vmem_shared>>) offsets(%dma_start3A_52 : memref<128xi32, #tpu.memory_space<vmem>>) semaphore(%run_scoped3A_49 : memref<!tpu.dma_semaphore, #tpu.memory_space<semaphore_mem>>) {add = true}
      %dma_wait3A_56 = arith.constant 0 : i32
      %dma_wait3A_57 = tpu.memref_slice %arg10[%run_scoped3A, %dma_wait3A_56] : memref<79x128xi32, #tpu.memory_space<vmem>> -> memref<1x128xi32, #tpu.memory_space<vmem>>
      %dma_wait3A_58 = tpu.memref_squeeze %dma_wait3A_57 : memref<1x128xi32, #tpu.memory_space<vmem>> -> memref<128xi32, #tpu.memory_space<vmem>>
      %dma_wait3A_59 = arith.constant 0 : i32
      %dma_wait3A_60 = arith.constant 0 : i32
      %dma_wait3A_61 = tpu.memref_slice %arg7[%dma_wait3A_59, %dma_wait3A_60] : memref<10240x128xf32, #tpu.memory_space<vmem_shared>> -> memref<10240x128xf32, #tpu.memory_space<vmem_shared>>
      tpu.wait_indirect_dma semaphore(%run_scoped3A_49 : memref<!tpu.dma_semaphore, #tpu.memory_space<semaphore_mem>>) src(%arg11 : memref<128x128xf32, #tpu.memory_space<vmem>>) dst(%dma_wait3A_61 : memref<10240x128xf32, #tpu.memory_space<vmem_shared>>)
      tpu.yield
    }) : () -> ()
    %barrier3A_28 = arith.constant 0 : index
    tpu.barrier barrier_id(%barrier3A_28)
    %add3A_29 = arith.constant 0 : i32
    %add3A_30 = arith.addi %mul3A_2, %add3A_29 : i32
    "tpu.region"() ({
      %run_scoped3A_49 = tpu.sem_alloc : memref<!tpu.dma_semaphore, #tpu.memory_space<semaphore_mem>>
      %dma_start3A_50 = arith.constant 0 : i32
      %dma_start3A_51 = tpu.memref_slice %arg7[%add3A_30, %dma_start3A_50] : memref<10240x128xf32, #tpu.memory_space<vmem_shared>> -> memref<128x128xf32, #tpu.memory_space<vmem_shared>>
      %dma_start3A_52 = arith.constant 0 : i32
      %dma_start3A_53 = tpu.memref_slice %arg7[%add3A_30, %dma_start3A_52] : memref<10240x128xf32, #tpu.memory_space<vmem_shared>> -> memref<128x128xf32, #tpu.memory_space<vmem_shared>>
      tpu.enqueue_dma source(%dma_start3A_53 : memref<128x128xf32, #tpu.memory_space<vmem_shared>>) target(%arg11 : memref<128x128xf32, #tpu.memory_space<vmem>>) target_semaphore(%run_scoped3A_49 : memref<!tpu.dma_semaphore, #tpu.memory_space<semaphore_mem>>)
      %dma_wait3A_54 = arith.constant 0 : i32
      %dma_wait3A_55 = tpu.memref_slice %arg7[%add3A_30, %dma_wait3A_54] : memref<10240x128xf32, #tpu.memory_space<vmem_shared>> -> memref<128x128xf32, #tpu.memory_space<vmem_shared>>
      %dma_wait3A_56 = arith.constant 0 : i32
      %dma_wait3A_57 = tpu.memref_slice %arg7[%add3A_30, %dma_wait3A_56] : memref<10240x128xf32, #tpu.memory_space<vmem_shared>> -> memref<128x128xf32, #tpu.memory_space<vmem_shared>>
      tpu.wait_dma2 semaphore(%run_scoped3A_49 : memref<!tpu.dma_semaphore, #tpu.memory_space<semaphore_mem>>) src(%dma_wait3A_57 : memref<128x128xf32, #tpu.memory_space<vmem_shared>>) dst(%arg11 : memref<128x128xf32, #tpu.memory_space<vmem>>)
      tpu.yield
    }) : () -> ()
    %add3A_31 = arith.constant 0 : i32
    %add3A_32 = arith.addi %mul3A_2, %add3A_31 : i32
    "tpu.region"() ({
      %run_scoped3A_49 = tpu.sem_alloc : memref<!tpu.dma_semaphore, #tpu.memory_space<semaphore_mem>>
      %dma_start3A_50 = arith.constant 0 : i32
      %dma_start3A_51 = tpu.memref_slice %arg6[%arg0, %add3A_32, %dma_start3A_50] : memref<2x10240x128xf32, #tpu.memory_space<hbm>> -> memref<1x128x128xf32, #tpu.memory_space<hbm>>
      %dma_start3A_52 = tpu.memref_squeeze %dma_start3A_51 : memref<1x128x128xf32, #tpu.memory_space<hbm>> -> memref<128x128xf32, #tpu.memory_space<hbm>>
      %dma_start3A_53 = arith.constant 0 : i32
      %dma_start3A_54 = tpu.memref_slice %arg6[%arg0, %add3A_32, %dma_start3A_53] : memref<2x10240x128xf32, #tpu.memory_space<hbm>> -> memref<1x128x128xf32, #tpu.memory_space<hbm>>
      %dma_start3A_55 = tpu.memref_squeeze %dma_start3A_54 : memref<1x128x128xf32, #tpu.memory_space<hbm>> -> memref<128x128xf32, #tpu.memory_space<hbm>>
      tpu.enqueue_dma source(%arg11 : memref<128x128xf32, #tpu.memory_space<vmem>>) target(%dma_start3A_55 : memref<128x128xf32, #tpu.memory_space<hbm>>) target_semaphore(%run_scoped3A_49 : memref<!tpu.dma_semaphore, #tpu.memory_space<semaphore_mem>>)
      %dma_wait3A_56 = arith.constant 0 : i32
      %dma_wait3A_57 = tpu.memref_slice %arg6[%arg0, %add3A_32, %dma_wait3A_56] : memref<2x10240x128xf32, #tpu.memory_space<hbm>> -> memref<1x128x128xf32, #tpu.memory_space<hbm>>
      %dma_wait3A_58 = tpu.memref_squeeze %dma_wait3A_57 : memref<1x128x128xf32, #tpu.memory_space<hbm>> -> memref<128x128xf32, #tpu.memory_space<hbm>>
      %dma_wait3A_59 = arith.constant 0 : i32
      %dma_wait3A_60 = tpu.memref_slice %arg6[%arg0, %add3A_32, %dma_wait3A_59] : memref<2x10240x128xf32, #tpu.memory_space<hbm>> -> memref<1x128x128xf32, #tpu.memory_space<hbm>>
      %dma_wait3A_61 = tpu.memref_squeeze %dma_wait3A_60 : memref<1x128x128xf32, #tpu.memory_space<hbm>> -> memref<128x128xf32, #tpu.memory_space<hbm>>
      tpu.wait_dma2 semaphore(%run_scoped3A_49 : memref<!tpu.dma_semaphore, #tpu.memory_space<semaphore_mem>>) src(%arg11 : memref<128x128xf32, #tpu.memory_space<vmem>>) dst(%dma_wait3A_61 : memref<128x128xf32, #tpu.memory_space<hbm>>)
      tpu.yield
    }) : () -> ()
    %add3A_33 = arith.constant 128 : i32
    %add3A_34 = arith.addi %mul3A_2, %add3A_33 : i32
    "tpu.region"() ({
      %run_scoped3A_49 = tpu.sem_alloc : memref<!tpu.dma_semaphore, #tpu.memory_space<semaphore_mem>>
      %dma_start3A_50 = arith.constant 0 : i32
      %dma_start3A_51 = tpu.memref_slice %arg7[%add3A_34, %dma_start3A_50] : memref<10240x128xf32, #tpu.memory_space<vmem_shared>> -> memref<128x128xf32, #tpu.memory_space<vmem_shared>>
      %dma_start3A_52 = arith.constant 0 : i32
      %dma_start3A_53 = tpu.memref_slice %arg7[%add3A_34, %dma_start3A_52] : memref<10240x128xf32, #tpu.memory_space<vmem_shared>> -> memref<128x128xf32, #tpu.memory_space<vmem_shared>>
      tpu.enqueue_dma source(%dma_start3A_53 : memref<128x128xf32, #tpu.memory_space<vmem_shared>>) target(%arg11 : memref<128x128xf32, #tpu.memory_space<vmem>>) target_semaphore(%run_scoped3A_49 : memref<!tpu.dma_semaphore, #tpu.memory_space<semaphore_mem>>)
      %dma_wait3A_54 = arith.constant 0 : i32
      %dma_wait3A_55 = tpu.memref_slice %arg7[%add3A_34, %dma_wait3A_54] : memref<10240x128xf32, #tpu.memory_space<vmem_shared>> -> memref<128x128xf32, #tpu.memory_space<vmem_shared>>
      %dma_wait3A_56 = arith.constant 0 : i32
      %dma_wait3A_57 = tpu.memref_slice %arg7[%add3A_34, %dma_wait3A_56] : memref<10240x128xf32, #tpu.memory_space<vmem_shared>> -> memref<128x128xf32, #tpu.memory_space<vmem_shared>>
      tpu.wait_dma2 semaphore(%run_scoped3A_49 : memref<!tpu.dma_semaphore, #tpu.memory_space<semaphore_mem>>) src(%dma_wait3A_57 : memref<128x128xf32, #tpu.memory_space<vmem_shared>>) dst(%arg11 : memref<128x128xf32, #tpu.memory_space<vmem>>)
      tpu.yield
    }) : () -> ()
    %add3A_35 = arith.constant 128 : i32
    %add3A_36 = arith.addi %mul3A_2, %add3A_35 : i32
    "tpu.region"() ({
      %run_scoped3A_49 = tpu.sem_alloc : memref<!tpu.dma_semaphore, #tpu.memory_space<semaphore_mem>>
      %dma_start3A_50 = arith.constant 0 : i32
      %dma_start3A_51 = tpu.memref_slice %arg6[%arg0, %add3A_36, %dma_start3A_50] : memref<2x10240x128xf32, #tpu.memory_space<hbm>> -> memref<1x128x128xf32, #tpu.memory_space<hbm>>
      %dma_start3A_52 = tpu.memref_squeeze %dma_start3A_51 : memref<1x128x128xf32, #tpu.memory_space<hbm>> -> memref<128x128xf32, #tpu.memory_space<hbm>>
      %dma_start3A_53 = arith.constant 0 : i32
      %dma_start3A_54 = tpu.memref_slice %arg6[%arg0, %add3A_36, %dma_start3A_53] : memref<2x10240x128xf32, #tpu.memory_space<hbm>> -> memref<1x128x128xf32, #tpu.memory_space<hbm>>
      %dma_start3A_55 = tpu.memref_squeeze %dma_start3A_54 : memref<1x128x128xf32, #tpu.memory_space<hbm>> -> memref<128x128xf32, #tpu.memory_space<hbm>>
      tpu.enqueue_dma source(%arg11 : memref<128x128xf32, #tpu.memory_space<vmem>>) target(%dma_start3A_55 : memref<128x128xf32, #tpu.memory_space<hbm>>) target_semaphore(%run_scoped3A_49 : memref<!tpu.dma_semaphore, #tpu.memory_space<semaphore_mem>>)
      %dma_wait3A_56 = arith.constant 0 : i32
      %dma_wait3A_57 = tpu.memref_slice %arg6[%arg0, %add3A_36, %dma_wait3A_56] : memref<2x10240x128xf32, #tpu.memory_space<hbm>> -> memref<1x128x128xf32, #tpu.memory_space<hbm>>
      %dma_wait3A_58 = tpu.memref_squeeze %dma_wait3A_57 : memref<1x128x128xf32, #tpu.memory_space<hbm>> -> memref<128x128xf32, #tpu.memory_space<hbm>>
      %dma_wait3A_59 = arith.constant 0 : i32
      %dma_wait3A_60 = tpu.memref_slice %arg6[%arg0, %add3A_36, %dma_wait3A_59] : memref<2x10240x128xf32, #tpu.memory_space<hbm>> -> memref<1x128x128xf32, #tpu.memory_space<hbm>>
      %dma_wait3A_61 = tpu.memref_squeeze %dma_wait3A_60 : memref<1x128x128xf32, #tpu.memory_space<hbm>> -> memref<128x128xf32, #tpu.memory_space<hbm>>
      tpu.wait_dma2 semaphore(%run_scoped3A_49 : memref<!tpu.dma_semaphore, #tpu.memory_space<semaphore_mem>>) src(%arg11 : memref<128x128xf32, #tpu.memory_space<vmem>>) dst(%dma_wait3A_61 : memref<128x128xf32, #tpu.memory_space<hbm>>)
      tpu.yield
    }) : () -> ()
    %add3A_37 = arith.constant 256 : i32
    %add3A_38 = arith.addi %mul3A_2, %add3A_37 : i32
    "tpu.region"() ({
      %run_scoped3A_49 = tpu.sem_alloc : memref<!tpu.dma_semaphore, #tpu.memory_space<semaphore_mem>>
      %dma_start3A_50 = arith.constant 0 : i32
      %dma_start3A_51 = tpu.memref_slice %arg7[%add3A_38, %dma_start3A_50] : memref<10240x128xf32, #tpu.memory_space<vmem_shared>> -> memref<128x128xf32, #tpu.memory_space<vmem_shared>>
      %dma_start3A_52 = arith.constant 0 : i32
      %dma_start3A_53 = tpu.memref_slice %arg7[%add3A_38, %dma_start3A_52] : memref<10240x128xf32, #tpu.memory_space<vmem_shared>> -> memref<128x128xf32, #tpu.memory_space<vmem_shared>>
      tpu.enqueue_dma source(%dma_start3A_53 : memref<128x128xf32, #tpu.memory_space<vmem_shared>>) target(%arg11 : memref<128x128xf32, #tpu.memory_space<vmem>>) target_semaphore(%run_scoped3A_49 : memref<!tpu.dma_semaphore, #tpu.memory_space<semaphore_mem>>)
      %dma_wait3A_54 = arith.constant 0 : i32
      %dma_wait3A_55 = tpu.memref_slice %arg7[%add3A_38, %dma_wait3A_54] : memref<10240x128xf32, #tpu.memory_space<vmem_shared>> -> memref<128x128xf32, #tpu.memory_space<vmem_shared>>
      %dma_wait3A_56 = arith.constant 0 : i32
      %dma_wait3A_57 = tpu.memref_slice %arg7[%add3A_38, %dma_wait3A_56] : memref<10240x128xf32, #tpu.memory_space<vmem_shared>> -> memref<128x128xf32, #tpu.memory_space<vmem_shared>>
      tpu.wait_dma2 semaphore(%run_scoped3A_49 : memref<!tpu.dma_semaphore, #tpu.memory_space<semaphore_mem>>) src(%dma_wait3A_57 : memref<128x128xf32, #tpu.memory_space<vmem_shared>>) dst(%arg11 : memref<128x128xf32, #tpu.memory_space<vmem>>)
      tpu.yield
    }) : () -> ()
    %add3A_39 = arith.constant 256 : i32
    %add3A_40 = arith.addi %mul3A_2, %add3A_39 : i32
    "tpu.region"() ({
      %run_scoped3A_49 = tpu.sem_alloc : memref<!tpu.dma_semaphore, #tpu.memory_space<semaphore_mem>>
      %dma_start3A_50 = arith.constant 0 : i32
      %dma_start3A_51 = tpu.memref_slice %arg6[%arg0, %add3A_40, %dma_start3A_50] : memref<2x10240x128xf32, #tpu.memory_space<hbm>> -> memref<1x128x128xf32, #tpu.memory_space<hbm>>
      %dma_start3A_52 = tpu.memref_squeeze %dma_start3A_51 : memref<1x128x128xf32, #tpu.memory_space<hbm>> -> memref<128x128xf32, #tpu.memory_space<hbm>>
      %dma_start3A_53 = arith.constant 0 : i32
      %dma_start3A_54 = tpu.memref_slice %arg6[%arg0, %add3A_40, %dma_start3A_53] : memref<2x10240x128xf32, #tpu.memory_space<hbm>> -> memref<1x128x128xf32, #tpu.memory_space<hbm>>
      %dma_start3A_55 = tpu.memref_squeeze %dma_start3A_54 : memref<1x128x128xf32, #tpu.memory_space<hbm>> -> memref<128x128xf32, #tpu.memory_space<hbm>>
      tpu.enqueue_dma source(%arg11 : memref<128x128xf32, #tpu.memory_space<vmem>>) target(%dma_start3A_55 : memref<128x128xf32, #tpu.memory_space<hbm>>) target_semaphore(%run_scoped3A_49 : memref<!tpu.dma_semaphore, #tpu.memory_space<semaphore_mem>>)
      %dma_wait3A_56 = arith.constant 0 : i32
      %dma_wait3A_57 = tpu.memref_slice %arg6[%arg0, %add3A_40, %dma_wait3A_56] : memref<2x10240x128xf32, #tpu.memory_space<hbm>> -> memref<1x128x128xf32, #tpu.memory_space<hbm>>
      %dma_wait3A_58 = tpu.memref_squeeze %dma_wait3A_57 : memref<1x128x128xf32, #tpu.memory_space<hbm>> -> memref<128x128xf32, #tpu.memory_space<hbm>>
      %dma_wait3A_59 = arith.constant 0 : i32
      %dma_wait3A_60 = tpu.memref_slice %arg6[%arg0, %add3A_40, %dma_wait3A_59] : memref<2x10240x128xf32, #tpu.memory_space<hbm>> -> memref<1x128x128xf32, #tpu.memory_space<hbm>>
      %dma_wait3A_61 = tpu.memref_squeeze %dma_wait3A_60 : memref<1x128x128xf32, #tpu.memory_space<hbm>> -> memref<128x128xf32, #tpu.memory_space<hbm>>
      tpu.wait_dma2 semaphore(%run_scoped3A_49 : memref<!tpu.dma_semaphore, #tpu.memory_space<semaphore_mem>>) src(%arg11 : memref<128x128xf32, #tpu.memory_space<vmem>>) dst(%dma_wait3A_61 : memref<128x128xf32, #tpu.memory_space<hbm>>)
      tpu.yield
    }) : () -> ()
    %add3A_41 = arith.constant 384 : i32
    %add3A_42 = arith.addi %mul3A_2, %add3A_41 : i32
    "tpu.region"() ({
      %run_scoped3A_49 = tpu.sem_alloc : memref<!tpu.dma_semaphore, #tpu.memory_space<semaphore_mem>>
      %dma_start3A_50 = arith.constant 0 : i32
      %dma_start3A_51 = tpu.memref_slice %arg7[%add3A_42, %dma_start3A_50] : memref<10240x128xf32, #tpu.memory_space<vmem_shared>> -> memref<128x128xf32, #tpu.memory_space<vmem_shared>>
      %dma_start3A_52 = arith.constant 0 : i32
      %dma_start3A_53 = tpu.memref_slice %arg7[%add3A_42, %dma_start3A_52] : memref<10240x128xf32, #tpu.memory_space<vmem_shared>> -> memref<128x128xf32, #tpu.memory_space<vmem_shared>>
      tpu.enqueue_dma source(%dma_start3A_53 : memref<128x128xf32, #tpu.memory_space<vmem_shared>>) target(%arg11 : memref<128x128xf32, #tpu.memory_space<vmem>>) target_semaphore(%run_scoped3A_49 : memref<!tpu.dma_semaphore, #tpu.memory_space<semaphore_mem>>)
      %dma_wait3A_54 = arith.constant 0 : i32
      %dma_wait3A_55 = tpu.memref_slice %arg7[%add3A_42, %dma_wait3A_54] : memref<10240x128xf32, #tpu.memory_space<vmem_shared>> -> memref<128x128xf32, #tpu.memory_space<vmem_shared>>
      %dma_wait3A_56 = arith.constant 0 : i32
      %dma_wait3A_57 = tpu.memref_slice %arg7[%add3A_42, %dma_wait3A_56] : memref<10240x128xf32, #tpu.memory_space<vmem_shared>> -> memref<128x128xf32, #tpu.memory_space<vmem_shared>>
      tpu.wait_dma2 semaphore(%run_scoped3A_49 : memref<!tpu.dma_semaphore, #tpu.memory_space<semaphore_mem>>) src(%dma_wait3A_57 : memref<128x128xf32, #tpu.memory_space<vmem_shared>>) dst(%arg11 : memref<128x128xf32, #tpu.memory_space<vmem>>)
      tpu.yield
    }) : () -> ()
    %add3A_43 = arith.constant 384 : i32
    %add3A_44 = arith.addi %mul3A_2, %add3A_43 : i32
    "tpu.region"() ({
      %run_scoped3A_49 = tpu.sem_alloc : memref<!tpu.dma_semaphore, #tpu.memory_space<semaphore_mem>>
      %dma_start3A_50 = arith.constant 0 : i32
      %dma_start3A_51 = tpu.memref_slice %arg6[%arg0, %add3A_44, %dma_start3A_50] : memref<2x10240x128xf32, #tpu.memory_space<hbm>> -> memref<1x128x128xf32, #tpu.memory_space<hbm>>
      %dma_start3A_52 = tpu.memref_squeeze %dma_start3A_51 : memref<1x128x128xf32, #tpu.memory_space<hbm>> -> memref<128x128xf32, #tpu.memory_space<hbm>>
      %dma_start3A_53 = arith.constant 0 : i32
      %dma_start3A_54 = tpu.memref_slice %arg6[%arg0, %add3A_44, %dma_start3A_53] : memref<2x10240x128xf32, #tpu.memory_space<hbm>> -> memref<1x128x128xf32, #tpu.memory_space<hbm>>
      %dma_start3A_55 = tpu.memref_squeeze %dma_start3A_54 : memref<1x128x128xf32, #tpu.memory_space<hbm>> -> memref<128x128xf32, #tpu.memory_space<hbm>>
      tpu.enqueue_dma source(%arg11 : memref<128x128xf32, #tpu.memory_space<vmem>>) target(%dma_start3A_55 : memref<128x128xf32, #tpu.memory_space<hbm>>) target_semaphore(%run_scoped3A_49 : memref<!tpu.dma_semaphore, #tpu.memory_space<semaphore_mem>>)
      %dma_wait3A_56 = arith.constant 0 : i32
      %dma_wait3A_57 = tpu.memref_slice %arg6[%arg0, %add3A_44, %dma_wait3A_56] : memref<2x10240x128xf32, #tpu.memory_space<hbm>> -> memref<1x128x128xf32, #tpu.memory_space<hbm>>
      %dma_wait3A_58 = tpu.memref_squeeze %dma_wait3A_57 : memref<1x128x128xf32, #tpu.memory_space<hbm>> -> memref<128x128xf32, #tpu.memory_space<hbm>>
      %dma_wait3A_59 = arith.constant 0 : i32
      %dma_wait3A_60 = tpu.memref_slice %arg6[%arg0, %add3A_44, %dma_wait3A_59] : memref<2x10240x128xf32, #tpu.memory_space<hbm>> -> memref<1x128x128xf32, #tpu.memory_space<hbm>>
      %dma_wait3A_61 = tpu.memref_squeeze %dma_wait3A_60 : memref<1x128x128xf32, #tpu.memory_space<hbm>> -> memref<128x128xf32, #tpu.memory_space<hbm>>
      tpu.wait_dma2 semaphore(%run_scoped3A_49 : memref<!tpu.dma_semaphore, #tpu.memory_space<semaphore_mem>>) src(%arg11 : memref<128x128xf32, #tpu.memory_space<vmem>>) dst(%dma_wait3A_61 : memref<128x128xf32, #tpu.memory_space<hbm>>)
      tpu.yield
    }) : () -> ()
    %add3A_45 = arith.constant 512 : i32
    %add3A_46 = arith.addi %mul3A_2, %add3A_45 : i32
    "tpu.region"() ({
      %run_scoped3A_49 = tpu.sem_alloc : memref<!tpu.dma_semaphore, #tpu.memory_space<semaphore_mem>>
      %dma_start3A_50 = arith.constant 0 : i32
      %dma_start3A_51 = tpu.memref_slice %arg7[%add3A_46, %dma_start3A_50] : memref<10240x128xf32, #tpu.memory_space<vmem_shared>> -> memref<128x128xf32, #tpu.memory_space<vmem_shared>>
      %dma_start3A_52 = arith.constant 0 : i32
      %dma_start3A_53 = tpu.memref_slice %arg7[%add3A_46, %dma_start3A_52] : memref<10240x128xf32, #tpu.memory_space<vmem_shared>> -> memref<128x128xf32, #tpu.memory_space<vmem_shared>>
      tpu.enqueue_dma source(%dma_start3A_53 : memref<128x128xf32, #tpu.memory_space<vmem_shared>>) target(%arg11 : memref<128x128xf32, #tpu.memory_space<vmem>>) target_semaphore(%run_scoped3A_49 : memref<!tpu.dma_semaphore, #tpu.memory_space<semaphore_mem>>)
      %dma_wait3A_54 = arith.constant 0 : i32
      %dma_wait3A_55 = tpu.memref_slice %arg7[%add3A_46, %dma_wait3A_54] : memref<10240x128xf32, #tpu.memory_space<vmem_shared>> -> memref<128x128xf32, #tpu.memory_space<vmem_shared>>
      %dma_wait3A_56 = arith.constant 0 : i32
      %dma_wait3A_57 = tpu.memref_slice %arg7[%add3A_46, %dma_wait3A_56] : memref<10240x128xf32, #tpu.memory_space<vmem_shared>> -> memref<128x128xf32, #tpu.memory_space<vmem_shared>>
      tpu.wait_dma2 semaphore(%run_scoped3A_49 : memref<!tpu.dma_semaphore, #tpu.memory_space<semaphore_mem>>) src(%dma_wait3A_57 : memref<128x128xf32, #tpu.memory_space<vmem_shared>>) dst(%arg11 : memref<128x128xf32, #tpu.memory_space<vmem>>)
      tpu.yield
    }) : () -> ()
    %add3A_47 = arith.constant 512 : i32
    %add3A_48 = arith.addi %mul3A_2, %add3A_47 : i32
    "tpu.region"() ({
      %run_scoped3A_49 = tpu.sem_alloc : memref<!tpu.dma_semaphore, #tpu.memory_space<semaphore_mem>>
      %dma_start3A_50 = arith.constant 0 : i32
      %dma_start3A_51 = tpu.memref_slice %arg6[%arg0, %add3A_48, %dma_start3A_50] : memref<2x10240x128xf32, #tpu.memory_space<hbm>> -> memref<1x128x128xf32, #tpu.memory_space<hbm>>
      %dma_start3A_52 = tpu.memref_squeeze %dma_start3A_51 : memref<1x128x128xf32, #tpu.memory_space<hbm>> -> memref<128x128xf32, #tpu.memory_space<hbm>>
      %dma_start3A_53 = arith.constant 0 : i32
      %dma_start3A_54 = tpu.memref_slice %arg6[%arg0, %add3A_48, %dma_start3A_53] : memref<2x10240x128xf32, #tpu.memory_space<hbm>> -> memref<1x128x128xf32, #tpu.memory_space<hbm>>
      %dma_start3A_55 = tpu.memref_squeeze %dma_start3A_54 : memref<1x128x128xf32, #tpu.memory_space<hbm>> -> memref<128x128xf32, #tpu.memory_space<hbm>>
      tpu.enqueue_dma source(%arg11 : memref<128x128xf32, #tpu.memory_space<vmem>>) target(%dma_start3A_55 : memref<128x128xf32, #tpu.memory_space<hbm>>) target_semaphore(%run_scoped3A_49 : memref<!tpu.dma_semaphore, #tpu.memory_space<semaphore_mem>>)
      %dma_wait3A_56 = arith.constant 0 : i32
      %dma_wait3A_57 = tpu.memref_slice %arg6[%arg0, %add3A_48, %dma_wait3A_56] : memref<2x10240x128xf32, #tpu.memory_space<hbm>> -> memref<1x128x128xf32, #tpu.memory_space<hbm>>
      %dma_wait3A_58 = tpu.memref_squeeze %dma_wait3A_57 : memref<1x128x128xf32, #tpu.memory_space<hbm>> -> memref<128x128xf32, #tpu.memory_space<hbm>>
      %dma_wait3A_59 = arith.constant 0 : i32
      %dma_wait3A_60 = tpu.memref_slice %arg6[%arg0, %add3A_48, %dma_wait3A_59] : memref<2x10240x128xf32, #tpu.memory_space<hbm>> -> memref<1x128x128xf32, #tpu.memory_space<hbm>>
      %dma_wait3A_61 = tpu.memref_squeeze %dma_wait3A_60 : memref<1x128x128xf32, #tpu.memory_space<hbm>> -> memref<128x128xf32, #tpu.memory_space<hbm>>
      tpu.wait_dma2 semaphore(%run_scoped3A_49 : memref<!tpu.dma_semaphore, #tpu.memory_space<semaphore_mem>>) src(%arg11 : memref<128x128xf32, #tpu.memory_space<vmem>>) dst(%dma_wait3A_61 : memref<128x128xf32, #tpu.memory_space<hbm>>)
      tpu.yield
    }) : () -> ()
    return
  }
}

module attributes {stable_mosaic.version = 14 : i64} {
  func.func @_tc1_body(%arg0: i32, %arg1: memref<640x128xf32, #tpu.memory_space<vmem>>, %arg2: memref<128x128xf32, #tpu.memory_space<vmem>>, %arg3: memref<640x1xf32, #tpu.memory_space<vmem>>, %arg4: memref<640x1xf32, #tpu.memory_space<vmem>>, %arg5: memref<640x128xf32, #tpu.memory_space<vmem>>, %arg6: memref<640x128xf32, #tpu.memory_space<vmem>>) attributes {dimension_semantics = [#tpu.dimension_semantics<arbitrary>], iteration_bounds = array<i64: 16>, scalar_prefetch = 0 : i64, scratch_operands = 0 : i64, tpu.core_type = #tpu.core_type<tc>, window_params = [{transform_indices = @transform_0, window_bounds = array<i64: 640, 128>}, {pipeline_mode = #tpu.pipeline_mode<synchronous>, transform_indices = @transform_1, window_bounds = array<i64: 128, 128>}, {transform_indices = @transform_2, window_bounds = array<i64: 640, 1>}, {transform_indices = @transform_3, window_bounds = array<i64: 640, 1>}, {transform_indices = @transform_4, window_bounds = array<i64: 640, 128>}, {transform_indices = @transform_5, window_bounds = array<i64: 640, 128>}]} {
    %get3A = arith.constant 0 : index
    %get3A_0 = arith.constant 0 : index
    %get3A_1 = vector.load %arg3[%get3A, %get3A_0] : memref<640x1xf32, #tpu.memory_space<vmem>>, vector<640x1xf32>
    %get3A_2 = arith.constant 0 : index
    %get3A_3 = arith.constant 0 : index
    %get3A_4 = vector.load %arg4[%get3A_2, %get3A_3] : memref<640x1xf32, #tpu.memory_space<vmem>>, vector<640x1xf32>
    %add3A = arith.addf %get3A_1, %get3A_4 : vector<640x1xf32>
    %add3A_5 = arith.constant 1.000000e+00 : f32
    %add3A_6 = vector.broadcast %add3A_5 : f32 to vector<640x1xf32>
    %add3A_7 = arith.addf %add3A, %add3A_6 : vector<640x1xf32>
    %rsqrt3A = math.rsqrt %add3A_7 : vector<640x1xf32>
    %get3A_8 = arith.constant 0 : index
    %get3A_9 = arith.constant 0 : index
    %get3A_10 = vector.load %arg1[%get3A_8, %get3A_9] : memref<640x128xf32, #tpu.memory_space<vmem>>, vector<640x128xf32>
    %get3A_11 = arith.constant 0 : index
    %get3A_12 = arith.constant 0 : index
    %get3A_13 = vector.load %arg2[%get3A_11, %get3A_12] : memref<128x128xf32, #tpu.memory_space<vmem>>, vector<128x128xf32>
    %dot_general3A = arith.constant dense<0.000000e+00> : vector<640x128xf32>
    %dot_general3A_14 = tpu.matmul %get3A_10, %get3A_13, %dot_general3A {dimension_numbers = #tpu.dot_dimension_numbers<[1], [0], [0], [1], [0, 0, 1, 1], [], []>, transpose_lhs_hint = false} : vector<640x128xf32>, vector<128x128xf32>, vector<640x128xf32> -> vector<640x128xf32>
    %mul3A = vector.broadcast %rsqrt3A : vector<640x1xf32> to vector<640x128xf32>
    %mul3A_15 = arith.mulf %dot_general3A_14, %mul3A : vector<640x128xf32>
    %swap3A = arith.constant 0 : index
    %swap3A_16 = arith.constant 0 : index
    %swap3A_17 = vector.load %arg5[%swap3A, %swap3A_16] : memref<640x128xf32, #tpu.memory_space<vmem>>, vector<640x128xf32>
    tpu.vector_store %arg5[%swap3A, %swap3A_16], %mul3A_15 {strides = array<i32>} : memref<640x128xf32, #tpu.memory_space<vmem>>, vector<640x128xf32>,
    %swap3A_18 = arith.constant 0 : index
    %swap3A_19 = arith.constant 0 : index
    %swap3A_20 = vector.load %arg6[%swap3A_18, %swap3A_19] : memref<640x128xf32, #tpu.memory_space<vmem>>, vector<640x128xf32>
    tpu.vector_store %arg6[%swap3A_18, %swap3A_19], %mul3A_15 {strides = array<i32>} : memref<640x128xf32, #tpu.memory_space<vmem>>, vector<640x128xf32>,
    return
  }
  func.func @transform_0(%arg0: i32) -> (i32, i32) {
    %c0_i32 = arith.constant 0 : i32
    %c0_i32_0 = arith.constant 0 : i32
    return %arg0, %c0_i32 : i32, i32
  }
  func.func @transform_1(%arg0: i32) -> (i32, i32) {
    %c0_i32 = arith.constant 0 : i32
    %c0_i32_0 = arith.constant 0 : i32
    %c0_i32_1 = arith.constant 0 : i32
    return %c0_i32, %c0_i32_0 : i32, i32
  }
  func.func @transform_2(%arg0: i32) -> (i32, i32) {
    %c0_i32 = arith.constant 0 : i32
    %c0_i32_0 = arith.constant 0 : i32
    return %arg0, %c0_i32 : i32, i32
  }
  func.func @transform_3(%arg0: i32) -> (i32, i32) {
    %c0_i32 = arith.constant 0 : i32
    %c0_i32_0 = arith.constant 0 : i32
    return %arg0, %c0_i32 : i32, i32
  }
  func.func @transform_4(%arg0: i32) -> (i32, i32) {
    %c0_i32 = arith.constant 0 : i32
    %c0_i32_0 = arith.constant 0 : i32
    return %arg0, %c0_i32 : i32, i32
  }
  func.func @transform_5(%arg0: i32) -> (i32, i32) {
    %c0_i32 = arith.constant 0 : i32
    %c0_i32_0 = arith.constant 0 : i32
    return %arg0, %c0_i32 : i32, i32
  }
}

module attributes {stable_mosaic.version = 14 : i64} {
  func.func @_tc2_body(%arg0: i32, %arg1: memref<640x128xf32, #tpu.memory_space<vmem>>, %arg2: memref<640x128xf32, #tpu.memory_space<vmem>>, %arg3: memref<640x128xf32, #tpu.memory_space<vmem>>, %arg4: memref<640x1xf32, #tpu.memory_space<vmem>>, %arg5: memref<640x1xf32, #tpu.memory_space<vmem>>, %arg6: memref<128x128xf32, #tpu.memory_space<vmem>>, %arg7: memref<1x128xf32, #tpu.memory_space<vmem>>, %arg8: memref<640x128xf32, #tpu.memory_space<vmem>>, %arg9: memref<640x128xf32, #tpu.memory_space<vmem>>) attributes {dimension_semantics = [#tpu.dimension_semantics<arbitrary>], iteration_bounds = array<i64: 16>, scalar_prefetch = 0 : i64, scratch_operands = 0 : i64, tpu.core_type = #tpu.core_type<tc>, window_params = [{transform_indices = @transform_0, window_bounds = array<i64: 640, 128>}, {transform_indices = @transform_1, window_bounds = array<i64: 640, 128>}, {transform_indices = @transform_2, window_bounds = array<i64: 640, 128>}, {transform_indices = @transform_3, window_bounds = array<i64: 640, 1>}, {transform_indices = @transform_4, window_bounds = array<i64: 640, 1>}, {pipeline_mode = #tpu.pipeline_mode<synchronous>, transform_indices = @transform_5, window_bounds = array<i64: 128, 128>}, {pipeline_mode = #tpu.pipeline_mode<synchronous>, transform_indices = @transform_6, window_bounds = array<i64: 1, 128>}, {transform_indices = @transform_7, window_bounds = array<i64: 640, 128>}, {transform_indices = @transform_8, window_bounds = array<i64: 640, 128>}]} {
    %get3A = arith.constant 0 : index
    %get3A_0 = arith.constant 0 : index
    %get3A_1 = vector.load %arg4[%get3A, %get3A_0] : memref<640x1xf32, #tpu.memory_space<vmem>>, vector<640x1xf32>
    %get3A_2 = arith.constant 0 : index
    %get3A_3 = arith.constant 0 : index
    %get3A_4 = vector.load %arg5[%get3A_2, %get3A_3] : memref<640x1xf32, #tpu.memory_space<vmem>>, vector<640x1xf32>
    %add3A = arith.addf %get3A_1, %get3A_4 : vector<640x1xf32>
    %add3A_5 = arith.constant 1.000000e+00 : f32
    %add3A_6 = vector.broadcast %add3A_5 : f32 to vector<640x1xf32>
    %add3A_7 = arith.addf %add3A, %add3A_6 : vector<640x1xf32>
    %rsqrt3A = math.rsqrt %add3A_7 : vector<640x1xf32>
    %get3A_8 = arith.constant 0 : index
    %get3A_9 = arith.constant 0 : index
    %get3A_10 = vector.load %arg1[%get3A_8, %get3A_9] : memref<640x128xf32, #tpu.memory_space<vmem>>, vector<640x128xf32>
    %get3A_11 = arith.constant 0 : index
    %get3A_12 = arith.constant 0 : index
    %get3A_13 = vector.load %arg2[%get3A_11, %get3A_12] : memref<640x128xf32, #tpu.memory_space<vmem>>, vector<640x128xf32>
    %add3A_14 = arith.addf %get3A_10, %get3A_13 : vector<640x128xf32>
    %get3A_15 = arith.constant 0 : index
    %get3A_16 = arith.constant 0 : index
    %get3A_17 = vector.load %arg3[%get3A_15, %get3A_16] : memref<640x128xf32, #tpu.memory_space<vmem>>, vector<640x128xf32>
    %add3A_18 = arith.addf %add3A_14, %get3A_17 : vector<640x128xf32>
    %mul3A = vector.broadcast %rsqrt3A : vector<640x1xf32> to vector<640x128xf32>
    %mul3A_19 = arith.mulf %mul3A, %add3A_18 : vector<640x128xf32>
    %get3A_20 = arith.constant 0 : index
    %get3A_21 = arith.constant 0 : index
    %get3A_22 = vector.load %arg7[%get3A_20, %get3A_21] : memref<1x128xf32, #tpu.memory_space<vmem>>, vector<1x128xf32>
    %add3A_23 = vector.broadcast %get3A_22 : vector<1x128xf32> to vector<640x128xf32>
    %add3A_24 = arith.addf %mul3A_19, %add3A_23 : vector<640x128xf32>
    %max3A = arith.constant 0.000000e+00 : f32
    %max3A_25 = vector.broadcast %max3A : f32 to vector<640x128xf32>
    %max3A_26 = arith.maximumf %add3A_24, %max3A_25 : vector<640x128xf32>
    %get3A_27 = arith.constant 0 : index
    %get3A_28 = arith.constant 0 : index
    %get3A_29 = vector.load %arg6[%get3A_27, %get3A_28] : memref<128x128xf32, #tpu.memory_space<vmem>>, vector<128x128xf32>
    %dot_general3A = arith.constant dense<0.000000e+00> : vector<640x128xf32>
    %dot_general3A_30 = tpu.matmul %max3A_26, %get3A_29, %dot_general3A {dimension_numbers = #tpu.dot_dimension_numbers<[1], [0], [0], [1], [0, 0, 1, 1], [], []>, transpose_lhs_hint = false} : vector<640x128xf32>, vector<128x128xf32>, vector<640x128xf32> -> vector<640x128xf32>
    %mul3A_31 = vector.broadcast %rsqrt3A : vector<640x1xf32> to vector<640x128xf32>
    %mul3A_32 = arith.mulf %dot_general3A_30, %mul3A_31 : vector<640x128xf32>
    %swap3A = arith.constant 0 : index
    %swap3A_33 = arith.constant 0 : index
    %swap3A_34 = vector.load %arg8[%swap3A, %swap3A_33] : memref<640x128xf32, #tpu.memory_space<vmem>>, vector<640x128xf32>
    tpu.vector_store %arg8[%swap3A, %swap3A_33], %mul3A_32 {strides = array<i32>} : memref<640x128xf32, #tpu.memory_space<vmem>>, vector<640x128xf32>,
    %swap3A_35 = arith.constant 0 : index
    %swap3A_36 = arith.constant 0 : index
    %swap3A_37 = vector.load %arg9[%swap3A_35, %swap3A_36] : memref<640x128xf32, #tpu.memory_space<vmem>>, vector<640x128xf32>
    tpu.vector_store %arg9[%swap3A_35, %swap3A_36], %mul3A_32 {strides = array<i32>} : memref<640x128xf32, #tpu.memory_space<vmem>>, vector<640x128xf32>,
    return
  }
  func.func @transform_0(%arg0: i32) -> (i32, i32) {
    %c0_i32 = arith.constant 0 : i32
    %c0_i32_0 = arith.constant 0 : i32
    return %arg0, %c0_i32 : i32, i32
  }
  func.func @transform_1(%arg0: i32) -> (i32, i32) {
    %c0_i32 = arith.constant 0 : i32
    %c0_i32_0 = arith.constant 0 : i32
    return %arg0, %c0_i32 : i32, i32
  }
  func.func @transform_2(%arg0: i32) -> (i32, i32) {
    %c0_i32 = arith.constant 0 : i32
    %c0_i32_0 = arith.constant 0 : i32
    return %arg0, %c0_i32 : i32, i32
  }
  func.func @transform_3(%arg0: i32) -> (i32, i32) {
    %c0_i32 = arith.constant 0 : i32
    %c0_i32_0 = arith.constant 0 : i32
    return %arg0, %c0_i32 : i32, i32
  }
  func.func @transform_4(%arg0: i32) -> (i32, i32) {
    %c0_i32 = arith.constant 0 : i32
    %c0_i32_0 = arith.constant 0 : i32
    return %arg0, %c0_i32 : i32, i32
  }
  func.func @transform_5(%arg0: i32) -> (i32, i32) {
    %c0_i32 = arith.constant 0 : i32
    %c0_i32_0 = arith.constant 0 : i32
    %c0_i32_1 = arith.constant 0 : i32
    return %c0_i32, %c0_i32_0 : i32, i32
  }
  func.func @transform_6(%arg0: i32) -> (i32, i32) {
    %c0_i32 = arith.constant 0 : i32
    %c0_i32_0 = arith.constant 0 : i32
    %c0_i32_1 = arith.constant 0 : i32
    return %c0_i32, %c0_i32_0 : i32, i32
  }
  func.func @transform_7(%arg0: i32) -> (i32, i32) {
    %c0_i32 = arith.constant 0 : i32
    %c0_i32_0 = arith.constant 0 : i32
    return %arg0, %c0_i32 : i32, i32
  }
  func.func @transform_8(%arg0: i32) -> (i32, i32) {
    %c0_i32 = arith.constant 0 : i32
    %c0_i32_0 = arith.constant 0 : i32
    return %arg0, %c0_i32 : i32, i32
  }
}

module attributes {stable_mosaic.version = 14 : i64} {
  func.func @_tc3_body(%arg0: i32, %arg1: memref<640x128xf32, #tpu.memory_space<vmem>>, %arg2: memref<640x128xf32, #tpu.memory_space<vmem>>, %arg3: memref<640x128xf32, #tpu.memory_space<vmem>>, %arg4: memref<640x1xf32, #tpu.memory_space<vmem>>, %arg5: memref<640x1xf32, #tpu.memory_space<vmem>>, %arg6: memref<1x128xf32, #tpu.memory_space<vmem>>, %arg7: memref<640x128xf32, #tpu.memory_space<vmem>>) attributes {dimension_semantics = [#tpu.dimension_semantics<arbitrary>], iteration_bounds = array<i64: 16>, scalar_prefetch = 0 : i64, scratch_operands = 0 : i64, tpu.core_type = #tpu.core_type<tc>, window_params = [{transform_indices = @transform_0, window_bounds = array<i64: 640, 128>}, {transform_indices = @transform_1, window_bounds = array<i64: 640, 128>}, {transform_indices = @transform_2, window_bounds = array<i64: 640, 128>}, {transform_indices = @transform_3, window_bounds = array<i64: 640, 1>}, {transform_indices = @transform_4, window_bounds = array<i64: 640, 1>}, {pipeline_mode = #tpu.pipeline_mode<synchronous>, transform_indices = @transform_5, window_bounds = array<i64: 1, 128>}, {transform_indices = @transform_6, window_bounds = array<i64: 640, 128>}]} {
    %get3A = arith.constant 0 : index
    %get3A_0 = arith.constant 0 : index
    %get3A_1 = vector.load %arg4[%get3A, %get3A_0] : memref<640x1xf32, #tpu.memory_space<vmem>>, vector<640x1xf32>
    %get3A_2 = arith.constant 0 : index
    %get3A_3 = arith.constant 0 : index
    %get3A_4 = vector.load %arg5[%get3A_2, %get3A_3] : memref<640x1xf32, #tpu.memory_space<vmem>>, vector<640x1xf32>
    %add3A = arith.addf %get3A_1, %get3A_4 : vector<640x1xf32>
    %add3A_5 = arith.constant 1.000000e+00 : f32
    %add3A_6 = vector.broadcast %add3A_5 : f32 to vector<640x1xf32>
    %add3A_7 = arith.addf %add3A, %add3A_6 : vector<640x1xf32>
    %rsqrt3A = math.rsqrt %add3A_7 : vector<640x1xf32>
    %get3A_8 = arith.constant 0 : index
    %get3A_9 = arith.constant 0 : index
    %get3A_10 = vector.load %arg1[%get3A_8, %get3A_9] : memref<640x128xf32, #tpu.memory_space<vmem>>, vector<640x128xf32>
    %get3A_11 = arith.constant 0 : index
    %get3A_12 = arith.constant 0 : index
    %get3A_13 = vector.load %arg2[%get3A_11, %get3A_12] : memref<640x128xf32, #tpu.memory_space<vmem>>, vector<640x128xf32>
    %add3A_14 = arith.addf %get3A_10, %get3A_13 : vector<640x128xf32>
    %get3A_15 = arith.constant 0 : index
    %get3A_16 = arith.constant 0 : index
    %get3A_17 = vector.load %arg3[%get3A_15, %get3A_16] : memref<640x128xf32, #tpu.memory_space<vmem>>, vector<640x128xf32>
    %add3A_18 = arith.addf %add3A_14, %get3A_17 : vector<640x128xf32>
    %mul3A = vector.broadcast %rsqrt3A : vector<640x1xf32> to vector<640x128xf32>
    %mul3A_19 = arith.mulf %mul3A, %add3A_18 : vector<640x128xf32>
    %get3A_20 = arith.constant 0 : index
    %get3A_21 = arith.constant 0 : index
    %get3A_22 = vector.load %arg6[%get3A_20, %get3A_21] : memref<1x128xf32, #tpu.memory_space<vmem>>, vector<1x128xf32>
    %add3A_23 = vector.broadcast %get3A_22 : vector<1x128xf32> to vector<640x128xf32>
    %add3A_24 = arith.addf %mul3A_19, %add3A_23 : vector<640x128xf32>
    %swap3A = arith.constant 0 : index
    %swap3A_25 = arith.constant 0 : index
    %swap3A_26 = vector.load %arg7[%swap3A, %swap3A_25] : memref<640x128xf32, #tpu.memory_space<vmem>>, vector<640x128xf32>
    tpu.vector_store %arg7[%swap3A, %swap3A_25], %add3A_24 {strides = array<i32>} : memref<640x128xf32, #tpu.memory_space<vmem>>, vector<640x128xf32>,
    return
  }
  func.func @transform_0(%arg0: i32) -> (i32, i32) {
    %c0_i32 = arith.constant 0 : i32
    %c0_i32_0 = arith.constant 0 : i32
    return %arg0, %c0_i32 : i32, i32
  }
  func.func @transform_1(%arg0: i32) -> (i32, i32) {
    %c0_i32 = arith.constant 0 : i32
    %c0_i32_0 = arith.constant 0 : i32
    return %arg0, %c0_i32 : i32, i32
  }
  func.func @transform_2(%arg0: i32) -> (i32, i32) {
    %c0_i32 = arith.constant 0 : i32
    %c0_i32_0 = arith.constant 0 : i32
    return %arg0, %c0_i32 : i32, i32
  }
  func.func @transform_3(%arg0: i32) -> (i32, i32) {
    %c0_i32 = arith.constant 0 : i32
    %c0_i32_0 = arith.constant 0 : i32
    return %arg0, %c0_i32 : i32, i32
  }
  func.func @transform_4(%arg0: i32) -> (i32, i32) {
    %c0_i32 = arith.constant 0 : i32
    %c0_i32_0 = arith.constant 0 : i32
    return %arg0, %c0_i32 : i32, i32
  }
  func.func @transform_5(%arg0: i32) -> (i32, i32) {
    %c0_i32 = arith.constant 0 : i32
    %c0_i32_0 = arith.constant 0 : i32
    %c0_i32_1 = arith.constant 0 : i32
    return %c0_i32, %c0_i32_0 : i32, i32
  }
  func.func @transform_6(%arg0: i32) -> (i32, i32) {
    %c0_i32 = arith.constant 0 : i32
    %c0_i32_0 = arith.constant 0 : i32
    return %arg0, %c0_i32 : i32, i32
  }
}

</mosaic_0001>

<sc_bundles>
// kernel: kernel.11.cloned.1.call-start
scs
__scs_entry_jumppad:
0x0: {  	(pc) =	sbr.rel $0x88, $3  }
0x1: {  	(tag) =	ssettag $0x0;
	lr =	simm.s32 $0x1  }
0x2: {  	[smem:$0x3F9B] =	sst lr;
	_ =	strace $0xD0000000  }
0x3: {  	_ = 	snop  }
0x4: {  	_ = 	snop  }
0x5: {  	_ = 	snop  }
0x6: {  	_ = 	snop  }
0x7: {  	_ = 	snop  }
__scs_overlays_trampoline_lowered:
0x8: {  	[smem:$0x3FAA] =	sst s0  }
0x9: {  	[smem:$0x3FAB] =	sst s1  }
0xa: {  	[smem:$0x3FAC] =	sst s2  }
0xb: {  	[smem:$0x3FAD] =	sst s3  }
0xc: {  	[smem:$0x3FAE] =	sst s4  }
0xd: {  	[smem:$0x3FAF] =	sst s5  }
0xe: {  	[smem:$0x3FB0] =	sst s6  }
0xf: {  	[smem:$0x3FB1] =	sst s7  }
0x10: {  	[smem:$0x3FB2] =	sst s8  }
0x11: {  	[smem:$0x3FB3] =	sst s9;
	s0 =	simm.s32 @!p0 $0x0  }
0x12: {  	s1 =	sld [smem:$0x3F99];
	s0 =	simm.s32 @p0 $0x1  }
0x13: {  	[smem:$0x3FB4] =	sst s0;
	s0 =	simm.s32 @!p1 $0x0  }
0x14: {  	s2 =	sld [smem:$0x3F98];
	s0 =	simm.s32 @p1 $0x1  }
0x15: {  	[smem:$0x3FB5] =	sst s0;
	s0 =	simm.s32 @!p2 $0x0  }
0x16: {  	s3 =	sld [smem:$0x3FDB];
	s0 =	simm.s32 @p2 $0x1  }
0x17: {  	s4 =	simm.s32 $0x1BF5;
	[smem:$0x3FB7] =	sst s0  }
0x18: {  	s0 =	sld [smem:$0x3F9A];
	_ =	swait.ge [sflag:s4], $0x0  }
0x19: {  	s7 =	sld [smem:$0x3F9B]  }
0x1a: {  	s8 =	sadd.s32 $0xFFFFE003, lr  }
0x1b: {  	s9 =	sadd.s32 $0xFFFFFEF7, lr;
	s5 =	simm.s32 $0xFFFFFFFF;
	p2 =	slt.u32 s8, $0xFFFFF086  }
0x1c: {  	p1 =	slt.u32 s9, $0xF7A;
	s5 =	simm.s32 @!p2 $0x0  }
0x1d: {  	s5 =	simm.s32 @p1 $0x1;
	p0 =	seq.s32 s7, s2  }
0x1e: {  	s7 =	smul.u32 @!p0 $0xF7A, s2;
	p2 =	seq.s32 @!p0 s5, $0x0  }
0x1f: {  	s9 =	smul.u32 $0xF7A, s1;
	s8 =	simm.s32 @!p0 $0x1BF5;
	p2 =	por !p2, p0  }
0x20: {  	[sflag:s8] =	ssyncset.s32 @!p0 $0xFFFFF086;
	s6 =	sadd.s32 @!p0 s3, s7;
	s7 =	simm.s32 @!p0 $0x108  }
0x21: {  	s3 =	sadd.s32 s3, s9;
	s6 =	sadd.s32 @!p0 $0x88, s6;
	s7 =	simm.s32 @p2 $0x1082  }
0x22: {  	[simem:s7], [sflag:s8] =	dma.local @!p0 [hbm:s6], $0xF7A  }
0x23: {  	s9 =	sor.u32 $0xD0000000, s2;
	s6 =	simm.s32 $0x108;
	_ =	swait.ge @!p0 [sflag:s8], $0x0  }
0x24: {  	s3 =	sadd.s32 $0x88, s3;
	s6 =	simm.s32 @!p1 $0x1082;
	[sflag:s4] =	ssyncset.s32 $0xFFFFF086  }
0x25: {  	[simem:s6], [sflag:s4] =	dma.local [hbm:s3], $0xF7A  }
0x26: {  	[smem:$0x3F9B] =	sst s1;
	(tag) =	ssettag s2;
	_ =	strace s9  }
0x27: {  	s1 =	sld [smem:$0x3FAB]  }
0x28: {  	s2 =	sld [smem:$0x3FAC]  }
0x29: {  	s4 =	sld [smem:$0x3FAE]  }
0x2a: {  	p0 =	seq.s32 s5, $0x0;
	s5 =	sld [smem:$0x3FAF]  }
0x2b: {  	s6 =	sld [smem:$0x3FB0]  }
0x2c: {  	s7 =	sld [smem:$0x3FB1]  }
0x2d: {  	s3 =	simm.s32 $0x108;
	s8 =	sld [smem:$0x3FB2]  }
0x2e: {  	s3 =	simm.s32 @!p0 $0x1082;
	s9 =	sld [smem:$0x3FB3]  }
0x2f: {  	lr =	sadd.s32 s0, s3;
	s0 =	sld [smem:$0x3FAA]  }
0x30: {  	s3 =	sld [smem:$0x3FAD]  }
0x31: {  	[smem:$0x3FB6] =	sst s10  }
0x32: {  	s10 =	sld [smem:$0x3FB4];
	_ =	sdelay $0x3  }
0x33: {  	p0 =	seq.s32 s10, $0x1;
	s10 =	sld [smem:$0x3FB6];
	_ =	sdelay $0x3  }
0x34: {  	[smem:$0x3FB6] =	sst s10  }
0x35: {  	s10 =	sld [smem:$0x3FB5];
	_ =	sdelay $0x3  }
0x36: {  	p1 =	seq.s32 s10, $0x1;
	s10 =	sld [smem:$0x3FB6];
	_ =	sdelay $0x3  }
0x37: {  	[smem:$0x3FB6] =	sst s10  }
0x38: {  	s10 =	sld [smem:$0x3FB7]  }
0x39: {  	_ = 	snop;
	(pc) =	sbr.ind lr, $3  }
0x3a: {  	_ = 	snop  }
0x3b: {  	_ = 	snop  }
0x3c: {  	p2 =	seq.s32 s10, $0x1;
	s10 =	sld [smem:$0x3FB6]  }
0x3d: {  	_ =	shalt  }
0x3e: {  	_ =	shalt  }
0x3f: {  	_ =	shalt  }
0x40: {  	_ =	shalt  }
0x41: {  	_ =	shalt  }
0x42: {  	_ =	shalt  }
0x43: {  	_ =	shalt  }
0x44: {  	_ =	shalt  }
0x45: {  	_ =	shalt  }
0x46: {  	_ =	shalt  }
0x47: {  	_ =	shalt  }
0x48: {  	_ =	shalt  }
0x49: {  	_ =	shalt  }
0x4a: {  	_ =	shalt  }
0x4b: {  	_ =	shalt  }
0x4c: {  	_ =	shalt  }
0x4d: {  	_ =	shalt  }
0x4e: {  	_ =	shalt  }
0x4f: {  	_ =	shalt  }
0x50: {  	_ =	shalt  }
0x51: {  	_ =	shalt  }
0x52: {  	_ =	shalt  }
0x53: {  	_ =	shalt  }
0x54: {  	_ =	shalt  }
0x55: {  	_ =	shalt  }
0x56: {  	_ =	shalt  }
0x57: {  	_ =	shalt  }
0x58: {  	_ =	shalt  }
0x59: {  	_ =	shalt  }
0x5a: {  	_ =	shalt  }
0x5b: {  	_ =	shalt  }
0x5c: {  	_ =	shalt  }
0x5d: {  	_ =	shalt  }
0x5e: {  	_ =	shalt  }
0x5f: {  	_ =	shalt  }
0x60: {  	_ =	shalt  }
0x61: {  	_ =	shalt  }
0x62: {  	_ =	shalt  }
0x63: {  	_ =	shalt  }
0x64: {  	_ =	shalt  }
0x65: {  	_ =	shalt  }
0x66: {  	_ =	shalt  }
0x67: {  	_ =	shalt  }
0x68: {  	_ =	shalt  }
0x69: {  	_ =	shalt  }
0x6a: {  	_ =	shalt  }
0x6b: {  	_ =	shalt  }
0x6c: {  	_ =	shalt  }
0x6d: {  	_ =	shalt  }
0x6e: {  	_ =	shalt  }
0x6f: {  	_ =	shalt  }
0x70: {  	_ =	shalt  }
0x71: {  	_ =	shalt  }
0x72: {  	_ =	shalt  }
0x73: {  	_ =	shalt  }
0x74: {  	_ =	shalt  }
0x75: {  	_ =	shalt  }
0x76: {  	_ =	shalt  }
0x77: {  	_ =	shalt  }
0x78: {  	_ =	shalt  }
0x79: {  	_ =	shalt  }
0x7a: {  	_ =	shalt  }
0x7b: {  	_ =	shalt  }
0x7c: {  	_ =	shalt  }
0x7d: {  	_ =	shalt  }
0x7e: {  	_ =	shalt  }
0x7f: {  	_ =	shalt  }
0x80: {  	_ =	shalt  }
0x81: {  	_ =	shalt  }
0x82: {  	_ =	shalt  }
0x83: {  	_ =	shalt  }
0x84: {  	_ =	shalt  }
0x85: {  	_ =	shalt  }
0x86: {  	_ =	shalt  }
0x87: {  	_ =	shalt  }
.Lfunc_end0:
.L_simem_size_0:
called_computation.1_lowered:
.L_overlay_start_0:
0x88: {  	s2 =	sld [smem:$0x3FD9]  }
0x89: {  	s3 =	sld [smem:$0x3FFE];
	_ =	sdelay $0x1  }
0x8a: {  	s1 =	srdreg.scid  }
0x8b: {  	s0 =	sand.u32 $0x1, s1  }
0x8c: {  	s17 =	sshll.u32 s0, $0xA;
	s2 =	sadd.s32 s3, s2  }
0x8d: {  	s2 =	sadd.s32 s2, s17  }
0x8e: {  	[smem:$0x3FC2] =	sst s2  }
0x8f: {  	_ = 	snop  }
0x90: {  	s2 =	sld [smem:$0x3FD0];
	(tm) =	ssettm $0x1  }
0x91: {  	s18 =	sld [smem:$0x3FFB];
	_ =	sdelay $0x3  }
0x92: {  	_ =	strace s18  }
0x93: {  	s3 =	sld [smem:$0x3FFC];
	_ =	sdelay $0x3  }
0x94: {  	_ =	strace s3  }
0x95: {  	s3 =	sld [smem:$0x3FFD];
	_ =	sdelay $0x3  }
0x96: {  	_ =	strace s3  }
0x97: {  	_ =	strace $0x8FFFFFFF  }
0x98: {  	s19 =	sld [smem:$0x3FDB];
	_ =	sdelay $0x1  }
0x99: {  	s4 =	simm.s32 $_scs_section_size  }
0x9a: {  	s5 =	simm.s32 $_size__tile_overlayer_lowered;
	s6 =	simm.s32 $_tile_overlayer_lowered  }
0x9b: {  	s22 =	simm.s32 $0x1BFF;
	s21 =	sshll.u32 s6, $0x1;
	s3 =	sadd.s32 s4, s19  }
0x9c: {  	s7 =	simm.s32 $0x0;
	s20 =	sshll.u32 s5, $0x1;
	s5 =	sadd.s32 s21, s3  }
0x9d: {  	[timem:s7], [sflag:s22] =	dma.local [hbm:s5], s20  }
0x9e: {  	_ =	swait.ge [sflag:s22], s20  }
0x9f: {  	s4 =	ssub.s32 $0x0, s20;
	[sflag:s22] =	ssyncset.done $0x0  }
0xa0: {  	[sflag:s22] =	ssyncadd.s32 s4;
	_ =	sdelay $0x1  }
0xa1: {  	s23 =	simm.s32 $0x1B8B  }
0xa2: {  	_ =	swait.ge [sflag:s23], $0x1  }
0xa3: {  	[sflag:s23] =	ssyncset.done $0x0  }
0xa4: {  	s25 =	simm.s32 $0x1B8E;
	s24 =	sld [smem:$0x3FFE];
	[sflag:s23] =	ssyncadd.s32 $0xFFFFFFFF  }
0xa5: {  	s26 =	simm.s32 $execute0_lowered;
	[smem:$0x3FD2] =	sst s25  }
0xa6: {  	s5 =	sshll.u32 s26, $0x1;
	_ =	strace $0x80000049;
	[dreg:$0x1] =	wrdreg $0xFFFFFFFF  }
0xa7: {  	s28 =	simm.s32 $_size_execute0_lowered;
	s3 =	sadd.s32 s3, s5;
	[dreg:$0x0] =	wrdreg $0x0  }
0xa8: {  	s5 =	sshll.u32 s28, $0x1;
	[dreg:$0x2] =	wrdreg s3  }
0xa9: {  	[dreg:$0x3] =	wrdreg s5  }
0xaa: {  	[dreg:$0x4] =	wrdreg $0xC0  }
0xab: {  	_ =	task [dreg:s7], $0x5FFFF  }
0xac: {  	[dreg:$0x1] =	wrdreg $0xFFFFFFFF  }
0xad: {  	[dreg:$0x0] =	wrdreg $0x60  }
0xae: {  	[dreg:$0x2] =	wrdreg s2  }
0xaf: {  	[dreg:$0x3] =	wrdreg s24  }
0xb0: {  	[dreg:$0x4] =	wrdreg $0x0  }
0xb1: {  	[dreg:$0x5] =	wrdreg $0x9  }
0xb2: {  	_ =	task.clear_ibuf [dreg:s7], $0x6FFFF;
	_ =	strace $0x90000049  }
0xb3: {  	s29 =	simm.s32 $0x9;
	_ =	strace $0x8000004B  }
0xb4: {  	_ =	swait.ge [sflag:s29], $0x1  }
0xb5: {  	[sflag:s29] =	ssyncadd.s32 $0xFFFFFFFF  }
0xb6: {  	_ =	strace $0x9000004B  }
0xb7: {  	_ =	sfence  }
0xb8: {  	s30 =	sld [smem:$0x0];
	_ =	sdelay $0x2  }
0xb9: {  	s31 =	sshll.u32 s1, $0xD;
	s1 =	sshrl.u32 s1, $0x2  }
0xba: {  	s3 =	sand.u32 $0x4000, s31;
	s1 =	sadd.s32 s1, s30  }
0xbb: {  	s0 =	sor.u32 s3, s0;
	s1 =	sshll.u32 s1, $0x11  }
0xbc: {  	s0 =	sor.u32 s1, s0  }
0xbd: {  	s0 =	sadd.s32 $0x8F2B, s0  }
0xbe: {  	[sflag:s0] =	ssyncadd.remote.s32 $0x1  }
0xbf: {  	_ =	sfence.sel $0xFFFF  }
0xc0: {  	[dreg:$0x0] =	wrdreg $0xFFFFFFFF;
	(pc) =	sbr.abs _section_cstart, $3  }
0xc1: {  	[dreg:$0x1] =	wrdreg $0xFFFFFFFF  }
0xc2: {  	_ =	task.clear_ibuf [dreg:s7], $0x2FFFF;
	_ =	strace $0x9FFFFFFF  }
0xc3: {  	(tm) =	ssettm $0x7FFFFFFF  }
tec
execute0_lowered:
.L_overlay_start_1:
0x0: {  	(tag) =	ssettag $0x1  }
0x1: {  	s0 =	srdreg.scid;
	s1 =	rddreg [dreg:$0x0]  }
0x2: {  	s12 =	stileid.u32;
	s6 =	rddreg [dreg:$0x1]  }
0x3: {  	s3 =	rddreg [dreg:$0x2];
	s5 =	simm.s32 $0x0;
	s28 =	simm.s32 $0x14080  }
0x4: {  	s29 =	simm.s32 $0x80;
	s30 =	simm.s32 $0x16900;
	s31 =	simm.s32 $0x1A900  }
0x5: {  	s0 =	sand.u32 $0x1, s0;
	[smem:$0x7FF] =	sst s5;
	s10 =	smul.u32 $0x50000, s12  }
0x6: {  	s26 =	sadd.s32 $0xD4200, s6;
	s15 =	sshll.u32 s12, $0x6;
	s2 =	sshll.u32 s0, $0x4  }
0x7: {  	s8 =	smul.u32 $0x140000, s0;
	_ =	strace $0x8000004A;
	s0 =	ssub.s32 $0x2, s0  }
0x8: {  	[dreg:$0x4] =	wrdreg s26;
	s2 =	sor.u32 s12, s2;
	s13 =	sshrl.u32 s0, $0x1  }
0x9: {  	s14 =	sshrl.u32 s10, $0x2;
	s10 =	sor.u32 $0x1C05, s15;
	s4 =	smul.u32 $0x2800, s2  }
0xa: {  	s7 =	sshrl.u32 s8, $0x3;
	s0 =	ssub.s32 s0, s13;
	s13 =	smul.u32 $0x14000, s12  }
0xb: {  	[dreg:$0x5] =	wrdreg s10;
	s11 =	sadd.s32 s7, s6;
	s7 =	sadd.s32 s14, s3  }
0xc: {  	s2 =	sshrl.u32 s4, $0x3;
	s16 =	sadd.s32 s13, s8;
	s17 =	sadd.s32 $0x4000, s13  }
0xd: {  	s12 =	sadd.s32 $0x84200, s11;
	s20 =	sadd.s32 $0x8000, s13;
	s23 =	sadd.s32 $0xC000, s13  }
0xe: {  	s25 =	sadd.s32 $0x10000, s13;
	s9 =	sadd.s32 s2, s6;
	s6 =	sadd.s32 $0xD6A00, s6  }
0xf: {  	s10 =	sadd.s32 s1, s2;
	s18 =	sadd.s32 s8, s17;
	s21 =	sadd.s32 s8, s20  }
0x10: {  	s22 =	sadd.s32 s20, s3;
	s24 =	sadd.s32 s8, s23;
	s8 =	sadd.s32 s8, s25  }
0x11: {  	s20 =	sadd.s32 s25, s3;
	s25 =	simm.s32 $0x2;
	s9 =	sadd.s32 $0x2200, s9  }
0x12: {  	s2 =	sadd.s32 $0x10, s10;
	s19 =	sshrl.u32 s18, $0x3;
	[dreg:$0xb] =	wrdreg s22  }
0x13: {  	s18 =	sadd.s32 s23, s3;
	s26 =	sshrl.u32 s8, $0x3;
	[dreg:$0x6] =	wrdreg s9  }
0x14: {  	[dreg:$0x7] =	wrdreg s2;
	s2 =	sshrl.u32 s16, $0x3;
	s9 =	sadd.s32 s17, s3  }
0x15: {  	s22 =	smax.u32 s0, $0x1;
	s2 =	sadd.s32 s6, s2;
	[dreg:$0x9] =	wrdreg s9  }
0x16: {  	s23 =	sadd.s32 $0x4E0, s10;
	[dreg:$0x8] =	wrdreg s2;
	s2 =	sadd.s32 s6, s19  }
0x17: {  	s0 =	simm.s32 $0x3;
	s8 =	simm.s32 $0x0;
	[dreg:$0xa] =	wrdreg s2  }
0x18: {  	s2 =	sshrl.u32 s21, $0x3;
	s21 =	sadd.s32 s6, s26;
	s26 =	simm.s32 $0x14000  }
0x19: {  	s17 =	sadd.s32 s6, s2;
	s2 =	sshrl.u32 s24, $0x3;
	s24 =	simm.s32 $0x5  }
0x1a: {  	s19 =	sadd.s32 s6, s2;
	s2 =	simm.s32 $0x1;
	s6 =	simm.s32 $0x4  }
.LBB2_1:
0x1b: {  	s11 =	rddreg [dreg:$0x4]  }
0x1c: {  	s9 =	sshrl.u32 s7, $0x3;
	s13 =	rddreg [dreg:$0x5]  }
0x1d: {  	[spmem:s9], [sflag:s13] =	dma.local [hbm:s11], $0x2800  }
0x1e: {  	_ =	swait.ge [sflag:s24], $0x2800  }
0x1f: {  	[sflag:s24] =	ssyncset.done $0x0  }
0x20: {  	s13 =	simm.s32 $0x14100;
	s11 =	rddreg [dreg:$0x6];
	[sflag:s24] =	ssyncadd.s32 $0xFFFFD800  }
0x21: {  	[tilespmem:s13], [sflag:$0x5] =	stream.linear.gather [hbm4b:s11+s5], $0x2780, $0x38;
	[tilespmem:$0x1E900] =	vst v63  }
0x22: {  	_ =	swait.ge [sflag:s24], $0x2780  }
0x23: {  	[sflag:s24] =	ssyncset.done $0x0  }
0x24: {  	[sflag:s24] =	ssyncadd.s32 $0xFFFFD880  }
0x25: {  	[tilespmem:s26], [sflag:$0x5] =	stream.linear.gather [hbm4b:s10+s5], $0x80, $0x38;
	[tilespmem:$0x1E900] =	vst v63  }
0x26: {  	_ =	swait.ge [sflag:s24], $0x80  }
0x27: {  	[sflag:s24] =	ssyncset.done $0x0  }
0x28: {  	s14 =	rddreg [dreg:$0x7];
	[sflag:s24] =	ssyncadd.s32 $0xFFFFFF80  }
0x29: {  	[tilespmem:s28], [sflag:$0x5] =	stream.linear.gather [hbm4b:s14+s5], $0x80, $0x38;
	[tilespmem:$0x1E900] =	vst v63  }
0x2a: {  	_ =	swait.ge [sflag:s24], $0x80  }
0x2b: {  	[sflag:s24] =	ssyncset.done $0x0  }
0x2c: {  	s15 =	simm.s32 $0x100;
	[sflag:s24] =	ssyncadd.s32 $0xFFFFFF80  }
0x2d: {  	s16 =	sand.u32 $0x7C00, s15;
	[bflag:$0x0] =	sbarrier.arrive $0xFFFF  }
0x2e: {  	[tilespmem:s30], [sflag:$0x1] =	stream.indirect.gather [hbm4b:s12+s29], $0x80, s26, s29, $0xb8;
	[tilespmem:$0x1E900] =	vst v63  }
0x2f: {  	s9 =	sand.u32 $0x300, s15;
	s11 =	sadd.s32 s4, s16  }
0x30: {  	[tilespmem:s31], [sflag:$0x2] =	stream.indirect.gather [hbm4b:s12+s29], $0x80, s28, s29, $0xb8;
	[tilespmem:$0x1E900] =	vst v63  }
0x31: {  	s9 =	sor.u32 s9, s11;
	_ =	swait.ge [sflag:s2], $0x4000  }
0x32: {  	s9 =	sshrl.u32 s9, $0x3;
	[sflag:s2] =	ssyncset.done $0x0  }
0x33: {  	s9 =	sadd.s32 s1, s9;
	[sflag:s2] =	ssyncadd.s32 $0xFFFFC000  }
0x34: {  	[tilespmem:s26], [sflag:$0x3] =	stream.linear.gather [hbm4b:s9+s5], $0x80, $0x38;
	[tilespmem:$0x1E900] =	vst v63  }
0x35: {  	s13 =	simm.s32 $0x14100  }
0x36: {  	[spmem:s3] =	stream.indirect.scatter.add.f32 [tilespmem:s30], [sflag:$0x5], $0x80, s13, s29, $0xb8;
	[tilespmem:$0x1E900] =	vst v63  }
0x37: {  	_ =	swait.ge [sflag:s24], $0x4000  }
0x38: {  	[sflag:s24] =	ssyncset.done $0x0  }
0x39: {  	[sflag:s24] =	ssyncadd.s32 $0xFFFFC000  }
0x3a: {  	s14 =	simm.s32 $0x180;
	_ =	swait.ge [sflag:s0], $0x80  }
0x3b: {  	s15 =	sand.u32 $0x7C00, s14;
	[sflag:s0] =	ssyncset.done $0x0  }
0x3c: {  	s11 =	sadd.s32 s4, s15;
	s9 =	sand.u32 $0x380, s14;
	[sflag:s0] =	ssyncadd.s32 $0xFFFFFF80  }
0x3d: {  	[tilespmem:s30], [sflag:$0x1] =	stream.indirect.gather [hbm4b:s12+s29], $0x80, s26, s29, $0xb8;
	[tilespmem:$0x1E900] =	vst v63  }
0x3e: {  	s9 =	sor.u32 s9, s11;
	_ =	swait.ge [sflag:s25], $0x4000  }
0x3f: {  	s9 =	sshrl.u32 s9, $0x3;
	[sflag:s25] =	ssyncset.done $0x0  }
0x40: {  	s9 =	sadd.s32 s1, s9;
	[sflag:s25] =	ssyncadd.s32 $0xFFFFC000  }
0x41: {  	[tilespmem:s28], [sflag:$0x4] =	stream.linear.gather [hbm4b:s9+s5], $0x80, $0x38;
	[tilespmem:$0x1E900] =	vst v63  }
0x42: {  	s16 =	simm.s32 $0x14180  }
0x43: {  	[spmem:s3] =	stream.indirect.scatter.add.f32 [tilespmem:s31], [sflag:$0x5], $0x80, s16, s29, $0xb8;
	[tilespmem:$0x1E900] =	vst v63  }
0x44: {  	s11 =	simm.s32 $0x280;
	_ =	swait.ge [sflag:s24], $0x4000  }
0x45: {  	s13 =	simm.s32 $0x380;
	s9 =	simm.s32 $0x14280;
	[sflag:s24] =	ssyncset.done $0x0  }
.LBB2_2:
0x46: {  	s15 =	sadd.s32 $0xFFFFFF80, s11  }
0x47: {  	[sflag:s24] =	ssyncadd.s32 $0xFFFFC000;
	s16 =	smov.u32 s13;
	s14 =	sadd.s32 $0x100, s13  }
0x48: {  	p0 =	sne.s32 s13, $0x2680;
	s13 =	sand.u32 $0x7C00, s15;
	_ =	swait.ge [sflag:s6], $0x80  }
0x49: {  	s15 =	sand.u32 $0x300, s15;
	s13 =	sadd.s32 s4, s13;
	[sflag:s6] =	ssyncset.done $0x0  }
0x4a: {  	s13 =	sor.u32 s15, s13;
	[sflag:s6] =	ssyncadd.s32 $0xFFFFFF80  }
0x4b: {  	s13 =	sshrl.u32 s13, $0x3  }
0x4c: {  	[tilespmem:s31], [sflag:$0x2] =	stream.indirect.gather [hbm4b:s12+s29], $0x80, s28, s29, $0xb8;
	[tilespmem:$0x1E900] =	vst v63  }
0x4d: {  	_ =	swait.ge [sflag:s2], $0x4000  }
0x4e: {  	s13 =	sadd.s32 s1, s13;
	[sflag:s2] =	ssyncset.done $0x0  }
0x4f: {  	s15 =	sadd.s32 $0xFFFFFF80, s9;
	[sflag:s2] =	ssyncadd.s32 $0xFFFFC000  }
0x50: {  	[tilespmem:s26], [sflag:$0x3] =	stream.linear.gather [hbm4b:s13+s5], $0x80, $0x38;
	[tilespmem:$0x1E900] =	vst v63  }
0x51: {  	_ = 	snop  }
0x52: {  	[spmem:s3] =	stream.indirect.scatter.add.f32 [tilespmem:s30], [sflag:$0x5], $0x80, s15, s29, $0xb8;
	[tilespmem:$0x1E900] =	vst v63  }
0x53: {  	_ =	swait.ge [sflag:s24], $0x4000  }
0x54: {  	[sflag:s24] =	ssyncset.done $0x0  }
0x55: {  	s13 =	sand.u32 $0x7C00, s11;
	[sflag:s24] =	ssyncadd.s32 $0xFFFFC000  }
0x56: {  	s11 =	sand.u32 $0x380, s11;
	s13 =	sadd.s32 s4, s13;
	_ =	swait.ge [sflag:s0], $0x80  }
0x57: {  	s13 =	sor.u32 s11, s13;
	s11 =	smov.u32 s16;
	[sflag:s0] =	ssyncset.done $0x0  }
0x58: {  	s13 =	sshrl.u32 s13, $0x3;
	[sflag:s0] =	ssyncadd.s32 $0xFFFFFF80  }
0x59: {  	[tilespmem:s30], [sflag:$0x1] =	stream.indirect.gather [hbm4b:s12+s29], $0x80, s26, s29, $0xb8;
	[tilespmem:$0x1E900] =	vst v63  }
0x5a: {  	_ =	swait.ge [sflag:s25], $0x4000  }
0x5b: {  	[sflag:s25] =	ssyncset.done $0x0  }
0x5c: {  	s13 =	sadd.s32 s1, s13;
	[sflag:s25] =	ssyncadd.s32 $0xFFFFC000  }
0x5d: {  	[tilespmem:s28], [sflag:$0x4] =	stream.linear.gather [hbm4b:s13+s5], $0x80, $0x38;
	[tilespmem:$0x1E900] =	vst v63  }
.Ltmp0:
0x5e: {  	_ = 	snop;
	(pc) =	sbr.rel @p0 .LBB2_2-.Ltmp0, $4  }
0x5f: {  	_ = 	snop  }
0x60: {  	[spmem:s3] =	stream.indirect.scatter.add.f32 [tilespmem:s31], [sflag:$0x5], $0x80, s9, s29, $0xb8;
	[tilespmem:$0x1E900] =	vst v63  }
0x61: {  	_ =	swait.ge [sflag:s24], $0x4000  }
0x62: {  	s13 =	smov.u32 s14;
	s9 =	sadd.s32 $0x100, s9;
	[sflag:s24] =	ssyncset.done $0x0  }
0x63: {  	[sflag:s24] =	ssyncadd.s32 $0xFFFFC000  }
0x64: {  	s13 =	sadd.s32 $0xFFFFFF80, s11;
	_ =	swait.ge [sflag:s6], $0x80  }
0x65: {  	s14 =	sand.u32 $0x7C00, s13;
	[sflag:s6] =	ssyncset.done $0x0  }
0x66: {  	s13 =	sand.u32 $0x300, s13;
	s14 =	sadd.s32 s4, s14;
	[sflag:s6] =	ssyncadd.s32 $0xFFFFFF80  }
0x67: {  	[tilespmem:s31], [sflag:$0x2] =	stream.indirect.gather [hbm4b:s12+s29], $0x80, s28, s29, $0xb8;
	[tilespmem:$0x1E900] =	vst v63  }
0x68: {  	s13 =	sor.u32 s13, s14;
	_ =	swait.ge [sflag:s2], $0x4000  }
0x69: {  	s13 =	sshrl.u32 s13, $0x3;
	[sflag:s2] =	ssyncset.done $0x0  }
0x6a: {  	s13 =	sadd.s32 s1, s13;
	[sflag:s2] =	ssyncadd.s32 $0xFFFFC000  }
0x6b: {  	[tilespmem:s26], [sflag:$0x3] =	stream.linear.gather [hbm4b:s13+s5], $0x80, $0x38;
	[tilespmem:$0x1E900] =	vst v63  }
0x6c: {  	s15 =	sadd.s32 $0xFFFFFF80, s9  }
0x6d: {  	[spmem:s3] =	stream.indirect.scatter.add.f32 [tilespmem:s30], [sflag:$0x5], $0x80, s15, s29, $0xb8;
	[tilespmem:$0x1E900] =	vst v63  }
0x6e: {  	_ =	swait.ge [sflag:s24], $0x4000  }
0x6f: {  	[sflag:s24] =	ssyncset.done $0x0  }
0x70: {  	[sflag:s24] =	ssyncadd.s32 $0xFFFFC000  }
0x71: {  	_ =	swait.ge [sflag:s0], $0x80  }
0x72: {  	s16 =	sand.u32 $0x7C00, s11;
	[sflag:s0] =	ssyncset.done $0x0  }
0x73: {  	s14 =	sand.u32 $0x380, s11;
	s13 =	sadd.s32 s4, s16;
	[sflag:s0] =	ssyncadd.s32 $0xFFFFFF80  }
0x74: {  	[tilespmem:s30], [sflag:$0x1] =	stream.indirect.gather [hbm4b:s12+s29], $0x80, s26, s29, $0xb8;
	[tilespmem:$0x1E900] =	vst v63  }
0x75: {  	s11 =	sor.u32 s14, s13;
	_ =	swait.ge [sflag:s25], $0x4000  }
0x76: {  	s11 =	sshrl.u32 s11, $0x3;
	[sflag:s25] =	ssyncset.done $0x0  }
0x77: {  	s11 =	sadd.s32 s1, s11;
	[sflag:s25] =	ssyncadd.s32 $0xFFFFC000  }
0x78: {  	[tilespmem:s28], [sflag:$0x4] =	stream.linear.gather [hbm4b:s11+s5], $0x80, $0x38;
	[tilespmem:$0x1E900] =	vst v63  }
0x79: {  	_ = 	snop  }
0x7a: {  	[spmem:s3] =	stream.indirect.scatter.add.f32 [tilespmem:s31], [sflag:$0x5], $0x80, s9, s29, $0xb8;
	[tilespmem:$0x1E900] =	vst v63  }
0x7b: {  	_ =	swait.ge [sflag:s24], $0x4000  }
0x7c: {  	[sflag:s24] =	ssyncset.done $0x0  }
0x7d: {  	[sflag:s24] =	ssyncadd.s32 $0xFFFFC000  }
0x7e: {  	_ =	swait.ge [sflag:s6], $0x80  }
0x7f: {  	[sflag:s6] =	ssyncset.done $0x0  }
0x80: {  	[sflag:s6] =	ssyncadd.s32 $0xFFFFFF80  }
0x81: {  	[tilespmem:s31], [sflag:$0x2] =	stream.indirect.gather [hbm4b:s12+s29], $0x80, s28, s29, $0xb8;
	[tilespmem:$0x1E900] =	vst v63  }
0x82: {  	_ =	swait.ge [sflag:s2], $0x4000  }
0x83: {  	[sflag:s2] =	ssyncset.done $0x0  }
0x84: {  	[sflag:s2] =	ssyncadd.s32 $0xFFFFC000  }
0x85: {  	[tilespmem:s26], [sflag:$0x3] =	stream.linear.gather [hbm4b:s23+s5], $0x80, $0x38;
	[tilespmem:$0x1E900] =	vst v63  }
0x86: {  	s15 =	simm.s32 $0x16700  }
0x87: {  	[spmem:s3] =	stream.indirect.scatter.add.f32 [tilespmem:s30], [sflag:$0x5], $0x80, s15, s29, $0xb8;
	[tilespmem:$0x1E900] =	vst v63  }
0x88: {  	_ =	swait.ge [sflag:s24], $0x4000  }
0x89: {  	[sflag:s24] =	ssyncset.done $0x0  }
0x8a: {  	[sflag:s24] =	ssyncadd.s32 $0xFFFFC000  }
0x8b: {  	_ =	swait.ge [sflag:s0], $0x80  }
0x8c: {  	[sflag:s0] =	ssyncset.done $0x0  }
0x8d: {  	[sflag:s0] =	ssyncadd.s32 $0xFFFFFF80  }
0x8e: {  	[tilespmem:s30], [sflag:$0x1] =	stream.indirect.gather [hbm4b:s12+s29], $0x80, s26, s29, $0xb8;
	[tilespmem:$0x1E900] =	vst v63  }
0x8f: {  	_ =	swait.ge [sflag:s25], $0x4000  }
0x90: {  	[sflag:s25] =	ssyncset.done $0x0  }
0x91: {  	[sflag:s25] =	ssyncadd.s32 $0xFFFFC000  }
0x92: {  	[tilespmem:s28], [sflag:$0x4] =	stream.linear.gather [hbm4b:s23+s5], $0x80, $0x38;
	[tilespmem:$0x1E900] =	vst v63  }
0x93: {  	s16 =	simm.s32 $0x16780  }
0x94: {  	[spmem:s3] =	stream.indirect.scatter.add.f32 [tilespmem:s31], [sflag:$0x5], $0x80, s16, s29, $0xb8;
	[tilespmem:$0x1E900] =	vst v63  }
0x95: {  	_ =	swait.ge [sflag:s24], $0x4000  }
0x96: {  	[sflag:s24] =	ssyncset.done $0x0  }
0x97: {  	[sflag:s24] =	ssyncadd.s32 $0xFFFFC000  }
0x98: {  	_ =	swait.ge [sflag:s6], $0x80  }
0x99: {  	[sflag:s6] =	ssyncset.done $0x0  }
0x9a: {  	[sflag:s6] =	ssyncadd.s32 $0xFFFFFF80  }
0x9b: {  	_ =	swait.ge [sflag:s2], $0x4000  }
0x9c: {  	[sflag:s2] =	ssyncset.done $0x0  }
0x9d: {  	s11 =	simm.s32 $0x16800;
	[sflag:s2] =	ssyncadd.s32 $0xFFFFC000  }
0x9e: {  	[spmem:s3] =	stream.indirect.scatter.add.f32 [tilespmem:s30], [sflag:$0x5], $0x80, s11, s29, $0xb8;
	[tilespmem:$0x1E900] =	vst v63  }
0x9f: {  	_ =	swait.ge [sflag:s24], $0x4000  }
0xa0: {  	[sflag:s24] =	ssyncset.done $0x0  }
0xa1: {  	[sflag:s24] =	ssyncadd.s32 $0xFFFFC000  }
0xa2: {  	[bflag:$0x0] =	sbarrier.arrive $0xFFFF  }
0xa3: {  	[tilespmem:s30], [sflag:$0x5] =	stream.linear.gather [spmem:s7], $0x4000, $0x38;
	[tilespmem:$0x1E900] =	vst v63  }
0xa4: {  	_ =	swait.ge [sflag:s24], $0x4000  }
0xa5: {  	[sflag:s24] =	ssyncset.done $0x0  }
0xa6: {  	s13 =	rddreg [dreg:$0x8];
	[sflag:s24] =	ssyncadd.s32 $0xFFFFC000  }
0xa7: {  	[hbm4b:s13+s5] =	stream.linear.scatter [tilespmem:s30], [sflag:$0x5], $0x4000, $0x38;
	[tilespmem:$0x1E900] =	vst v63  }
0xa8: {  	_ =	swait.ge [sflag:s24], $0x4000  }
0xa9: {  	[sflag:s24] =	ssyncset.done $0x0  }
0xaa: {  	s14 =	rddreg [dreg:$0x9];
	[sflag:s24] =	ssyncadd.s32 $0xFFFFC000  }
0xab: {  	[tilespmem:s30], [sflag:$0x5] =	stream.linear.gather [spmem:s14], $0x4000, $0x38;
	[tilespmem:$0x1E900] =	vst v63  }
0xac: {  	_ =	swait.ge [sflag:s24], $0x4000  }
0xad: {  	[sflag:s24] =	ssyncset.done $0x0  }
0xae: {  	s15 =	rddreg [dreg:$0xa];
	[sflag:s24] =	ssyncadd.s32 $0xFFFFC000  }
0xaf: {  	[hbm4b:s15+s5] =	stream.linear.scatter [tilespmem:s30], [sflag:$0x5], $0x4000, $0x38;
	[tilespmem:$0x1E900] =	vst v63  }
0xb0: {  	_ =	swait.ge [sflag:s24], $0x4000  }
0xb1: {  	[sflag:s24] =	ssyncset.done $0x0  }
0xb2: {  	s16 =	rddreg [dreg:$0xb];
	[sflag:s24] =	ssyncadd.s32 $0xFFFFC000  }
0xb3: {  	[tilespmem:s30], [sflag:$0x5] =	stream.linear.gather [spmem:s16], $0x4000, $0x38;
	[tilespmem:$0x1E900] =	vst v63  }
0xb4: {  	_ =	swait.ge [sflag:s24], $0x4000  }
0xb5: {  	[sflag:s24] =	ssyncset.done $0x0  }
0xb6: {  	[sflag:s24] =	ssyncadd.s32 $0xFFFFC000  }
0xb7: {  	[hbm4b:s17+s5] =	stream.linear.scatter [tilespmem:s30], [sflag:$0x5], $0x4000, $0x38;
	[tilespmem:$0x1E900] =	vst v63  }
0xb8: {  	_ =	swait.ge [sflag:s24], $0x4000  }
0xb9: {  	[sflag:s24] =	ssyncset.done $0x0  }
0xba: {  	[sflag:s24] =	ssyncadd.s32 $0xFFFFC000  }
0xbb: {  	[tilespmem:s30], [sflag:$0x5] =	stream.linear.gather [spmem:s18], $0x4000, $0x38;
	[tilespmem:$0x1E900] =	vst v63  }
0xbc: {  	_ =	swait.ge [sflag:s24], $0x4000  }
0xbd: {  	[sflag:s24] =	ssyncset.done $0x0  }
0xbe: {  	[sflag:s24] =	ssyncadd.s32 $0xFFFFC000  }
0xbf: {  	[hbm4b:s19+s5] =	stream.linear.scatter [tilespmem:s30], [sflag:$0x5], $0x4000, $0x38;
	[tilespmem:$0x1E900] =	vst v63  }
0xc0: {  	_ =	swait.ge [sflag:s24], $0x4000  }
0xc1: {  	[sflag:s24] =	ssyncset.done $0x0  }
0xc2: {  	[sflag:s24] =	ssyncadd.s32 $0xFFFFC000  }
0xc3: {  	[tilespmem:s30], [sflag:$0x5] =	stream.linear.gather [spmem:s20], $0x4000, $0x38;
	[tilespmem:$0x1E900] =	vst v63  }
0xc4: {  	s8 =	sadd.s32 $0x1, s8;
	_ =	swait.ge [sflag:s24], $0x4000  }
0xc5: {  	p0 =	sne.s32 s8, s22;
	[sflag:s24] =	ssyncset.done $0x0  }
.Ltmp1:
0xc6: {  	[sflag:s24] =	ssyncadd.s32 $0xFFFFC000;
	(pc) =	sbr.rel @p0 .LBB2_1-.Ltmp1, $4  }
0xc7: {  	[hbm4b:s21+s5] =	stream.linear.scatter [tilespmem:s30], [sflag:$0x5], $0x4000, $0x38;
	[tilespmem:$0x1E900] =	vst v63  }
0xc8: {  	_ =	swait.ge [sflag:s24], $0x4000  }
0xc9: {  	[sflag:s24] =	ssyncset.done $0x0  }
0xca: {  	[sflag:s24] =	ssyncadd.s32 $0xFFFFC000  }
0xcb: {  	_ =	sfence.sel $0x180000  }
0xcc: {  	[bflag:$0x0] =	sbarrier.arrive $0xFFFF  }
0xcd: {  	_ =	strace $0x9000004A  }
0xce: {  	s0 =	stileid.u32;
	[bflag:$0x2] =	sbarrier.arrive $0xFFFF  }
0xcf: {  	p0 =	sne.s32 s0, $0x0;
	s0 =	rddreg [dreg:$0x3]  }
0xd0: {  	s0 =	sadd.s32 @!p0 $0x100000, s0  }
0xd1: {  	[sflag:s0] =	ssyncadd.tile.s32 @!p0 $0x1;
	_ =	shalt  }
.Lfunc_end2:
_tile_overlayer_lowered:
.L_overlay_start_2:
0xd2: {  	(tag) =	ssettag $0x2  }
0xd3: {  	s0 =	rddreg [dreg:$0x0];
	s2 =	stileid.u32  }
0xd4: {  	s1 =	rddreg [dreg:$0x1];
	p0 =	sne.s32 s2, $0x0  }
0xd5: {  	s3 =	rddreg [dreg:$0x2];
	[bflag:$0x3] =	sbarrier.arrive $0xFFFF;
	s2 =	simm.s32 @!p0 $0x1C05  }
0xd6: {  	[timem:s3], [sflag:s2] =	dma.local @!p0 [hbm:s0], s1  }
0xd7: {  	s0 =	simm.s32 @!p0 $0x5  }
0xd8: {  	_ =	swait.ge @!p0 [sflag:s0], s1  }
0xd9: {  	s1 =	ssub.s32 @!p0 $0x0, s1;
	[sflag:s0] =	ssyncset.done @!p0 $0x0  }
0xda: {  	[sflag:s0] =	ssyncadd.s32 @!p0 s1  }
0xdb: {  	[bflag:$0x3] =	sbarrier.arrive $0xFFFF  }
0xdc: {  	_ =	shalt  }

// kernel: kernel.14.cloned.1.call-start
scs
__scs_entry_jumppad:
0x0: {  	(pc) =	sbr.rel $0x88, $3  }
0x1: {  	(tag) =	ssettag $0x0;
	lr =	simm.s32 $0x1  }
0x2: {  	[smem:$0x3F9B] =	sst lr;
	_ =	strace $0xD0000000  }
0x3: {  	_ = 	snop  }
0x4: {  	_ = 	snop  }
0x5: {  	_ = 	snop  }
0x6: {  	_ = 	snop  }
0x7: {  	_ = 	snop  }
__scs_overlays_trampoline_lowered:
0x8: {  	[smem:$0x3FAA] =	sst s0  }
0x9: {  	[smem:$0x3FAB] =	sst s1  }
0xa: {  	[smem:$0x3FAC] =	sst s2  }
0xb: {  	[smem:$0x3FAD] =	sst s3  }
0xc: {  	[smem:$0x3FAE] =	sst s4  }
0xd: {  	[smem:$0x3FAF] =	sst s5  }
0xe: {  	[smem:$0x3FB0] =	sst s6  }
0xf: {  	[smem:$0x3FB1] =	sst s7  }
0x10: {  	[smem:$0x3FB2] =	sst s8  }
0x11: {  	[smem:$0x3FB3] =	sst s9;
	s0 =	simm.s32 @!p0 $0x0  }
0x12: {  	s1 =	sld [smem:$0x3F99];
	s0 =	simm.s32 @p0 $0x1  }
0x13: {  	[smem:$0x3FB4] =	sst s0;
	s0 =	simm.s32 @!p1 $0x0  }
0x14: {  	s2 =	sld [smem:$0x3F98];
	s0 =	simm.s32 @p1 $0x1  }
0x15: {  	[smem:$0x3FB5] =	sst s0;
	s0 =	simm.s32 @!p2 $0x0  }
0x16: {  	s3 =	sld [smem:$0x3FDB];
	s0 =	simm.s32 @p2 $0x1  }
0x17: {  	s4 =	simm.s32 $0x1BF5;
	[smem:$0x3FB7] =	sst s0  }
0x18: {  	s0 =	sld [smem:$0x3F9A];
	_ =	swait.ge [sflag:s4], $0x0  }
0x19: {  	s7 =	sld [smem:$0x3F9B]  }
0x1a: {  	s8 =	sadd.s32 $0xFFFFE003, lr  }
0x1b: {  	s9 =	sadd.s32 $0xFFFFFEF7, lr;
	s5 =	simm.s32 $0xFFFFFFFF;
	p2 =	slt.u32 s8, $0xFFFFF086  }
0x1c: {  	p1 =	slt.u32 s9, $0xF7A;
	s5 =	simm.s32 @!p2 $0x0  }
0x1d: {  	s5 =	simm.s32 @p1 $0x1;
	p0 =	seq.s32 s7, s2  }
0x1e: {  	s7 =	smul.u32 @!p0 $0xF7A, s2;
	p2 =	seq.s32 @!p0 s5, $0x0  }
0x1f: {  	s9 =	smul.u32 $0xF7A, s1;
	s8 =	simm.s32 @!p0 $0x1BF5;
	p2 =	por !p2, p0  }
0x20: {  	[sflag:s8] =	ssyncset.s32 @!p0 $0xFFFFF086;
	s6 =	sadd.s32 @!p0 s3, s7;
	s7 =	simm.s32 @!p0 $0x108  }
0x21: {  	s3 =	sadd.s32 s3, s9;
	s6 =	sadd.s32 @!p0 $0x88, s6;
	s7 =	simm.s32 @p2 $0x1082  }
0x22: {  	[simem:s7], [sflag:s8] =	dma.local @!p0 [hbm:s6], $0xF7A  }
0x23: {  	s9 =	sor.u32 $0xD0000000, s2;
	s6 =	simm.s32 $0x108;
	_ =	swait.ge @!p0 [sflag:s8], $0x0  }
0x24: {  	s3 =	sadd.s32 $0x88, s3;
	s6 =	simm.s32 @!p1 $0x1082;
	[sflag:s4] =	ssyncset.s32 $0xFFFFF086  }
0x25: {  	[simem:s6], [sflag:s4] =	dma.local [hbm:s3], $0xF7A  }
0x26: {  	[smem:$0x3F9B] =	sst s1;
	(tag) =	ssettag s2;
	_ =	strace s9  }
0x27: {  	s1 =	sld [smem:$0x3FAB]  }
0x28: {  	s2 =	sld [smem:$0x3FAC]  }
0x29: {  	s4 =	sld [smem:$0x3FAE]  }
0x2a: {  	p0 =	seq.s32 s5, $0x0;
	s5 =	sld [smem:$0x3FAF]  }
0x2b: {  	s6 =	sld [smem:$0x3FB0]  }
0x2c: {  	s7 =	sld [smem:$0x3FB1]  }
0x2d: {  	s3 =	simm.s32 $0x108;
	s8 =	sld [smem:$0x3FB2]  }
0x2e: {  	s3 =	simm.s32 @!p0 $0x1082;
	s9 =	sld [smem:$0x3FB3]  }
0x2f: {  	lr =	sadd.s32 s0, s3;
	s0 =	sld [smem:$0x3FAA]  }
0x30: {  	s3 =	sld [smem:$0x3FAD]  }
0x31: {  	[smem:$0x3FB6] =	sst s10  }
0x32: {  	s10 =	sld [smem:$0x3FB4];
	_ =	sdelay $0x3  }
0x33: {  	p0 =	seq.s32 s10, $0x1;
	s10 =	sld [smem:$0x3FB6];
	_ =	sdelay $0x3  }
0x34: {  	[smem:$0x3FB6] =	sst s10  }
0x35: {  	s10 =	sld [smem:$0x3FB5];
	_ =	sdelay $0x3  }
0x36: {  	p1 =	seq.s32 s10, $0x1;
	s10 =	sld [smem:$0x3FB6];
	_ =	sdelay $0x3  }
0x37: {  	[smem:$0x3FB6] =	sst s10  }
0x38: {  	s10 =	sld [smem:$0x3FB7]  }
0x39: {  	_ = 	snop;
	(pc) =	sbr.ind lr, $3  }
0x3a: {  	_ = 	snop  }
0x3b: {  	_ = 	snop  }
0x3c: {  	p2 =	seq.s32 s10, $0x1;
	s10 =	sld [smem:$0x3FB6]  }
0x3d: {  	_ =	shalt  }
0x3e: {  	_ =	shalt  }
0x3f: {  	_ =	shalt  }
0x40: {  	_ =	shalt  }
0x41: {  	_ =	shalt  }
0x42: {  	_ =	shalt  }
0x43: {  	_ =	shalt  }
0x44: {  	_ =	shalt  }
0x45: {  	_ =	shalt  }
0x46: {  	_ =	shalt  }
0x47: {  	_ =	shalt  }
0x48: {  	_ =	shalt  }
0x49: {  	_ =	shalt  }
0x4a: {  	_ =	shalt  }
0x4b: {  	_ =	shalt  }
0x4c: {  	_ =	shalt  }
0x4d: {  	_ =	shalt  }
0x4e: {  	_ =	shalt  }
0x4f: {  	_ =	shalt  }
0x50: {  	_ =	shalt  }
0x51: {  	_ =	shalt  }
0x52: {  	_ =	shalt  }
0x53: {  	_ =	shalt  }
0x54: {  	_ =	shalt  }
0x55: {  	_ =	shalt  }
0x56: {  	_ =	shalt  }
0x57: {  	_ =	shalt  }
0x58: {  	_ =	shalt  }
0x59: {  	_ =	shalt  }
0x5a: {  	_ =	shalt  }
0x5b: {  	_ =	shalt  }
0x5c: {  	_ =	shalt  }
0x5d: {  	_ =	shalt  }
0x5e: {  	_ =	shalt  }
0x5f: {  	_ =	shalt  }
0x60: {  	_ =	shalt  }
0x61: {  	_ =	shalt  }
0x62: {  	_ =	shalt  }
0x63: {  	_ =	shalt  }
0x64: {  	_ =	shalt  }
0x65: {  	_ =	shalt  }
0x66: {  	_ =	shalt  }
0x67: {  	_ =	shalt  }
0x68: {  	_ =	shalt  }
0x69: {  	_ =	shalt  }
0x6a: {  	_ =	shalt  }
0x6b: {  	_ =	shalt  }
0x6c: {  	_ =	shalt  }
0x6d: {  	_ =	shalt  }
0x6e: {  	_ =	shalt  }
0x6f: {  	_ =	shalt  }
0x70: {  	_ =	shalt  }
0x71: {  	_ =	shalt  }
0x72: {  	_ =	shalt  }
0x73: {  	_ =	shalt  }
0x74: {  	_ =	shalt  }
0x75: {  	_ =	shalt  }
0x76: {  	_ =	shalt  }
0x77: {  	_ =	shalt  }
0x78: {  	_ =	shalt  }
0x79: {  	_ =	shalt  }
0x7a: {  	_ =	shalt  }
0x7b: {  	_ =	shalt  }
0x7c: {  	_ =	shalt  }
0x7d: {  	_ =	shalt  }
0x7e: {  	_ =	shalt  }
0x7f: {  	_ =	shalt  }
0x80: {  	_ =	shalt  }
0x81: {  	_ =	shalt  }
0x82: {  	_ =	shalt  }
0x83: {  	_ =	shalt  }
0x84: {  	_ =	shalt  }
0x85: {  	_ =	shalt  }
0x86: {  	_ =	shalt  }
0x87: {  	_ =	shalt  }
.Lfunc_end0:
.L_simem_size_0:
called_computation.2_lowered:
.L_overlay_start_0:
0x88: {  	s2 =	sld [smem:$0x3FD9]  }
0x89: {  	s3 =	sld [smem:$0x3FFE];
	_ =	sdelay $0x1  }
0x8a: {  	s1 =	srdreg.scid  }
0x8b: {  	s0 =	sand.u32 $0x1, s1  }
0x8c: {  	s17 =	sshll.u32 s0, $0xA;
	s2 =	sadd.s32 s3, s2  }
0x8d: {  	s2 =	sadd.s32 s2, s17  }
0x8e: {  	[smem:$0x3FC2] =	sst s2  }
0x8f: {  	_ = 	snop  }
0x90: {  	s2 =	sld [smem:$0x3FD0];
	(tm) =	ssettm $0x1  }
0x91: {  	s18 =	sld [smem:$0x3FFB];
	_ =	sdelay $0x3  }
0x92: {  	_ =	strace s18  }
0x93: {  	s3 =	sld [smem:$0x3FFC];
	_ =	sdelay $0x3  }
0x94: {  	_ =	strace s3  }
0x95: {  	s3 =	sld [smem:$0x3FFD];
	_ =	sdelay $0x3  }
0x96: {  	_ =	strace s3  }
0x97: {  	_ =	strace $0x8FFFFFFF  }
0x98: {  	s19 =	sld [smem:$0x3FDB];
	_ =	sdelay $0x1  }
0x99: {  	s4 =	simm.s32 $_scs_section_size  }
0x9a: {  	s5 =	simm.s32 $_size__tile_overlayer_lowered;
	s6 =	simm.s32 $_tile_overlayer_lowered  }
0x9b: {  	s22 =	simm.s32 $0x1BFF;
	s21 =	sshll.u32 s6, $0x1;
	s3 =	sadd.s32 s4, s19  }
0x9c: {  	s7 =	simm.s32 $0x0;
	s20 =	sshll.u32 s5, $0x1;
	s5 =	sadd.s32 s21, s3  }
0x9d: {  	[timem:s7], [sflag:s22] =	dma.local [hbm:s5], s20  }
0x9e: {  	_ =	swait.ge [sflag:s22], s20  }
0x9f: {  	s4 =	ssub.s32 $0x0, s20;
	[sflag:s22] =	ssyncset.done $0x0  }
0xa0: {  	[sflag:s22] =	ssyncadd.s32 s4;
	_ =	sdelay $0x1  }
0xa1: {  	s23 =	simm.s32 $0x1B8B  }
0xa2: {  	_ =	swait.ge [sflag:s23], $0x1  }
0xa3: {  	[sflag:s23] =	ssyncset.done $0x0  }
0xa4: {  	s25 =	simm.s32 $0x1B8E;
	s24 =	sld [smem:$0x3FFE];
	[sflag:s23] =	ssyncadd.s32 $0xFFFFFFFF  }
0xa5: {  	s26 =	simm.s32 $execute0_lowered;
	[smem:$0x3FD2] =	sst s25  }
0xa6: {  	s5 =	sshll.u32 s26, $0x1;
	_ =	strace $0x8000004C;
	[dreg:$0x1] =	wrdreg $0xFFFFFFFF  }
0xa7: {  	s28 =	simm.s32 $_size_execute0_lowered;
	s3 =	sadd.s32 s3, s5;
	[dreg:$0x0] =	wrdreg $0x0  }
0xa8: {  	s5 =	sshll.u32 s28, $0x1;
	[dreg:$0x2] =	wrdreg s3  }
0xa9: {  	[dreg:$0x3] =	wrdreg s5  }
0xaa: {  	[dreg:$0x4] =	wrdreg $0xC0  }
0xab: {  	_ =	task [dreg:s7], $0x5FFFF  }
0xac: {  	[dreg:$0x1] =	wrdreg $0xFFFFFFFF  }
0xad: {  	[dreg:$0x0] =	wrdreg $0x60  }
0xae: {  	[dreg:$0x2] =	wrdreg s2  }
0xaf: {  	[dreg:$0x3] =	wrdreg s24  }
0xb0: {  	[dreg:$0x4] =	wrdreg $0x0  }
0xb1: {  	[dreg:$0x5] =	wrdreg $0x9  }
0xb2: {  	_ =	task.clear_ibuf [dreg:s7], $0x6FFFF;
	_ =	strace $0x9000004C  }
0xb3: {  	s29 =	simm.s32 $0x9;
	_ =	strace $0x8000004E  }
0xb4: {  	_ =	swait.ge [sflag:s29], $0x1  }
0xb5: {  	[sflag:s29] =	ssyncadd.s32 $0xFFFFFFFF  }
0xb6: {  	_ =	strace $0x9000004E  }
0xb7: {  	_ =	sfence  }
0xb8: {  	s30 =	sld [smem:$0x0];
	_ =	sdelay $0x2  }
0xb9: {  	s31 =	sshll.u32 s1, $0xD;
	s1 =	sshrl.u32 s1, $0x2  }
0xba: {  	s3 =	sand.u32 $0x4000, s31;
	s1 =	sadd.s32 s1, s30  }
0xbb: {  	s0 =	sor.u32 s3, s0;
	s1 =	sshll.u32 s1, $0x11  }
0xbc: {  	s0 =	sor.u32 s1, s0  }
0xbd: {  	s0 =	sadd.s32 $0x8F2B, s0  }
0xbe: {  	[sflag:s0] =	ssyncadd.remote.s32 $0x1  }
0xbf: {  	_ =	sfence.sel $0xFFFF  }
0xc0: {  	[dreg:$0x0] =	wrdreg $0xFFFFFFFF;
	(pc) =	sbr.abs _section_cstart, $3  }
0xc1: {  	[dreg:$0x1] =	wrdreg $0xFFFFFFFF  }
0xc2: {  	_ =	task.clear_ibuf [dreg:s7], $0x2FFFF;
	_ =	strace $0x9FFFFFFF  }
0xc3: {  	(tm) =	ssettm $0x7FFFFFFF  }
tec
execute0_lowered:
.L_overlay_start_1:
0x0: {  	(tag) =	ssettag $0x1  }
0x1: {  	s0 =	srdreg.scid;
	s1 =	rddreg [dreg:$0x0]  }
0x2: {  	s12 =	stileid.u32;
	s6 =	rddreg [dreg:$0x1]  }
0x3: {  	s3 =	rddreg [dreg:$0x2];
	s5 =	simm.s32 $0x0;
	s28 =	simm.s32 $0x14080  }
0x4: {  	s29 =	simm.s32 $0x80;
	s30 =	simm.s32 $0x16900;
	s31 =	simm.s32 $0x1A900  }
0x5: {  	s0 =	sand.u32 $0x1, s0;
	[smem:$0x7FF] =	sst s5;
	s10 =	smul.u32 $0x50000, s12  }
0x6: {  	s26 =	sadd.s32 $0xD4200, s6;
	s15 =	sshll.u32 s12, $0x6;
	s2 =	sshll.u32 s0, $0x4  }
0x7: {  	s8 =	smul.u32 $0x140000, s0;
	_ =	strace $0x8000004D;
	s0 =	ssub.s32 $0x2, s0  }
0x8: {  	[dreg:$0x4] =	wrdreg s26;
	s2 =	sor.u32 s12, s2;
	s13 =	sshrl.u32 s0, $0x1  }
0x9: {  	s14 =	sshrl.u32 s10, $0x2;
	s10 =	sor.u32 $0x1C05, s15;
	s4 =	smul.u32 $0x2800, s2  }
0xa: {  	s7 =	sshrl.u32 s8, $0x3;
	s0 =	ssub.s32 s0, s13;
	s13 =	smul.u32 $0x14000, s12  }
0xb: {  	[dreg:$0x5] =	wrdreg s10;
	s11 =	sadd.s32 s7, s6;
	s7 =	sadd.s32 s14, s3  }
0xc: {  	s2 =	sshrl.u32 s4, $0x3;
	s16 =	sadd.s32 s13, s8;
	s17 =	sadd.s32 $0x4000, s13  }
0xd: {  	s12 =	sadd.s32 $0x5C200, s11;
	s20 =	sadd.s32 $0x8000, s13;
	s23 =	sadd.s32 $0xC000, s13  }
0xe: {  	s25 =	sadd.s32 $0x10000, s13;
	s9 =	sadd.s32 s2, s6;
	s6 =	sadd.s32 $0xD6A00, s6  }
0xf: {  	s10 =	sadd.s32 s1, s2;
	s18 =	sadd.s32 s8, s17;
	s21 =	sadd.s32 s8, s20  }
0x10: {  	s22 =	sadd.s32 s20, s3;
	s24 =	sadd.s32 s8, s23;
	s8 =	sadd.s32 s8, s25  }
0x11: {  	s20 =	sadd.s32 s25, s3;
	s25 =	simm.s32 $0x2;
	s9 =	sadd.s32 $0x2200, s9  }
0x12: {  	s2 =	sadd.s32 $0x10, s10;
	s19 =	sshrl.u32 s18, $0x3;
	[dreg:$0xb] =	wrdreg s22  }
0x13: {  	s18 =	sadd.s32 s23, s3;
	s26 =	sshrl.u32 s8, $0x3;
	[dreg:$0x6] =	wrdreg s9  }
0x14: {  	[dreg:$0x7] =	wrdreg s2;
	s2 =	sshrl.u32 s16, $0x3;
	s9 =	sadd.s32 s17, s3  }
0x15: {  	s22 =	smax.u32 s0, $0x1;
	s2 =	sadd.s32 s6, s2;
	[dreg:$0x9] =	wrdreg s9  }
0x16: {  	s23 =	sadd.s32 $0x4E0, s10;
	[dreg:$0x8] =	wrdreg s2;
	s2 =	sadd.s32 s6, s19  }
0x17: {  	s0 =	simm.s32 $0x3;
	s8 =	simm.s32 $0x0;
	[dreg:$0xa] =	wrdreg s2  }
0x18: {  	s2 =	sshrl.u32 s21, $0x3;
	s21 =	sadd.s32 s6, s26;
	s26 =	simm.s32 $0x14000  }
0x19: {  	s17 =	sadd.s32 s6, s2;
	s2 =	sshrl.u32 s24, $0x3;
	s24 =	simm.s32 $0x5  }
0x1a: {  	s19 =	sadd.s32 s6, s2;
	s2 =	simm.s32 $0x1;
	s6 =	simm.s32 $0x4  }
.LBB2_1:
0x1b: {  	s11 =	rddreg [dreg:$0x4]  }
0x1c: {  	s9 =	sshrl.u32 s7, $0x3;
	s13 =	rddreg [dreg:$0x5]  }
0x1d: {  	[spmem:s9], [sflag:s13] =	dma.local [hbm:s11], $0x2800  }
0x1e: {  	_ =	swait.ge [sflag:s24], $0x2800  }
0x1f: {  	[sflag:s24] =	ssyncset.done $0x0  }
0x20: {  	s13 =	simm.s32 $0x14100;
	s11 =	rddreg [dreg:$0x6];
	[sflag:s24] =	ssyncadd.s32 $0xFFFFD800  }
0x21: {  	[tilespmem:s13], [sflag:$0x5] =	stream.linear.gather [hbm4b:s11+s5], $0x2780, $0x38;
	[tilespmem:$0x1E900] =	vst v63  }
0x22: {  	_ =	swait.ge [sflag:s24], $0x2780  }
0x23: {  	[sflag:s24] =	ssyncset.done $0x0  }
0x24: {  	[sflag:s24] =	ssyncadd.s32 $0xFFFFD880  }
0x25: {  	[tilespmem:s26], [sflag:$0x5] =	stream.linear.gather [hbm4b:s10+s5], $0x80, $0x38;
	[tilespmem:$0x1E900] =	vst v63  }
0x26: {  	_ =	swait.ge [sflag:s24], $0x80  }
0x27: {  	[sflag:s24] =	ssyncset.done $0x0  }
0x28: {  	s14 =	rddreg [dreg:$0x7];
	[sflag:s24] =	ssyncadd.s32 $0xFFFFFF80  }
0x29: {  	[tilespmem:s28], [sflag:$0x5] =	stream.linear.gather [hbm4b:s14+s5], $0x80, $0x38;
	[tilespmem:$0x1E900] =	vst v63  }
0x2a: {  	_ =	swait.ge [sflag:s24], $0x80  }
0x2b: {  	[sflag:s24] =	ssyncset.done $0x0  }
0x2c: {  	s15 =	simm.s32 $0x100;
	[sflag:s24] =	ssyncadd.s32 $0xFFFFFF80  }
0x2d: {  	s16 =	sand.u32 $0x7C00, s15;
	[bflag:$0x0] =	sbarrier.arrive $0xFFFF  }
0x2e: {  	[tilespmem:s30], [sflag:$0x1] =	stream.indirect.gather [hbm4b:s12+s29], $0x80, s26, s29, $0xb8;
	[tilespmem:$0x1E900] =	vst v63  }
0x2f: {  	s9 =	sand.u32 $0x300, s15;
	s11 =	sadd.s32 s4, s16  }
0x30: {  	[tilespmem:s31], [sflag:$0x2] =	stream.indirect.gather [hbm4b:s12+s29], $0x80, s28, s29, $0xb8;
	[tilespmem:$0x1E900] =	vst v63  }
0x31: {  	s9 =	sor.u32 s9, s11;
	_ =	swait.ge [sflag:s2], $0x4000  }
0x32: {  	s9 =	sshrl.u32 s9, $0x3;
	[sflag:s2] =	ssyncset.done $0x0  }
0x33: {  	s9 =	sadd.s32 s1, s9;
	[sflag:s2] =	ssyncadd.s32 $0xFFFFC000  }
0x34: {  	[tilespmem:s26], [sflag:$0x3] =	stream.linear.gather [hbm4b:s9+s5], $0x80, $0x38;
	[tilespmem:$0x1E900] =	vst v63  }
0x35: {  	s13 =	simm.s32 $0x14100  }
0x36: {  	[spmem:s3] =	stream.indirect.scatter.add.f32 [tilespmem:s30], [sflag:$0x5], $0x80, s13, s29, $0xb8;
	[tilespmem:$0x1E900] =	vst v63  }
0x37: {  	_ =	swait.ge [sflag:s24], $0x4000  }
0x38: {  	[sflag:s24] =	ssyncset.done $0x0  }
0x39: {  	[sflag:s24] =	ssyncadd.s32 $0xFFFFC000  }
0x3a: {  	s14 =	simm.s32 $0x180;
	_ =	swait.ge [sflag:s0], $0x80  }
0x3b: {  	s15 =	sand.u32 $0x7C00, s14;
	[sflag:s0] =	ssyncset.done $0x0  }
0x3c: {  	s11 =	sadd.s32 s4, s15;
	s9 =	sand.u32 $0x380, s14;
	[sflag:s0] =	ssyncadd.s32 $0xFFFFFF80  }
0x3d: {  	[tilespmem:s30], [sflag:$0x1] =	stream.indirect.gather [hbm4b:s12+s29], $0x80, s26, s29, $0xb8;
	[tilespmem:$0x1E900] =	vst v63  }
0x3e: {  	s9 =	sor.u32 s9, s11;
	_ =	swait.ge [sflag:s25], $0x4000  }
0x3f: {  	s9 =	sshrl.u32 s9, $0x3;
	[sflag:s25] =	ssyncset.done $0x0  }
0x40: {  	s9 =	sadd.s32 s1, s9;
	[sflag:s25] =	ssyncadd.s32 $0xFFFFC000  }
0x41: {  	[tilespmem:s28], [sflag:$0x4] =	stream.linear.gather [hbm4b:s9+s5], $0x80, $0x38;
	[tilespmem:$0x1E900] =	vst v63  }
0x42: {  	s16 =	simm.s32 $0x14180  }
0x43: {  	[spmem:s3] =	stream.indirect.scatter.add.f32 [tilespmem:s31], [sflag:$0x5], $0x80, s16, s29, $0xb8;
	[tilespmem:$0x1E900] =	vst v63  }
0x44: {  	s11 =	simm.s32 $0x280;
	_ =	swait.ge [sflag:s24], $0x4000  }
0x45: {  	s13 =	simm.s32 $0x380;
	s9 =	simm.s32 $0x14280;
	[sflag:s24] =	ssyncset.done $0x0  }
.LBB2_2:
0x46: {  	s15 =	sadd.s32 $0xFFFFFF80, s11  }
0x47: {  	[sflag:s24] =	ssyncadd.s32 $0xFFFFC000;
	s16 =	smov.u32 s13;
	s14 =	sadd.s32 $0x100, s13  }
0x48: {  	p0 =	sne.s32 s13, $0x2680;
	s13 =	sand.u32 $0x7C00, s15;
	_ =	swait.ge [sflag:s6], $0x80  }
0x49: {  	s15 =	sand.u32 $0x300, s15;
	s13 =	sadd.s32 s4, s13;
	[sflag:s6] =	ssyncset.done $0x0  }
0x4a: {  	s13 =	sor.u32 s15, s13;
	[sflag:s6] =	ssyncadd.s32 $0xFFFFFF80  }
0x4b: {  	s13 =	sshrl.u32 s13, $0x3  }
0x4c: {  	[tilespmem:s31], [sflag:$0x2] =	stream.indirect.gather [hbm4b:s12+s29], $0x80, s28, s29, $0xb8;
	[tilespmem:$0x1E900] =	vst v63  }
0x4d: {  	_ =	swait.ge [sflag:s2], $0x4000  }
0x4e: {  	s13 =	sadd.s32 s1, s13;
	[sflag:s2] =	ssyncset.done $0x0  }
0x4f: {  	s15 =	sadd.s32 $0xFFFFFF80, s9;
	[sflag:s2] =	ssyncadd.s32 $0xFFFFC000  }
0x50: {  	[tilespmem:s26], [sflag:$0x3] =	stream.linear.gather [hbm4b:s13+s5], $0x80, $0x38;
	[tilespmem:$0x1E900] =	vst v63  }
0x51: {  	_ = 	snop  }
0x52: {  	[spmem:s3] =	stream.indirect.scatter.add.f32 [tilespmem:s30], [sflag:$0x5], $0x80, s15, s29, $0xb8;
	[tilespmem:$0x1E900] =	vst v63  }
0x53: {  	_ =	swait.ge [sflag:s24], $0x4000  }
0x54: {  	[sflag:s24] =	ssyncset.done $0x0  }
0x55: {  	s13 =	sand.u32 $0x7C00, s11;
	[sflag:s24] =	ssyncadd.s32 $0xFFFFC000  }
0x56: {  	s11 =	sand.u32 $0x380, s11;
	s13 =	sadd.s32 s4, s13;
	_ =	swait.ge [sflag:s0], $0x80  }
0x57: {  	s13 =	sor.u32 s11, s13;
	s11 =	smov.u32 s16;
	[sflag:s0] =	ssyncset.done $0x0  }
0x58: {  	s13 =	sshrl.u32 s13, $0x3;
	[sflag:s0] =	ssyncadd.s32 $0xFFFFFF80  }
0x59: {  	[tilespmem:s30], [sflag:$0x1] =	stream.indirect.gather [hbm4b:s12+s29], $0x80, s26, s29, $0xb8;
	[tilespmem:$0x1E900] =	vst v63  }
0x5a: {  	_ =	swait.ge [sflag:s25], $0x4000  }
0x5b: {  	[sflag:s25] =	ssyncset.done $0x0  }
0x5c: {  	s13 =	sadd.s32 s1, s13;
	[sflag:s25] =	ssyncadd.s32 $0xFFFFC000  }
0x5d: {  	[tilespmem:s28], [sflag:$0x4] =	stream.linear.gather [hbm4b:s13+s5], $0x80, $0x38;
	[tilespmem:$0x1E900] =	vst v63  }
.Ltmp0:
0x5e: {  	_ = 	snop;
	(pc) =	sbr.rel @p0 .LBB2_2-.Ltmp0, $4  }
0x5f: {  	_ = 	snop  }
0x60: {  	[spmem:s3] =	stream.indirect.scatter.add.f32 [tilespmem:s31], [sflag:$0x5], $0x80, s9, s29, $0xb8;
	[tilespmem:$0x1E900] =	vst v63  }
0x61: {  	_ =	swait.ge [sflag:s24], $0x4000  }
0x62: {  	s13 =	smov.u32 s14;
	s9 =	sadd.s32 $0x100, s9;
	[sflag:s24] =	ssyncset.done $0x0  }
0x63: {  	[sflag:s24] =	ssyncadd.s32 $0xFFFFC000  }
0x64: {  	s13 =	sadd.s32 $0xFFFFFF80, s11;
	_ =	swait.ge [sflag:s6], $0x80  }
0x65: {  	s14 =	sand.u32 $0x7C00, s13;
	[sflag:s6] =	ssyncset.done $0x0  }
0x66: {  	s13 =	sand.u32 $0x300, s13;
	s14 =	sadd.s32 s4, s14;
	[sflag:s6] =	ssyncadd.s32 $0xFFFFFF80  }
0x67: {  	[tilespmem:s31], [sflag:$0x2] =	stream.indirect.gather [hbm4b:s12+s29], $0x80, s28, s29, $0xb8;
	[tilespmem:$0x1E900] =	vst v63  }
0x68: {  	s13 =	sor.u32 s13, s14;
	_ =	swait.ge [sflag:s2], $0x4000  }
0x69: {  	s13 =	sshrl.u32 s13, $0x3;
	[sflag:s2] =	ssyncset.done $0x0  }
0x6a: {  	s13 =	sadd.s32 s1, s13;
	[sflag:s2] =	ssyncadd.s32 $0xFFFFC000  }
0x6b: {  	[tilespmem:s26], [sflag:$0x3] =	stream.linear.gather [hbm4b:s13+s5], $0x80, $0x38;
	[tilespmem:$0x1E900] =	vst v63  }
0x6c: {  	s15 =	sadd.s32 $0xFFFFFF80, s9  }
0x6d: {  	[spmem:s3] =	stream.indirect.scatter.add.f32 [tilespmem:s30], [sflag:$0x5], $0x80, s15, s29, $0xb8;
	[tilespmem:$0x1E900] =	vst v63  }
0x6e: {  	_ =	swait.ge [sflag:s24], $0x4000  }
0x6f: {  	[sflag:s24] =	ssyncset.done $0x0  }
0x70: {  	[sflag:s24] =	ssyncadd.s32 $0xFFFFC000  }
0x71: {  	_ =	swait.ge [sflag:s0], $0x80  }
0x72: {  	s16 =	sand.u32 $0x7C00, s11;
	[sflag:s0] =	ssyncset.done $0x0  }
0x73: {  	s14 =	sand.u32 $0x380, s11;
	s13 =	sadd.s32 s4, s16;
	[sflag:s0] =	ssyncadd.s32 $0xFFFFFF80  }
0x74: {  	[tilespmem:s30], [sflag:$0x1] =	stream.indirect.gather [hbm4b:s12+s29], $0x80, s26, s29, $0xb8;
	[tilespmem:$0x1E900] =	vst v63  }
0x75: {  	s11 =	sor.u32 s14, s13;
	_ =	swait.ge [sflag:s25], $0x4000  }
0x76: {  	s11 =	sshrl.u32 s11, $0x3;
	[sflag:s25] =	ssyncset.done $0x0  }
0x77: {  	s11 =	sadd.s32 s1, s11;
	[sflag:s25] =	ssyncadd.s32 $0xFFFFC000  }
0x78: {  	[tilespmem:s28], [sflag:$0x4] =	stream.linear.gather [hbm4b:s11+s5], $0x80, $0x38;
	[tilespmem:$0x1E900] =	vst v63  }
0x79: {  	_ = 	snop  }
0x7a: {  	[spmem:s3] =	stream.indirect.scatter.add.f32 [tilespmem:s31], [sflag:$0x5], $0x80, s9, s29, $0xb8;
	[tilespmem:$0x1E900] =	vst v63  }
0x7b: {  	_ =	swait.ge [sflag:s24], $0x4000  }
0x7c: {  	[sflag:s24] =	ssyncset.done $0x0  }
0x7d: {  	[sflag:s24] =	ssyncadd.s32 $0xFFFFC000  }
0x7e: {  	_ =	swait.ge [sflag:s6], $0x80  }
0x7f: {  	[sflag:s6] =	ssyncset.done $0x0  }
0x80: {  	[sflag:s6] =	ssyncadd.s32 $0xFFFFFF80  }
0x81: {  	[tilespmem:s31], [sflag:$0x2] =	stream.indirect.gather [hbm4b:s12+s29], $0x80, s28, s29, $0xb8;
	[tilespmem:$0x1E900] =	vst v63  }
0x82: {  	_ =	swait.ge [sflag:s2], $0x4000  }
0x83: {  	[sflag:s2] =	ssyncset.done $0x0  }
0x84: {  	[sflag:s2] =	ssyncadd.s32 $0xFFFFC000  }
0x85: {  	[tilespmem:s26], [sflag:$0x3] =	stream.linear.gather [hbm4b:s23+s5], $0x80, $0x38;
	[tilespmem:$0x1E900] =	vst v63  }
0x86: {  	s15 =	simm.s32 $0x16700  }
0x87: {  	[spmem:s3] =	stream.indirect.scatter.add.f32 [tilespmem:s30], [sflag:$0x5], $0x80, s15, s29, $0xb8;
	[tilespmem:$0x1E900] =	vst v63  }
0x88: {  	_ =	swait.ge [sflag:s24], $0x4000  }
0x89: {  	[sflag:s24] =	ssyncset.done $0x0  }
0x8a: {  	[sflag:s24] =	ssyncadd.s32 $0xFFFFC000  }
0x8b: {  	_ =	swait.ge [sflag:s0], $0x80  }
0x8c: {  	[sflag:s0] =	ssyncset.done $0x0  }
0x8d: {  	[sflag:s0] =	ssyncadd.s32 $0xFFFFFF80  }
0x8e: {  	[tilespmem:s30], [sflag:$0x1] =	stream.indirect.gather [hbm4b:s12+s29], $0x80, s26, s29, $0xb8;
	[tilespmem:$0x1E900] =	vst v63  }
0x8f: {  	_ =	swait.ge [sflag:s25], $0x4000  }
0x90: {  	[sflag:s25] =	ssyncset.done $0x0  }
0x91: {  	[sflag:s25] =	ssyncadd.s32 $0xFFFFC000  }
0x92: {  	[tilespmem:s28], [sflag:$0x4] =	stream.linear.gather [hbm4b:s23+s5], $0x80, $0x38;
	[tilespmem:$0x1E900] =	vst v63  }
0x93: {  	s16 =	simm.s32 $0x16780  }
0x94: {  	[spmem:s3] =	stream.indirect.scatter.add.f32 [tilespmem:s31], [sflag:$0x5], $0x80, s16, s29, $0xb8;
	[tilespmem:$0x1E900] =	vst v63  }
0x95: {  	_ =	swait.ge [sflag:s24], $0x4000  }
0x96: {  	[sflag:s24] =	ssyncset.done $0x0  }
0x97: {  	[sflag:s24] =	ssyncadd.s32 $0xFFFFC000  }
0x98: {  	_ =	swait.ge [sflag:s6], $0x80  }
0x99: {  	[sflag:s6] =	ssyncset.done $0x0  }
0x9a: {  	[sflag:s6] =	ssyncadd.s32 $0xFFFFFF80  }
0x9b: {  	_ =	swait.ge [sflag:s2], $0x4000  }
0x9c: {  	[sflag:s2] =	ssyncset.done $0x0  }
0x9d: {  	s11 =	simm.s32 $0x16800;
	[sflag:s2] =	ssyncadd.s32 $0xFFFFC000  }
0x9e: {  	[spmem:s3] =	stream.indirect.scatter.add.f32 [tilespmem:s30], [sflag:$0x5], $0x80, s11, s29, $0xb8;
	[tilespmem:$0x1E900] =	vst v63  }
0x9f: {  	_ =	swait.ge [sflag:s24], $0x4000  }
0xa0: {  	[sflag:s24] =	ssyncset.done $0x0  }
0xa1: {  	[sflag:s24] =	ssyncadd.s32 $0xFFFFC000  }
0xa2: {  	[bflag:$0x0] =	sbarrier.arrive $0xFFFF  }
0xa3: {  	[tilespmem:s30], [sflag:$0x5] =	stream.linear.gather [spmem:s7], $0x4000, $0x38;
	[tilespmem:$0x1E900] =	vst v63  }
0xa4: {  	_ =	swait.ge [sflag:s24], $0x4000  }
0xa5: {  	[sflag:s24] =	ssyncset.done $0x0  }
0xa6: {  	s13 =	rddreg [dreg:$0x8];
	[sflag:s24] =	ssyncadd.s32 $0xFFFFC000  }
0xa7: {  	[hbm4b:s13+s5] =	stream.linear.scatter [tilespmem:s30], [sflag:$0x5], $0x4000, $0x38;
	[tilespmem:$0x1E900] =	vst v63  }
0xa8: {  	_ =	swait.ge [sflag:s24], $0x4000  }
0xa9: {  	[sflag:s24] =	ssyncset.done $0x0  }
0xaa: {  	s14 =	rddreg [dreg:$0x9];
	[sflag:s24] =	ssyncadd.s32 $0xFFFFC000  }
0xab: {  	[tilespmem:s30], [sflag:$0x5] =	stream.linear.gather [spmem:s14], $0x4000, $0x38;
	[tilespmem:$0x1E900] =	vst v63  }
0xac: {  	_ =	swait.ge [sflag:s24], $0x4000  }
0xad: {  	[sflag:s24] =	ssyncset.done $0x0  }
0xae: {  	s15 =	rddreg [dreg:$0xa];
	[sflag:s24] =	ssyncadd.s32 $0xFFFFC000  }
0xaf: {  	[hbm4b:s15+s5] =	stream.linear.scatter [tilespmem:s30], [sflag:$0x5], $0x4000, $0x38;
	[tilespmem:$0x1E900] =	vst v63  }
0xb0: {  	_ =	swait.ge [sflag:s24], $0x4000  }
0xb1: {  	[sflag:s24] =	ssyncset.done $0x0  }
0xb2: {  	s16 =	rddreg [dreg:$0xb];
	[sflag:s24] =	ssyncadd.s32 $0xFFFFC000  }
0xb3: {  	[tilespmem:s30], [sflag:$0x5] =	stream.linear.gather [spmem:s16], $0x4000, $0x38;
	[tilespmem:$0x1E900] =	vst v63  }
0xb4: {  	_ =	swait.ge [sflag:s24], $0x4000  }
0xb5: {  	[sflag:s24] =	ssyncset.done $0x0  }
0xb6: {  	[sflag:s24] =	ssyncadd.s32 $0xFFFFC000  }
0xb7: {  	[hbm4b:s17+s5] =	stream.linear.scatter [tilespmem:s30], [sflag:$0x5], $0x4000, $0x38;
	[tilespmem:$0x1E900] =	vst v63  }
0xb8: {  	_ =	swait.ge [sflag:s24], $0x4000  }
0xb9: {  	[sflag:s24] =	ssyncset.done $0x0  }
0xba: {  	[sflag:s24] =	ssyncadd.s32 $0xFFFFC000  }
0xbb: {  	[tilespmem:s30], [sflag:$0x5] =	stream.linear.gather [spmem:s18], $0x4000, $0x38;
	[tilespmem:$0x1E900] =	vst v63  }
0xbc: {  	_ =	swait.ge [sflag:s24], $0x4000  }
0xbd: {  	[sflag:s24] =	ssyncset.done $0x0  }
0xbe: {  	[sflag:s24] =	ssyncadd.s32 $0xFFFFC000  }
0xbf: {  	[hbm4b:s19+s5] =	stream.linear.scatter [tilespmem:s30], [sflag:$0x5], $0x4000, $0x38;
	[tilespmem:$0x1E900] =	vst v63  }
0xc0: {  	_ =	swait.ge [sflag:s24], $0x4000  }
0xc1: {  	[sflag:s24] =	ssyncset.done $0x0  }
0xc2: {  	[sflag:s24] =	ssyncadd.s32 $0xFFFFC000  }
0xc3: {  	[tilespmem:s30], [sflag:$0x5] =	stream.linear.gather [spmem:s20], $0x4000, $0x38;
	[tilespmem:$0x1E900] =	vst v63  }
0xc4: {  	s8 =	sadd.s32 $0x1, s8;
	_ =	swait.ge [sflag:s24], $0x4000  }
0xc5: {  	p0 =	sne.s32 s8, s22;
	[sflag:s24] =	ssyncset.done $0x0  }
.Ltmp1:
0xc6: {  	[sflag:s24] =	ssyncadd.s32 $0xFFFFC000;
	(pc) =	sbr.rel @p0 .LBB2_1-.Ltmp1, $4  }
0xc7: {  	[hbm4b:s21+s5] =	stream.linear.scatter [tilespmem:s30], [sflag:$0x5], $0x4000, $0x38;
	[tilespmem:$0x1E900] =	vst v63  }
0xc8: {  	_ =	swait.ge [sflag:s24], $0x4000  }
0xc9: {  	[sflag:s24] =	ssyncset.done $0x0  }
0xca: {  	[sflag:s24] =	ssyncadd.s32 $0xFFFFC000  }
0xcb: {  	_ =	sfence.sel $0x180000  }
0xcc: {  	[bflag:$0x0] =	sbarrier.arrive $0xFFFF  }
0xcd: {  	_ =	strace $0x9000004D  }
0xce: {  	s0 =	stileid.u32;
	[bflag:$0x2] =	sbarrier.arrive $0xFFFF  }
0xcf: {  	p0 =	sne.s32 s0, $0x0;
	s0 =	rddreg [dreg:$0x3]  }
0xd0: {  	s0 =	sadd.s32 @!p0 $0x100000, s0  }
0xd1: {  	[sflag:s0] =	ssyncadd.tile.s32 @!p0 $0x1;
	_ =	shalt  }
.Lfunc_end2:
_tile_overlayer_lowered:
.L_overlay_start_2:
0xd2: {  	(tag) =	ssettag $0x2  }
0xd3: {  	s0 =	rddreg [dreg:$0x0];
	s2 =	stileid.u32  }
0xd4: {  	s1 =	rddreg [dreg:$0x1];
	p0 =	sne.s32 s2, $0x0  }
0xd5: {  	s3 =	rddreg [dreg:$0x2];
	[bflag:$0x3] =	sbarrier.arrive $0xFFFF;
	s2 =	simm.s32 @!p0 $0x1C05  }
0xd6: {  	[timem:s3], [sflag:s2] =	dma.local @!p0 [hbm:s0], s1  }
0xd7: {  	s0 =	simm.s32 @!p0 $0x5  }
0xd8: {  	_ =	swait.ge @!p0 [sflag:s0], s1  }
0xd9: {  	s1 =	ssub.s32 @!p0 $0x0, s1;
	[sflag:s0] =	ssyncset.done @!p0 $0x0  }
0xda: {  	[sflag:s0] =	ssyncadd.s32 @!p0 s1  }
0xdb: {  	[bflag:$0x3] =	sbarrier.arrive $0xFFFF  }
0xdc: {  	_ =	shalt  }

// kernel: kernel.8.cloned.1.call-start
scs
__scs_entry_jumppad:
0x0: {  	(pc) =	sbr.rel $0x88, $3  }
0x1: {  	(tag) =	ssettag $0x0;
	lr =	simm.s32 $0x1  }
0x2: {  	[smem:$0x3F9B] =	sst lr;
	_ =	strace $0xD0000000  }
0x3: {  	_ = 	snop  }
0x4: {  	_ = 	snop  }
0x5: {  	_ = 	snop  }
0x6: {  	_ = 	snop  }
0x7: {  	_ = 	snop  }
__scs_overlays_trampoline_lowered:
0x8: {  	[smem:$0x3FAA] =	sst s0  }
0x9: {  	[smem:$0x3FAB] =	sst s1  }
0xa: {  	[smem:$0x3FAC] =	sst s2  }
0xb: {  	[smem:$0x3FAD] =	sst s3  }
0xc: {  	[smem:$0x3FAE] =	sst s4  }
0xd: {  	[smem:$0x3FAF] =	sst s5  }
0xe: {  	[smem:$0x3FB0] =	sst s6  }
0xf: {  	[smem:$0x3FB1] =	sst s7  }
0x10: {  	[smem:$0x3FB2] =	sst s8  }
0x11: {  	[smem:$0x3FB3] =	sst s9;
	s0 =	simm.s32 @!p0 $0x0  }
0x12: {  	s1 =	sld [smem:$0x3F99];
	s0 =	simm.s32 @p0 $0x1  }
0x13: {  	[smem:$0x3FB4] =	sst s0;
	s0 =	simm.s32 @!p1 $0x0  }
0x14: {  	s2 =	sld [smem:$0x3F98];
	s0 =	simm.s32 @p1 $0x1  }
0x15: {  	[smem:$0x3FB5] =	sst s0;
	s0 =	simm.s32 @!p2 $0x0  }
0x16: {  	s3 =	sld [smem:$0x3FDB];
	s0 =	simm.s32 @p2 $0x1  }
0x17: {  	s4 =	simm.s32 $0x1BF5;
	[smem:$0x3FB7] =	sst s0  }
0x18: {  	s0 =	sld [smem:$0x3F9A];
	_ =	swait.ge [sflag:s4], $0x0  }
0x19: {  	s7 =	sld [smem:$0x3F9B]  }
0x1a: {  	s8 =	sadd.s32 $0xFFFFE003, lr  }
0x1b: {  	s9 =	sadd.s32 $0xFFFFFEF7, lr;
	s5 =	simm.s32 $0xFFFFFFFF;
	p2 =	slt.u32 s8, $0xFFFFF086  }
0x1c: {  	p1 =	slt.u32 s9, $0xF7A;
	s5 =	simm.s32 @!p2 $0x0  }
0x1d: {  	s5 =	simm.s32 @p1 $0x1;
	p0 =	seq.s32 s7, s2  }
0x1e: {  	s7 =	smul.u32 @!p0 $0xF7A, s2;
	p2 =	seq.s32 @!p0 s5, $0x0  }
0x1f: {  	s9 =	smul.u32 $0xF7A, s1;
	s8 =	simm.s32 @!p0 $0x1BF5;
	p2 =	por !p2, p0  }
0x20: {  	[sflag:s8] =	ssyncset.s32 @!p0 $0xFFFFF086;
	s6 =	sadd.s32 @!p0 s3, s7;
	s7 =	simm.s32 @!p0 $0x108  }
0x21: {  	s3 =	sadd.s32 s3, s9;
	s6 =	sadd.s32 @!p0 $0x88, s6;
	s7 =	simm.s32 @p2 $0x1082  }
0x22: {  	[simem:s7], [sflag:s8] =	dma.local @!p0 [hbm:s6], $0xF7A  }
0x23: {  	s9 =	sor.u32 $0xD0000000, s2;
	s6 =	simm.s32 $0x108;
	_ =	swait.ge @!p0 [sflag:s8], $0x0  }
0x24: {  	s3 =	sadd.s32 $0x88, s3;
	s6 =	simm.s32 @!p1 $0x1082;
	[sflag:s4] =	ssyncset.s32 $0xFFFFF086  }
0x25: {  	[simem:s6], [sflag:s4] =	dma.local [hbm:s3], $0xF7A  }
0x26: {  	[smem:$0x3F9B] =	sst s1;
	(tag) =	ssettag s2;
	_ =	strace s9  }
0x27: {  	s1 =	sld [smem:$0x3FAB]  }
0x28: {  	s2 =	sld [smem:$0x3FAC]  }
0x29: {  	s4 =	sld [smem:$0x3FAE]  }
0x2a: {  	p0 =	seq.s32 s5, $0x0;
	s5 =	sld [smem:$0x3FAF]  }
0x2b: {  	s6 =	sld [smem:$0x3FB0]  }
0x2c: {  	s7 =	sld [smem:$0x3FB1]  }
0x2d: {  	s3 =	simm.s32 $0x108;
	s8 =	sld [smem:$0x3FB2]  }
0x2e: {  	s3 =	simm.s32 @!p0 $0x1082;
	s9 =	sld [smem:$0x3FB3]  }
0x2f: {  	lr =	sadd.s32 s0, s3;
	s0 =	sld [smem:$0x3FAA]  }
0x30: {  	s3 =	sld [smem:$0x3FAD]  }
0x31: {  	[smem:$0x3FB6] =	sst s10  }
0x32: {  	s10 =	sld [smem:$0x3FB4];
	_ =	sdelay $0x3  }
0x33: {  	p0 =	seq.s32 s10, $0x1;
	s10 =	sld [smem:$0x3FB6];
	_ =	sdelay $0x3  }
0x34: {  	[smem:$0x3FB6] =	sst s10  }
0x35: {  	s10 =	sld [smem:$0x3FB5];
	_ =	sdelay $0x3  }
0x36: {  	p1 =	seq.s32 s10, $0x1;
	s10 =	sld [smem:$0x3FB6];
	_ =	sdelay $0x3  }
0x37: {  	[smem:$0x3FB6] =	sst s10  }
0x38: {  	s10 =	sld [smem:$0x3FB7]  }
0x39: {  	_ = 	snop;
	(pc) =	sbr.ind lr, $3  }
0x3a: {  	_ = 	snop  }
0x3b: {  	_ = 	snop  }
0x3c: {  	p2 =	seq.s32 s10, $0x1;
	s10 =	sld [smem:$0x3FB6]  }
0x3d: {  	_ =	shalt  }
0x3e: {  	_ =	shalt  }
0x3f: {  	_ =	shalt  }
0x40: {  	_ =	shalt  }
0x41: {  	_ =	shalt  }
0x42: {  	_ =	shalt  }
0x43: {  	_ =	shalt  }
0x44: {  	_ =	shalt  }
0x45: {  	_ =	shalt  }
0x46: {  	_ =	shalt  }
0x47: {  	_ =	shalt  }
0x48: {  	_ =	shalt  }
0x49: {  	_ =	shalt  }
0x4a: {  	_ =	shalt  }
0x4b: {  	_ =	shalt  }
0x4c: {  	_ =	shalt  }
0x4d: {  	_ =	shalt  }
0x4e: {  	_ =	shalt  }
0x4f: {  	_ =	shalt  }
0x50: {  	_ =	shalt  }
0x51: {  	_ =	shalt  }
0x52: {  	_ =	shalt  }
0x53: {  	_ =	shalt  }
0x54: {  	_ =	shalt  }
0x55: {  	_ =	shalt  }
0x56: {  	_ =	shalt  }
0x57: {  	_ =	shalt  }
0x58: {  	_ =	shalt  }
0x59: {  	_ =	shalt  }
0x5a: {  	_ =	shalt  }
0x5b: {  	_ =	shalt  }
0x5c: {  	_ =	shalt  }
0x5d: {  	_ =	shalt  }
0x5e: {  	_ =	shalt  }
0x5f: {  	_ =	shalt  }
0x60: {  	_ =	shalt  }
0x61: {  	_ =	shalt  }
0x62: {  	_ =	shalt  }
0x63: {  	_ =	shalt  }
0x64: {  	_ =	shalt  }
0x65: {  	_ =	shalt  }
0x66: {  	_ =	shalt  }
0x67: {  	_ =	shalt  }
0x68: {  	_ =	shalt  }
0x69: {  	_ =	shalt  }
0x6a: {  	_ =	shalt  }
0x6b: {  	_ =	shalt  }
0x6c: {  	_ =	shalt  }
0x6d: {  	_ =	shalt  }
0x6e: {  	_ =	shalt  }
0x6f: {  	_ =	shalt  }
0x70: {  	_ =	shalt  }
0x71: {  	_ =	shalt  }
0x72: {  	_ =	shalt  }
0x73: {  	_ =	shalt  }
0x74: {  	_ =	shalt  }
0x75: {  	_ =	shalt  }
0x76: {  	_ =	shalt  }
0x77: {  	_ =	shalt  }
0x78: {  	_ =	shalt  }
0x79: {  	_ =	shalt  }
0x7a: {  	_ =	shalt  }
0x7b: {  	_ =	shalt  }
0x7c: {  	_ =	shalt  }
0x7d: {  	_ =	shalt  }
0x7e: {  	_ =	shalt  }
0x7f: {  	_ =	shalt  }
0x80: {  	_ =	shalt  }
0x81: {  	_ =	shalt  }
0x82: {  	_ =	shalt  }
0x83: {  	_ =	shalt  }
0x84: {  	_ =	shalt  }
0x85: {  	_ =	shalt  }
0x86: {  	_ =	shalt  }
0x87: {  	_ =	shalt  }
.Lfunc_end0:
.L_simem_size_0:
called_computation_lowered:
.L_overlay_start_0:
0x88: {  	s2 =	sld [smem:$0x3FD9]  }
0x89: {  	s3 =	sld [smem:$0x3FFE];
	_ =	sdelay $0x1  }
0x8a: {  	s1 =	srdreg.scid  }
0x8b: {  	s0 =	sand.u32 $0x1, s1  }
0x8c: {  	s16 =	sshll.u32 s0, $0xA;
	s2 =	sadd.s32 s3, s2  }
0x8d: {  	s2 =	sadd.s32 s2, s16  }
0x8e: {  	[smem:$0x3FC2] =	sst s2  }
0x8f: {  	_ = 	snop  }
0x90: {  	(tm) =	ssettm $0x1  }
0x91: {  	s17 =	sld [smem:$0x3FFB];
	_ =	sdelay $0x3  }
0x92: {  	_ =	strace s17  }
0x93: {  	s2 =	sld [smem:$0x3FFC];
	_ =	sdelay $0x3  }
0x94: {  	_ =	strace s2  }
0x95: {  	s2 =	sld [smem:$0x3FFD];
	_ =	sdelay $0x3  }
0x96: {  	_ =	strace s2  }
0x97: {  	_ =	strace $0x8FFFFFFF  }
0x98: {  	s18 =	sld [smem:$0x3FDB];
	_ =	sdelay $0x1  }
0x99: {  	s19 =	simm.s32 $_scs_section_size  }
0x9a: {  	s4 =	simm.s32 $_size__tile_overlayer_lowered;
	s5 =	simm.s32 $_tile_overlayer_lowered  }
0x9b: {  	s22 =	simm.s32 $0x1BFF;
	s21 =	sshll.u32 s5, $0x1;
	s2 =	sadd.s32 s19, s18  }
0x9c: {  	s6 =	simm.s32 $0x0;
	s20 =	sshll.u32 s4, $0x1;
	s4 =	sadd.s32 s21, s2  }
0x9d: {  	[timem:s6], [sflag:s22] =	dma.local [hbm:s4], s20  }
0x9e: {  	_ =	swait.ge [sflag:s22], s20  }
0x9f: {  	s3 =	ssub.s32 $0x0, s20;
	[sflag:s22] =	ssyncset.done $0x0  }
0xa0: {  	[sflag:s22] =	ssyncadd.s32 s3;
	_ =	sdelay $0x1  }
0xa1: {  	s23 =	simm.s32 $0x1B8B  }
0xa2: {  	_ =	swait.ge [sflag:s23], $0x1  }
0xa3: {  	[sflag:s23] =	ssyncset.done $0x0  }
0xa4: {  	s25 =	simm.s32 $0x1B8E;
	s24 =	sld [smem:$0x3FFE];
	[sflag:s23] =	ssyncadd.s32 $0xFFFFFFFF  }
0xa5: {  	s26 =	simm.s32 $execute0_lowered;
	[smem:$0x3FD2] =	sst s25  }
0xa6: {  	s4 =	sshll.u32 s26, $0x1;
	_ =	strace $0x80000046;
	[dreg:$0x1] =	wrdreg $0xFFFFFFFF  }
0xa7: {  	s28 =	simm.s32 $_size_execute0_lowered;
	s2 =	sadd.s32 s2, s4;
	[dreg:$0x0] =	wrdreg $0x0  }
0xa8: {  	s4 =	sshll.u32 s28, $0x1;
	[dreg:$0x2] =	wrdreg s2  }
0xa9: {  	[dreg:$0x3] =	wrdreg s4  }
0xaa: {  	[dreg:$0x4] =	wrdreg $0xC0  }
0xab: {  	_ =	task [dreg:s6], $0x5FFFF  }
0xac: {  	[dreg:$0x1] =	wrdreg $0xFFFFFFFF  }
0xad: {  	[dreg:$0x0] =	wrdreg $0x60  }
0xae: {  	[dreg:$0x2] =	wrdreg s24  }
0xaf: {  	[dreg:$0x3] =	wrdreg $0x0  }
0xb0: {  	[dreg:$0x4] =	wrdreg $0x9  }
0xb1: {  	_ =	task.clear_ibuf [dreg:s6], $0x5FFFF;
	_ =	strace $0x90000046  }
0xb2: {  	s29 =	simm.s32 $0x9;
	_ =	strace $0x80000048  }
0xb3: {  	_ =	swait.ge [sflag:s29], $0x1  }
0xb4: {  	[sflag:s29] =	ssyncadd.s32 $0xFFFFFFFF  }
0xb5: {  	_ =	strace $0x90000048  }
0xb6: {  	_ =	sfence  }
0xb7: {  	s30 =	sld [smem:$0x0];
	_ =	sdelay $0x2  }
0xb8: {  	s31 =	sshll.u32 s1, $0xD;
	s1 =	sshrl.u32 s1, $0x2  }
0xb9: {  	s3 =	sand.u32 $0x4000, s31;
	s1 =	sadd.s32 s1, s30  }
0xba: {  	s0 =	sor.u32 s3, s0;
	s1 =	sshll.u32 s1, $0x11  }
0xbb: {  	s0 =	sor.u32 s1, s0  }
0xbc: {  	s0 =	sadd.s32 $0x8F2B, s0  }
0xbd: {  	[sflag:s0] =	ssyncadd.remote.s32 $0x1  }
0xbe: {  	_ =	sfence.sel $0xFFFF  }
0xbf: {  	[dreg:$0x0] =	wrdreg $0xFFFFFFFF;
	(pc) =	sbr.abs _section_cstart, $3  }
0xc0: {  	[dreg:$0x1] =	wrdreg $0xFFFFFFFF  }
0xc1: {  	_ =	task.clear_ibuf [dreg:s6], $0x2FFFF;
	_ =	strace $0x9FFFFFFF  }
0xc2: {  	(tm) =	ssettm $0x7FFFFFFF  }
0xc3: {  	_ =	shalt  }
tec
execute0_lowered:
.L_overlay_start_1:
0x0: {  	(tag) =	ssettag $0x1  }
0x1: {  	s0 =	srdreg.scid;
	s6 =	rddreg [dreg:$0x0]  }
0x2: {  	s2 =	rddreg [dreg:$0x1];
	s3 =	simm.s32 $0x0;
	s12 =	simm.s32 $0x280  }
0x3: {  	s13 =	simm.s32 $0x80;
	s14 =	simm.s32 $0x2A80;
	s15 =	simm.s32 $0x2B00  }
0x4: {  	s16 =	simm.s32 $0x100;
	s5 =	sand.u32 $0x1, s0;
	s0 =	stileid.u32  }
0x5: {  	s17 =	simm.s32 $0x0;
	[smem:$0x7FF] =	sst s3;
	s7 =	smul.u32 $0x500, s0  }
0x6: {  	s1 =	sshll.u32 s5, $0x4;
	s8 =	sshll.u32 s5, $0x7;
	s28 =	smul.u32 $0xA00, s0  }
0x7: {  	s5 =	ssub.s32 $0x2, s5;
	s31 =	sshll.u32 s0, $0x6;
	s4 =	sor.u32 s0, s1  }
0x8: {  	s1 =	rddreg [dreg:$0x2];
	_ =	strace $0x80000047;
	s29 =	sshrl.u32 s5, $0x1  }
0x9: {  	s4 =	smul.u32 $0x500, s4;
	s7 =	sor.u32 s8, s7;
	s30 =	sshrl.u32 s28, $0x2  }
0xa: {  	s11 =	ssub.s32 s5, s29;
	s7 =	sshrl.u32 s7, $0x3;
	s5 =	sadd.s32 s30, s2  }
0xb: {  	s9 =	sadd.s32 s4, s6;
	s4 =	sadd.s32 $0xC200, s6;
	s10 =	sadd.s32 s7, s6  }
0xc: {  	s6 =	sor.u32 $0x1C01, s31;
	s7 =	sadd.s32 $0x2200, s9;
	s8 =	sadd.s32 $0xC400, s10  }
0xd: {  	v0 =	vimm.f32 $1.000000000e+00;
	s9 =	smax.u32 s11, $0x1;
	s10 =	sshrl.u32 s5, $0x3;
	s11 =	simm.s32 $0x1  }
.LBB2_1:
0xe: {  	[spmem:s10], [sflag:s6] =	dma.local [hbm:s4], $0x50  }
0xf: {  	_ =	swait.ge [sflag:s11], $0x50  }
0x10: {  	[sflag:s11] =	ssyncset.done $0x0  }
0x11: {  	[sflag:s11] =	ssyncadd.s32 $0xFFFFFFB0  }
0x12: {  	[tilespmem:$0x2A80] =	vst v0  }
0x13: {  	[tilespmem:$0x2A90] =	vst v0  }
0x14: {  	[tilespmem:$0x2AA0] =	vst v0  }
0x15: {  	[tilespmem:$0x2AB0] =	vst v0  }
0x16: {  	[tilespmem:$0x2AC0] =	vst v0  }
0x17: {  	[tilespmem:$0x2AD0] =	vst v0  }
0x18: {  	[tilespmem:$0x2AE0] =	vst v0  }
0x19: {  	[tilespmem:$0x2AF0] =	vst v0  }
0x1a: {  	[tilespmem:s12], [sflag:$0x1] =	stream.linear.gather [hbm4b:s7+s3], $0x2780, $0x38;
	[tilespmem:$0x2D80] =	vst v63  }
0x1b: {  	_ =	swait.ge [sflag:s11], $0x2780  }
0x1c: {  	[sflag:s11] =	ssyncset.done $0x0  }
0x1d: {  	[sflag:s11] =	ssyncadd.s32 $0xFFFFD880  }
0x1e: {  	s18 =	simm.s32 $0x280;
	[bflag:$0x0] =	sbarrier.arrive $0xFFFF  }
0x1f: {  	[spmem:s2] =	stream.indirect.scatter.add.f32 [tilespmem:s14], [sflag:$0x1], $0x1, s18, s13, $0xb8;
	[tilespmem:$0x2D80] =	vst v63  }
0x20: {  	s18 =	simm.s32 $0x200;
	_ =	swait.ge [sflag:s11], $0x80  }
.LBB2_2:
0x21: {  	s19 =	sshra.s32 s18, $0x2;
	[sflag:s11] =	ssyncset.done $0x0;
	p0 =	sne.s32 s18, $0x9C00  }
.Ltmp0:
0x22: {  	s19 =	sadd.s32 $0x280, s19;
	[sflag:s11] =	ssyncadd.s32 $0xFFFFFF80;
	(pc) =	sbr.rel @p0 .LBB2_2-.Ltmp0, $3  }
0x23: {  	[spmem:s2] =	stream.indirect.scatter.add.f32 [tilespmem:s14], [sflag:$0x1], $0x1, s19, s13, $0xb8;
	[tilespmem:$0x2D80] =	vst v63  }
0x24: {  	s18 =	sadd.s32 $0x200, s18;
	_ =	sdelay $0x1  }
0x25: {  	_ =	swait.ge [sflag:s11], $0x80  }
0x26: {  	[sflag:s11] =	ssyncset.done $0x0  }
0x27: {  	[sflag:s11] =	ssyncadd.s32 $0xFFFFFF80  }
0x28: {  	[bflag:$0x0] =	sbarrier.arrive $0xFFFF  }
0x29: {  	[tilespmem:s15], [sflag:$0x1] =	stream.linear.gather [spmem:s5], $0x280, $0x38;
	[tilespmem:$0x2D80] =	vst v63  }
0x2a: {  	s17 =	sadd.s32 $0x1, s17;
	_ =	swait.ge [sflag:s11], $0x280  }
0x2b: {  	p0 =	sne.s32 s17, s9;
	[sflag:s11] =	ssyncset.done $0x0  }
.Ltmp1:
0x2c: {  	[sflag:s11] =	ssyncadd.s32 $0xFFFFFD80;
	(pc) =	sbr.rel @p0 .LBB2_1-.Ltmp1, $4  }
0x2d: {  	[hbm4b:s8+s13] =	stream.strided.scatter [tilespmem:s15], [sflag:$0x1], $0x280, s16, s13, $0x38;
	[tilespmem:$0x2D80] =	vst v63  }
0x2e: {  	_ =	swait.ge [sflag:s11], $0x280  }
0x2f: {  	[sflag:s11] =	ssyncset.done $0x0  }
0x30: {  	[sflag:s11] =	ssyncadd.s32 $0xFFFFFD80  }
0x31: {  	_ =	sfence.sel $0x180000  }
0x32: {  	[bflag:$0x0] =	sbarrier.arrive $0xFFFF  }
0x33: {  	p0 =	sne.s32 s0, $0x0;
	_ =	strace $0x90000047  }
0x34: {  	s0 =	sadd.s32 @!p0 $0x100000, s1;
	[bflag:$0x2] =	sbarrier.arrive $0xFFFF  }
0x35: {  	[sflag:s0] =	ssyncadd.tile.s32 @!p0 $0x1;
	_ =	shalt  }
.Lfunc_end2:
_tile_overlayer_lowered:
.L_overlay_start_2:
0x36: {  	(tag) =	ssettag $0x2  }
0x37: {  	s0 =	rddreg [dreg:$0x0];
	s2 =	stileid.u32  }
0x38: {  	s1 =	rddreg [dreg:$0x1];
	p0 =	sne.s32 s2, $0x0  }
0x39: {  	s3 =	rddreg [dreg:$0x2];
	[bflag:$0x3] =	sbarrier.arrive $0xFFFF;
	s2 =	simm.s32 @!p0 $0x1C01  }
0x3a: {  	[timem:s3], [sflag:s2] =	dma.local @!p0 [hbm:s0], s1  }
0x3b: {  	s0 =	simm.s32 @!p0 $0x1  }
0x3c: {  	_ =	swait.ge @!p0 [sflag:s0], s1  }
0x3d: {  	s1 =	ssub.s32 @!p0 $0x0, s1;
	[sflag:s0] =	ssyncset.done @!p0 $0x0  }
0x3e: {  	[sflag:s0] =	ssyncadd.s32 @!p0 s1  }
0x3f: {  	[bflag:$0x3] =	sbarrier.arrive $0xFFFF  }
0x40: {  	_ =	shalt  }

</sc_bundles>
